<compile_context>
chip_gen: v7x
topology: tpu7x:2x2x1
jax: 0.10.2.dev20260603
libtpu: 0.0.44.dev20260713+nightly
codegen_flags: <defaults>
</compile_context>

<pallas_src>
import jax
import jax.numpy as jnp
from jax import lax
from jax.experimental import pallas as pl
from jax.experimental.pallas import tpu as pltpu
from jax.experimental.pallas import tpu_sc as plsc

_N = 10000
_E = 320000
_D = 128

_NC = 2
_NS = 16
_NW = _NC * _NS
_EPW = _E // _NW
_CHUNK = 125
_NCHUNK = _EPW // _CHUNK
_ISLOT = 20
_NSLOT = _NCHUNK // _ISLOT
_RPT = 632
_RPT_LAST = _N - (_NS - 1) * _RPT


def _pre_body(c_ref, x_ref, w_ref, b_ref, o_ref):
    c = c_ref[0, 0]
    sq = jnp.sqrt(c)
    xb = x_ref[...]
    nrm = jnp.sqrt(jnp.sum(xb * xb, axis=-1, keepdims=True))
    z = sq * nrm
    atanh_z = 0.5 * jnp.log((1.0 + z) / (1.0 - z))
    t = ((2.0 / sq) * atanh_z / nrm) * xb
    o_ref[...] = lax.dot_general(
        t, w_ref[...], (((1,), (1,)), ((), ())),
        preferred_element_type=jnp.float32) + b_ref[...]


def _post_body(c_ref, s_ref, k_ref, o_ref):
    c = c_ref[0, 0]
    sq = jnp.sqrt(c)
    v = (s_ref[0] + s_ref[1]) / jnp.maximum(k_ref[0] + k_ref[1], 1.0)
    nrm = jnp.sqrt(jnp.sum(v * v, axis=-1, keepdims=True))
    o_ref[...] = jnp.tanh(sq * nrm * 0.5) * v / (sq * nrm)


def _sc_body(table, eidx, zrow, zcnt, ones_h,
             sums_out, cnts_out,
             sr0, sr1, dr0, dr1, buf0, buf1, onesv,
             sem0, sem1, csem0, csem1, isem,
             acc, cacc):
    src_ring = (sr0, sr1)
    dst_ring = (dr0, dr1)
    cid = lax.axis_index("c")
    sid = lax.axis_index("s")
    wid = sid * _NC + cid

    pltpu.async_copy(eidx.at[0, wid, 0], src_ring[0], isem)
    pltpu.async_copy(eidx.at[1, wid, 0], dst_ring[0], isem)

    @pl.when(sid < _NS - 1)
    def _():
        pltpu.sync_copy(zrow.at[pl.ds(sid * _RPT, _RPT)],
                        acc.at[pl.ds(sid * _RPT, _RPT)])

    @pl.when(sid == _NS - 1)
    def _():
        pltpu.sync_copy(zrow.at[pl.ds((_NS - 1) * _RPT, _RPT_LAST)],
                        acc.at[pl.ds((_NS - 1) * _RPT, _RPT_LAST)])

    @pl.when(sid == 0)
    def _():
        pltpu.sync_copy(zcnt, cacc)

    pltpu.sync_copy(ones_h, onesv)
    pltpu.make_async_copy(eidx.at[0, wid, 0], src_ring[0], isem).wait()
    pltpu.make_async_copy(eidx.at[1, wid, 0], dst_ring[0], isem).wait()
    plsc.subcore_barrier()

    def wait_count(rc, l, csem):
        pltpu.make_async_copy(onesv, cacc.at[dst_ring[rc].at[l]], csem).wait()

    def step(rc, l, buf, sem, csem, pf, cw):
        pltpu.make_async_copy(table.at[src_ring[rc].at[l]], buf, sem).wait()
        pltpu.sync_copy(buf, acc.at[dst_ring[rc].at[l]], add=True)
        if pf is not None:
            pfc, pfl = pf
            pltpu.async_copy(table.at[src_ring[pfc].at[pfl]], buf, sem)
        if cw is not None:
            cond, cl = cw
            if cond is True:
                wait_count(rc, cl, csem)
            else:
                @pl.when(cond)
                def _():
                    wait_count(rc, cl, csem)
        pltpu.async_copy(onesv, cacc.at[dst_ring[rc].at[l]], csem, add=True)

    pltpu.async_copy(table.at[src_ring[0].at[0]], buf0, sem0)
    pltpu.async_copy(table.at[src_ring[0].at[1]], buf1, sem1)

    for s in range(_NSLOT):
        cur = s % 2
        nxt = (s + 1) % 2
        if s > 0:
            wait_count(nxt, _ISLOT - 2, csem0)
            wait_count(nxt, _ISLOT - 1, csem1)
        if s + 1 < _NSLOT:
            pltpu.async_copy(eidx.at[0, wid, s + 1], src_ring[nxt], isem)
            pltpu.async_copy(eidx.at[1, wid, s + 1], dst_ring[nxt], isem)

        def pair(i, carry, cur=cur):
            l0 = 2 * i
            l1 = l0 + 1
            step(cur, l0, buf0, sem0, csem0, (cur, l0 + 2), (i >= 1, l0 - 2))
            step(cur, l1, buf1, sem1, csem1, (cur, l1 + 2), (i >= 1, l1 - 2))
            return carry

        lax.fori_loop(0, _ISLOT // 2 - 1, pair, 0)

        if s + 1 < _NSLOT:
            pltpu.make_async_copy(eidx.at[0, wid, s + 1], src_ring[nxt], isem).wait()
            pltpu.make_async_copy(eidx.at[1, wid, s + 1], dst_ring[nxt], isem).wait()
            step(cur, _ISLOT - 2, buf0, sem0, csem0, (nxt, 0),
                 (True, _ISLOT - 4))
            step(cur, _ISLOT - 1, buf1, sem1, csem1, (nxt, 1),
                 (True, _ISLOT - 3))
        else:
            step(cur, _ISLOT - 2, buf0, sem0, csem0, None, (True, _ISLOT - 4))
            step(cur, _ISLOT - 1, buf1, sem1, csem1, None, (True, _ISLOT - 3))

    wait_count(1, _ISLOT - 2, csem0)
    wait_count(1, _ISLOT - 1, csem1)

    plsc.subcore_barrier()

    @pl.when(sid < _NS - 1)
    def _():
        pltpu.sync_copy(acc.at[pl.ds(sid * _RPT, _RPT)],
                        sums_out.at[cid, pl.ds(sid * _RPT, _RPT)])

    @pl.when(sid == _NS - 1)
    def _():
        pltpu.sync_copy(acc.at[pl.ds((_NS - 1) * _RPT, _RPT_LAST)],
                        sums_out.at[cid, pl.ds((_NS - 1) * _RPT, _RPT_LAST)])

    @pl.when(sid == 0)
    def _():
        pltpu.sync_copy(cacc, cnts_out.at[cid])


def kernel(x, edge_index, W, b, curvature):
    c2d = jnp.reshape(curvature, (1, 1)).astype(jnp.float32)

    transformed = pl.pallas_call(
        _pre_body,
        grid=(10,),
        in_specs=[
            pl.BlockSpec((1, 1), lambda i: (0, 0), memory_space=pltpu.SMEM),
            pl.BlockSpec((_N // 10, _D), lambda i: (i, 0)),
            pl.BlockSpec((_D, _D), lambda i: (0, 0)),
            pl.BlockSpec((1, _D), lambda i: (0, 0)),
        ],
        out_specs=pl.BlockSpec((_N // 10, _D), lambda i: (i, 0)),
        out_shape=jax.ShapeDtypeStruct((_N, _D), jnp.float32),
    )(c2d, x, W, jnp.reshape(b, (1, _D)))

    eidx = edge_index.reshape(2, _NW, _NSLOT, _ISLOT, _CHUNK)
    zrow = jnp.zeros((_N, _D), jnp.float32)
    zcnt = jnp.zeros((_N,), jnp.float32)
    ones_h = jnp.ones((_CHUNK,), jnp.float32)

    sc = pl.kernel(
        _sc_body,
        out_type=[jax.ShapeDtypeStruct((_NC, _N, _D), jnp.float32),
                  jax.ShapeDtypeStruct((_NC, _N), jnp.float32)],
        mesh=plsc.VectorSubcoreMesh(core_axis_name="c", subcore_axis_name="s"),
        scratch_types=[
            pltpu.VMEM((_ISLOT, _CHUNK), jnp.int32),
            pltpu.VMEM((_ISLOT, _CHUNK), jnp.int32),
            pltpu.VMEM((_ISLOT, _CHUNK), jnp.int32),
            pltpu.VMEM((_ISLOT, _CHUNK), jnp.int32),
            pltpu.VMEM((_CHUNK, _D), jnp.float32),
            pltpu.VMEM((_CHUNK, _D), jnp.float32),
            pltpu.VMEM((_CHUNK,), jnp.float32),
            pltpu.SemaphoreType.DMA,
            pltpu.SemaphoreType.DMA,
            pltpu.SemaphoreType.DMA,
            pltpu.SemaphoreType.DMA,
            pltpu.SemaphoreType.DMA,
            pltpu.VMEM_SHARED((_N, _D), jnp.float32),
            pltpu.VMEM_SHARED((_N,), jnp.float32),
        ],
    )
    ps, pc = sc(transformed, eidx, zrow, zcnt, ones_h)

    cnt = pc.reshape(_NC, _N, 1)
    out = pl.pallas_call(
        _post_body,
        grid=(10,),
        in_specs=[
            pl.BlockSpec((1, 1), lambda i: (0, 0), memory_space=pltpu.SMEM),
            pl.BlockSpec((_NC, _N // 10, _D), lambda i: (0, i, 0)),
            pl.BlockSpec((_NC, _N // 10, 1), lambda i: (0, i, 0)),
        ],
        out_specs=pl.BlockSpec((_N // 10, _D), lambda i: (i, 0)),
        out_shape=jax.ShapeDtypeStruct((_N, _D), jnp.float32),
    )(c2d, ps, cnt)
    return out

# --- scband reference (transcript-rebuilt; emitter-appended) ---
"""Pipeline reference for scband-hyperbolic-graph-conv-47596827574586 (READ-ONLY COPY).

The authoritative reference and input builder live on the scoring server;
editing this copy changes nothing except your own understanding.
"""

import jax, jax.numpy as jnp
import numpy as np

N_NODES = 10000
N_EDGES = 320000
D_IN = 128
D_OUT = 128


def mobius_addition(x, y, c):
    xy_dot = jnp.sum(x * y, axis=-1, keepdims=True)
    x_norm_sq = jnp.sum(x ** 2, axis=-1, keepdims=True)
    y_norm_sq = jnp.sum(y ** 2, axis=-1, keepdims=True)
    numerator = (1 + 2 * c * xy_dot + c * y_norm_sq) * x + (1 - c * x_norm_sq) * y
    denominator = 1 + 2 * c * xy_dot + c * c * x_norm_sq * y_norm_sq
    return numerator / denominator


def exp_map(x, v, c):
    v_norm = jnp.linalg.norm(v, axis=-1, keepdims=True)
    second_term = jnp.tanh(jnp.sqrt(c) * v_norm / 2) * v / (jnp.sqrt(c) * v_norm)
    return mobius_addition(x, second_term, c)


def log_map(x, y, c):
    addition = mobius_addition(-x, y, c)
    addition_norm = jnp.linalg.norm(addition, axis=-1, keepdims=True)
    return 2 / jnp.sqrt(c) * jnp.arctanh(jnp.sqrt(c) * addition_norm) * addition / addition_norm


def setup_inputs(seed: int = 0) -> dict:
    key = jax.random.key(seed)
    k1, k2, k3, k4 = jax.random.split(key, 4)
    # scale so points lie strictly inside the Poincare ball (atanh domain: sqrt(c)*||x|| < 1)
    x = jax.random.normal(k1, (N_NODES, D_IN), dtype=jnp.float32) * 0.01
    edge_index = jax.random.randint(k2, (2, N_EDGES), 0, N_NODES, dtype=jnp.int32)
    W = jax.random.normal(k3, (D_OUT, D_IN), dtype=jnp.float32) * (1.0 / np.sqrt(D_IN))
    b = jax.random.normal(k4, (D_OUT,), dtype=jnp.float32) * 0.01
    curvature = jnp.float32(1.0)
    return {"x": x, "edge_index": edge_index, "W": W, "b": b, "curvature": curvature}


def reference(x, edge_index, W, b, curvature):
    origin = jnp.zeros((1, x.shape[-1]), dtype=x.dtype)
    # map node features from hyperbolic space to tangent space at origin
    tangent_x = log_map(origin, x, curvature)
    # linear transform in tangent space
    transformed_x = tangent_x @ W.T + b
    # message passing: copy_u('h','m') + mean('m','neigh')  (mean over incoming edges at dst)
    src = edge_index[0]
    dst = edge_index[1]
    msgs = jnp.take(transformed_x, src, axis=0)
    summed = jax.ops.segment_sum(msgs, dst, num_segments=N_NODES)
    counts = jax.ops.segment_sum(jnp.ones((msgs.shape[0],), dtype=x.dtype), dst, num_segments=N_NODES)
    neigh_x = summed / jnp.maximum(counts, 1.0)[:, None]
    # map aggregated tangent vectors back to hyperbolic space
    new_x = exp_map(jnp.zeros((1, neigh_x.shape[-1]), dtype=x.dtype), neigh_x, curvature)
    return new_x

if __name__ == "__main__":
    import jax
    _d = setup_inputs()
    print(jax.jit(kernel)(*tuple(_d.values())))

</pallas_src>

<mosaic_0001>
#map = affine_map<(d0, d1) -> (0, 0)>
#map1 = affine_map<(d0, d1) -> (0, 0, 0, 0, 0)>
#map2 = affine_map<(d0, d1) -> (0)>
#map3 = affine_map<(d0, d1) -> (0, 0, 0)>
module attributes {stable_mosaic.version = 14 : i64} {
  func.func @_sc_body(%arg0: i32, %arg1: i32, %arg2: memref<10000x128xf32, #tpu.memory_space<hbm>>, %arg3: memref<2x32x4x20x125xi32, #tpu.memory_space<hbm>>, %arg4: memref<10000x128xf32, #tpu.memory_space<hbm>>, %arg5: memref<10000xf32, #tpu.memory_space<hbm>>, %arg6: memref<125xf32, #tpu.memory_space<hbm>>, %arg7: memref<2x10000x128xf32, #tpu.memory_space<hbm>>, %arg8: memref<2x10000xf32, #tpu.memory_space<hbm>>, %arg9: memref<20x125xi32, #tpu.memory_space<vmem>>, %arg10: memref<20x125xi32, #tpu.memory_space<vmem>>, %arg11: memref<20x125xi32, #tpu.memory_space<vmem>>, %arg12: memref<20x125xi32, #tpu.memory_space<vmem>>, %arg13: memref<125x128xf32, #tpu.memory_space<vmem>>, %arg14: memref<125x128xf32, #tpu.memory_space<vmem>>, %arg15: memref<125xf32, #tpu.memory_space<vmem>>, %arg16: memref<!tpu.dma_semaphore, #tpu.memory_space<semaphore_mem>>, %arg17: memref<!tpu.dma_semaphore, #tpu.memory_space<semaphore_mem>>, %arg18: memref<!tpu.dma_semaphore, #tpu.memory_space<semaphore_mem>>, %arg19: memref<!tpu.dma_semaphore, #tpu.memory_space<semaphore_mem>>, %arg20: memref<!tpu.dma_semaphore, #tpu.memory_space<semaphore_mem>>, %arg21: memref<10000x128xf32, #tpu.memory_space<vmem_shared>>, %arg22: memref<10000xf32, #tpu.memory_space<vmem_shared>>) attributes {dimension_semantics = [#tpu.dimension_semantics<core_parallel>, #tpu.dimension_semantics<subcore_parallel>], iteration_bounds = array<i64: 2, 16>, scalar_prefetch = 0 : i64, scratch_operands = 14 : i64, tpu.core_type = #tpu.core_type<sc_vector_subcore>, window_params = [{transform_indices = #map}, {transform_indices = #map1}, {transform_indices = #map}, {transform_indices = #map2}, {transform_indices = #map2}, {transform_indices = #map3}, {transform_indices = #map}]} {
    %mul3A = arith.constant 2 : i32
    %mul3A_0 = arith.muli %arg1, %mul3A : i32
    %add3A = arith.addi %mul3A_0, %arg0 : i32
    %dma_start3A = arith.constant 0 : i32
    %dma_start3A_1 = arith.constant 0 : i32
    %dma_start3A_2 = arith.constant 0 : i32
    %dma_start3A_3 = arith.constant 0 : i32
    %dma_start3A_4 = tpu.memref_slice %arg3[%dma_start3A, %add3A, %dma_start3A_1, %dma_start3A_2, %dma_start3A_3] : memref<2x32x4x20x125xi32, #tpu.memory_space<hbm>> -> memref<1x1x1x20x125xi32, #tpu.memory_space<hbm>>
    %dma_start3A_5 = tpu.memref_squeeze %dma_start3A_4 : memref<1x1x1x20x125xi32, #tpu.memory_space<hbm>> -> memref<20x125xi32, #tpu.memory_space<hbm>>
    %dma_start3A_6 = arith.constant 0 : i32
    %dma_start3A_7 = arith.constant 0 : i32
    %dma_start3A_8 = tpu.memref_slice %arg3[%dma_start3A, %add3A, %dma_start3A_1, %dma_start3A_6, %dma_start3A_7] : memref<2x32x4x20x125xi32, #tpu.memory_space<hbm>> -> memref<1x1x1x20x125xi32, #tpu.memory_space<hbm>>
    %dma_start3A_9 = tpu.memref_squeeze %dma_start3A_8 : memref<1x1x1x20x125xi32, #tpu.memory_space<hbm>> -> memref<20x125xi32, #tpu.memory_space<hbm>>
    tpu.enqueue_dma source(%dma_start3A_9 : memref<20x125xi32, #tpu.memory_space<hbm>>) target(%arg9 : memref<20x125xi32, #tpu.memory_space<vmem>>) target_semaphore(%arg20 : memref<!tpu.dma_semaphore, #tpu.memory_space<semaphore_mem>>)
    %dma_start3A_10 = arith.constant 1 : i32
    %dma_start3A_11 = arith.constant 0 : i32
    %dma_start3A_12 = arith.constant 0 : i32
    %dma_start3A_13 = arith.constant 0 : i32
    %dma_start3A_14 = tpu.memref_slice %arg3[%dma_start3A_10, %add3A, %dma_start3A_11, %dma_start3A_12, %dma_start3A_13] : memref<2x32x4x20x125xi32, #tpu.memory_space<hbm>> -> memref<1x1x1x20x125xi32, #tpu.memory_space<hbm>>
    %dma_start3A_15 = tpu.memref_squeeze %dma_start3A_14 : memref<1x1x1x20x125xi32, #tpu.memory_space<hbm>> -> memref<20x125xi32, #tpu.memory_space<hbm>>
    %dma_start3A_16 = arith.constant 0 : i32
    %dma_start3A_17 = arith.constant 0 : i32
    %dma_start3A_18 = tpu.memref_slice %arg3[%dma_start3A_10, %add3A, %dma_start3A_11, %dma_start3A_16, %dma_start3A_17] : memref<2x32x4x20x125xi32, #tpu.memory_space<hbm>> -> memref<1x1x1x20x125xi32, #tpu.memory_space<hbm>>
    %dma_start3A_19 = tpu.memref_squeeze %dma_start3A_18 : memref<1x1x1x20x125xi32, #tpu.memory_space<hbm>> -> memref<20x125xi32, #tpu.memory_space<hbm>>
    tpu.enqueue_dma source(%dma_start3A_19 : memref<20x125xi32, #tpu.memory_space<hbm>>) target(%arg11 : memref<20x125xi32, #tpu.memory_space<vmem>>) target_semaphore(%arg20 : memref<!tpu.dma_semaphore, #tpu.memory_space<semaphore_mem>>)
    %lt3A = arith.constant 15 : i32
    %lt3A_20 = arith.cmpi slt, %arg1, %lt3A : i32
    %convert_element_type3A = arith.extui %lt3A_20 : i1 to i32
    %cond3A = arith.constant 0 : i32
    %cond3A_21 = arith.cmpi ne, %convert_element_type3A, %cond3A : i32
    scf.if %cond3A_21 {
      %mul3A_472 = arith.constant 632 : i32
      %mul3A_473 = arith.muli %arg1, %mul3A_472 : i32
      %mul3A_474 = arith.constant 632 : i32
      %mul3A_475 = arith.muli %arg1, %mul3A_474 : i32
      "tpu.region"() ({
        %run_scoped3A_476 = tpu.sem_alloc : memref<!tpu.dma_semaphore, #tpu.memory_space<semaphore_mem>>
        %dma_start3A_477 = arith.constant 0 : i32
        %dma_start3A_478 = tpu.memref_slice %arg21[%mul3A_475, %dma_start3A_477] : memref<10000x128xf32, #tpu.memory_space<vmem_shared>> -> memref<632x128xf32, #tpu.memory_space<vmem_shared>>
        %dma_start3A_479 = arith.constant 0 : i32
        %dma_start3A_480 = tpu.memref_slice %arg4[%mul3A_473, %dma_start3A_479] : memref<10000x128xf32, #tpu.memory_space<hbm>> -> memref<632x128xf32, #tpu.memory_space<hbm>>
        tpu.enqueue_dma source(%dma_start3A_480 : memref<632x128xf32, #tpu.memory_space<hbm>>) target(%dma_start3A_478 : memref<632x128xf32, #tpu.memory_space<vmem_shared>>) target_semaphore(%run_scoped3A_476 : memref<!tpu.dma_semaphore, #tpu.memory_space<semaphore_mem>>)
        %dma_wait3A_481 = arith.constant 0 : i32
        %dma_wait3A_482 = tpu.memref_slice %arg21[%mul3A_475, %dma_wait3A_481] : memref<10000x128xf32, #tpu.memory_space<vmem_shared>> -> memref<632x128xf32, #tpu.memory_space<vmem_shared>>
        %dma_wait3A_483 = arith.constant 0 : i32
        %dma_wait3A_484 = tpu.memref_slice %arg4[%mul3A_473, %dma_wait3A_483] : memref<10000x128xf32, #tpu.memory_space<hbm>> -> memref<632x128xf32, #tpu.memory_space<hbm>>
        tpu.wait_dma2 semaphore(%run_scoped3A_476 : memref<!tpu.dma_semaphore, #tpu.memory_space<semaphore_mem>>) src(%dma_wait3A_484 : memref<632x128xf32, #tpu.memory_space<hbm>>) dst(%dma_wait3A_482 : memref<632x128xf32, #tpu.memory_space<vmem_shared>>)
        tpu.yield
      }) : () -> ()
    } else {
    }
    %eq3A = arith.constant 15 : i32
    %eq3A_22 = arith.cmpi eq, %arg1, %eq3A : i32
    %convert_element_type3A_23 = arith.extui %eq3A_22 : i1 to i32
    %cond3A_24 = arith.constant 0 : i32
    %cond3A_25 = arith.cmpi ne, %convert_element_type3A_23, %cond3A_24 : i32
    scf.if %cond3A_25 {
      "tpu.region"() ({
        %run_scoped3A_472 = tpu.sem_alloc : memref<!tpu.dma_semaphore, #tpu.memory_space<semaphore_mem>>
        %dma_start3A_473 = arith.constant 9480 : i32
        %dma_start3A_474 = arith.constant 0 : i32
        %dma_start3A_475 = tpu.memref_slice %arg21[%dma_start3A_473, %dma_start3A_474] : memref<10000x128xf32, #tpu.memory_space<vmem_shared>> -> memref<520x128xf32, #tpu.memory_space<vmem_shared>>
        %dma_start3A_476 = arith.constant 9480 : i32
        %dma_start3A_477 = arith.constant 0 : i32
        %dma_start3A_478 = tpu.memref_slice %arg4[%dma_start3A_476, %dma_start3A_477] : memref<10000x128xf32, #tpu.memory_space<hbm>> -> memref<520x128xf32, #tpu.memory_space<hbm>>
        tpu.enqueue_dma source(%dma_start3A_478 : memref<520x128xf32, #tpu.memory_space<hbm>>) target(%dma_start3A_475 : memref<520x128xf32, #tpu.memory_space<vmem_shared>>) target_semaphore(%run_scoped3A_472 : memref<!tpu.dma_semaphore, #tpu.memory_space<semaphore_mem>>)
        %dma_wait3A_479 = arith.constant 9480 : i32
        %dma_wait3A_480 = arith.constant 0 : i32
        %dma_wait3A_481 = tpu.memref_slice %arg21[%dma_wait3A_479, %dma_wait3A_480] : memref<10000x128xf32, #tpu.memory_space<vmem_shared>> -> memref<520x128xf32, #tpu.memory_space<vmem_shared>>
        %dma_wait3A_482 = arith.constant 9480 : i32
        %dma_wait3A_483 = arith.constant 0 : i32
        %dma_wait3A_484 = tpu.memref_slice %arg4[%dma_wait3A_482, %dma_wait3A_483] : memref<10000x128xf32, #tpu.memory_space<hbm>> -> memref<520x128xf32, #tpu.memory_space<hbm>>
        tpu.wait_dma2 semaphore(%run_scoped3A_472 : memref<!tpu.dma_semaphore, #tpu.memory_space<semaphore_mem>>) src(%dma_wait3A_484 : memref<520x128xf32, #tpu.memory_space<hbm>>) dst(%dma_wait3A_481 : memref<520x128xf32, #tpu.memory_space<vmem_shared>>)
        tpu.yield
      }) : () -> ()
    } else {
    }
    %eq3A_26 = arith.constant 0 : i32
    %eq3A_27 = arith.cmpi eq, %arg1, %eq3A_26 : i32
    %convert_element_type3A_28 = arith.extui %eq3A_27 : i1 to i32
    %cond3A_29 = arith.constant 0 : i32
    %cond3A_30 = arith.cmpi ne, %convert_element_type3A_28, %cond3A_29 : i32
    scf.if %cond3A_30 {
      "tpu.region"() ({
        %run_scoped3A_472 = tpu.sem_alloc : memref<!tpu.dma_semaphore, #tpu.memory_space<semaphore_mem>>
        tpu.enqueue_dma source(%arg5 : memref<10000xf32, #tpu.memory_space<hbm>>) target(%arg22 : memref<10000xf32, #tpu.memory_space<vmem_shared>>) target_semaphore(%run_scoped3A_472 : memref<!tpu.dma_semaphore, #tpu.memory_space<semaphore_mem>>)
        tpu.wait_dma2 semaphore(%run_scoped3A_472 : memref<!tpu.dma_semaphore, #tpu.memory_space<semaphore_mem>>) src(%arg5 : memref<10000xf32, #tpu.memory_space<hbm>>) dst(%arg22 : memref<10000xf32, #tpu.memory_space<vmem_shared>>)
        tpu.yield
      }) : () -> ()
    } else {
    }
    "tpu.region"() ({
      %run_scoped3A_472 = tpu.sem_alloc : memref<!tpu.dma_semaphore, #tpu.memory_space<semaphore_mem>>
      tpu.enqueue_dma source(%arg6 : memref<125xf32, #tpu.memory_space<hbm>>) target(%arg15 : memref<125xf32, #tpu.memory_space<vmem>>) target_semaphore(%run_scoped3A_472 : memref<!tpu.dma_semaphore, #tpu.memory_space<semaphore_mem>>)
      tpu.wait_dma2 semaphore(%run_scoped3A_472 : memref<!tpu.dma_semaphore, #tpu.memory_space<semaphore_mem>>) src(%arg6 : memref<125xf32, #tpu.memory_space<hbm>>) dst(%arg15 : memref<125xf32, #tpu.memory_space<vmem>>)
      tpu.yield
    }) : () -> ()
    %dma_wait3A = arith.constant 0 : i32
    %dma_wait3A_31 = arith.constant 0 : i32
    %dma_wait3A_32 = arith.constant 0 : i32
    %dma_wait3A_33 = arith.constant 0 : i32
    %dma_wait3A_34 = tpu.memref_slice %arg3[%dma_wait3A, %add3A, %dma_wait3A_31, %dma_wait3A_32, %dma_wait3A_33] : memref<2x32x4x20x125xi32, #tpu.memory_space<hbm>> -> memref<1x1x1x20x125xi32, #tpu.memory_space<hbm>>
    %dma_wait3A_35 = tpu.memref_squeeze %dma_wait3A_34 : memref<1x1x1x20x125xi32, #tpu.memory_space<hbm>> -> memref<20x125xi32, #tpu.memory_space<hbm>>
    %dma_wait3A_36 = arith.constant 0 : i32
    %dma_wait3A_37 = arith.constant 0 : i32
    %dma_wait3A_38 = tpu.memref_slice %arg3[%dma_wait3A, %add3A, %dma_wait3A_31, %dma_wait3A_36, %dma_wait3A_37] : memref<2x32x4x20x125xi32, #tpu.memory_space<hbm>> -> memref<1x1x1x20x125xi32, #tpu.memory_space<hbm>>
    %dma_wait3A_39 = tpu.memref_squeeze %dma_wait3A_38 : memref<1x1x1x20x125xi32, #tpu.memory_space<hbm>> -> memref<20x125xi32, #tpu.memory_space<hbm>>
    tpu.wait_dma2 semaphore(%arg20 : memref<!tpu.dma_semaphore, #tpu.memory_space<semaphore_mem>>) src(%dma_wait3A_39 : memref<20x125xi32, #tpu.memory_space<hbm>>) dst(%arg9 : memref<20x125xi32, #tpu.memory_space<vmem>>)
    %dma_wait3A_40 = arith.constant 1 : i32
    %dma_wait3A_41 = arith.constant 0 : i32
    %dma_wait3A_42 = arith.constant 0 : i32
    %dma_wait3A_43 = arith.constant 0 : i32
    %dma_wait3A_44 = tpu.memref_slice %arg3[%dma_wait3A_40, %add3A, %dma_wait3A_41, %dma_wait3A_42, %dma_wait3A_43] : memref<2x32x4x20x125xi32, #tpu.memory_space<hbm>> -> memref<1x1x1x20x125xi32, #tpu.memory_space<hbm>>
    %dma_wait3A_45 = tpu.memref_squeeze %dma_wait3A_44 : memref<1x1x1x20x125xi32, #tpu.memory_space<hbm>> -> memref<20x125xi32, #tpu.memory_space<hbm>>
    %dma_wait3A_46 = arith.constant 0 : i32
    %dma_wait3A_47 = arith.constant 0 : i32
    %dma_wait3A_48 = tpu.memref_slice %arg3[%dma_wait3A_40, %add3A, %dma_wait3A_41, %dma_wait3A_46, %dma_wait3A_47] : memref<2x32x4x20x125xi32, #tpu.memory_space<hbm>> -> memref<1x1x1x20x125xi32, #tpu.memory_space<hbm>>
    %dma_wait3A_49 = tpu.memref_squeeze %dma_wait3A_48 : memref<1x1x1x20x125xi32, #tpu.memory_space<hbm>> -> memref<20x125xi32, #tpu.memory_space<hbm>>
    tpu.wait_dma2 semaphore(%arg20 : memref<!tpu.dma_semaphore, #tpu.memory_space<semaphore_mem>>) src(%dma_wait3A_49 : memref<20x125xi32, #tpu.memory_space<hbm>>) dst(%arg11 : memref<20x125xi32, #tpu.memory_space<vmem>>)
    %barrier3A = arith.constant 0 : index
    tpu.barrier barrier_id(%barrier3A)
    %dma_start3A_50 = arith.constant 0 : i32
    %dma_start3A_51 = arith.constant 0 : i32
    %dma_start3A_52 = tpu.memref_slice %arg9[%dma_start3A_50, %dma_start3A_51] : memref<20x125xi32, #tpu.memory_space<vmem>> -> memref<1x125xi32, #tpu.memory_space<vmem>>
    %dma_start3A_53 = tpu.memref_squeeze %dma_start3A_52 : memref<1x125xi32, #tpu.memory_space<vmem>> -> memref<125xi32, #tpu.memory_space<vmem>>
    %dma_start3A_54 = arith.constant 0 : i32
    %dma_start3A_55 = arith.constant 0 : i32
    %dma_start3A_56 = tpu.memref_slice %arg2[%dma_start3A_54, %dma_start3A_55] : memref<10000x128xf32, #tpu.memory_space<hbm>> -> memref<10000x128xf32, #tpu.memory_space<hbm>>
    tpu.enqueue_indirect_dma source(%dma_start3A_56 : memref<10000x128xf32, #tpu.memory_space<hbm>>) target(%arg13 : memref<125x128xf32, #tpu.memory_space<vmem>>) offsets(%dma_start3A_53 : memref<125xi32, #tpu.memory_space<vmem>>) semaphore(%arg16 : memref<!tpu.dma_semaphore, #tpu.memory_space<semaphore_mem>>)
    %dma_start3A_57 = arith.constant 1 : i32
    %dma_start3A_58 = arith.constant 0 : i32
    %dma_start3A_59 = tpu.memref_slice %arg9[%dma_start3A_57, %dma_start3A_58] : memref<20x125xi32, #tpu.memory_space<vmem>> -> memref<1x125xi32, #tpu.memory_space<vmem>>
    %dma_start3A_60 = tpu.memref_squeeze %dma_start3A_59 : memref<1x125xi32, #tpu.memory_space<vmem>> -> memref<125xi32, #tpu.memory_space<vmem>>
    %dma_start3A_61 = arith.constant 0 : i32
    %dma_start3A_62 = arith.constant 0 : i32
    %dma_start3A_63 = tpu.memref_slice %arg2[%dma_start3A_61, %dma_start3A_62] : memref<10000x128xf32, #tpu.memory_space<hbm>> -> memref<10000x128xf32, #tpu.memory_space<hbm>>
    tpu.enqueue_indirect_dma source(%dma_start3A_63 : memref<10000x128xf32, #tpu.memory_space<hbm>>) target(%arg14 : memref<125x128xf32, #tpu.memory_space<vmem>>) offsets(%dma_start3A_60 : memref<125xi32, #tpu.memory_space<vmem>>) semaphore(%arg17 : memref<!tpu.dma_semaphore, #tpu.memory_space<semaphore_mem>>)
    %dma_start3A_64 = arith.constant 0 : i32
    %dma_start3A_65 = arith.constant 1 : i32
    %dma_start3A_66 = arith.constant 0 : i32
    %dma_start3A_67 = arith.constant 0 : i32
    %dma_start3A_68 = tpu.memref_slice %arg3[%dma_start3A_64, %add3A, %dma_start3A_65, %dma_start3A_66, %dma_start3A_67] : memref<2x32x4x20x125xi32, #tpu.memory_space<hbm>> -> memref<1x1x1x20x125xi32, #tpu.memory_space<hbm>>
    %dma_start3A_69 = tpu.memref_squeeze %dma_start3A_68 : memref<1x1x1x20x125xi32, #tpu.memory_space<hbm>> -> memref<20x125xi32, #tpu.memory_space<hbm>>
    %dma_start3A_70 = arith.constant 0 : i32
    %dma_start3A_71 = arith.constant 0 : i32
    %dma_start3A_72 = tpu.memref_slice %arg3[%dma_start3A_64, %add3A, %dma_start3A_65, %dma_start3A_70, %dma_start3A_71] : memref<2x32x4x20x125xi32, #tpu.memory_space<hbm>> -> memref<1x1x1x20x125xi32, #tpu.memory_space<hbm>>
    %dma_start3A_73 = tpu.memref_squeeze %dma_start3A_72 : memref<1x1x1x20x125xi32, #tpu.memory_space<hbm>> -> memref<20x125xi32, #tpu.memory_space<hbm>>
    tpu.enqueue_dma source(%dma_start3A_73 : memref<20x125xi32, #tpu.memory_space<hbm>>) target(%arg10 : memref<20x125xi32, #tpu.memory_space<vmem>>) target_semaphore(%arg20 : memref<!tpu.dma_semaphore, #tpu.memory_space<semaphore_mem>>)
    %dma_start3A_74 = arith.constant 1 : i32
    %dma_start3A_75 = arith.constant 1 : i32
    %dma_start3A_76 = arith.constant 0 : i32
    %dma_start3A_77 = arith.constant 0 : i32
    %dma_start3A_78 = tpu.memref_slice %arg3[%dma_start3A_74, %add3A, %dma_start3A_75, %dma_start3A_76, %dma_start3A_77] : memref<2x32x4x20x125xi32, #tpu.memory_space<hbm>> -> memref<1x1x1x20x125xi32, #tpu.memory_space<hbm>>
    %dma_start3A_79 = tpu.memref_squeeze %dma_start3A_78 : memref<1x1x1x20x125xi32, #tpu.memory_space<hbm>> -> memref<20x125xi32, #tpu.memory_space<hbm>>
    %dma_start3A_80 = arith.constant 0 : i32
    %dma_start3A_81 = arith.constant 0 : i32
    %dma_start3A_82 = tpu.memref_slice %arg3[%dma_start3A_74, %add3A, %dma_start3A_75, %dma_start3A_80, %dma_start3A_81] : memref<2x32x4x20x125xi32, #tpu.memory_space<hbm>> -> memref<1x1x1x20x125xi32, #tpu.memory_space<hbm>>
    %dma_start3A_83 = tpu.memref_squeeze %dma_start3A_82 : memref<1x1x1x20x125xi32, #tpu.memory_space<hbm>> -> memref<20x125xi32, #tpu.memory_space<hbm>>
    tpu.enqueue_dma source(%dma_start3A_83 : memref<20x125xi32, #tpu.memory_space<hbm>>) target(%arg12 : memref<20x125xi32, #tpu.memory_space<vmem>>) target_semaphore(%arg20 : memref<!tpu.dma_semaphore, #tpu.memory_space<semaphore_mem>>)
    %scan3A = arith.constant 0 : i32
    %scan3A_84 = arith.constant 0 : i32
    %scan3A_85 = arith.constant 9 : i32
    %scan3A_86 = arith.addi %scan3A_84, %scan3A_85 : i32
    %scan3A_87 = arith.constant 1 : i32
    scf.for %scan3A_472 = %scan3A_84 to %scan3A_86 step %scan3A_87  : i32 {
      %mul3A_473 = arith.constant 2 : i32
      %mul3A_474 = arith.muli %mul3A_473, %scan3A_472 : i32
      %add3A_475 = arith.constant 1 : i32
      %add3A_476 = arith.addi %mul3A_474, %add3A_475 : i32
      %add3A_477 = arith.constant 2 : i32
      %add3A_478 = arith.addi %mul3A_474, %add3A_477 : i32
      %ge3A = arith.constant 1 : i32
      %ge3A_479 = arith.cmpi sge, %scan3A_472, %ge3A : i32
      %sub3A = arith.constant 2 : i32
      %sub3A_480 = arith.subi %mul3A_474, %sub3A : i32
      %dma_wait3A_481 = arith.constant 0 : i32
      %dma_wait3A_482 = tpu.memref_slice %arg9[%mul3A_474, %dma_wait3A_481] : memref<20x125xi32, #tpu.memory_space<vmem>> -> memref<1x125xi32, #tpu.memory_space<vmem>>
      %dma_wait3A_483 = tpu.memref_squeeze %dma_wait3A_482 : memref<1x125xi32, #tpu.memory_space<vmem>> -> memref<125xi32, #tpu.memory_space<vmem>>
      %dma_wait3A_484 = arith.constant 0 : i32
      %dma_wait3A_485 = arith.constant 0 : i32
      %dma_wait3A_486 = tpu.memref_slice %arg2[%dma_wait3A_484, %dma_wait3A_485] : memref<10000x128xf32, #tpu.memory_space<hbm>> -> memref<10000x128xf32, #tpu.memory_space<hbm>>
      tpu.wait_indirect_dma semaphore(%arg16 : memref<!tpu.dma_semaphore, #tpu.memory_space<semaphore_mem>>) src(%dma_wait3A_486 : memref<10000x128xf32, #tpu.memory_space<hbm>>) dst(%arg13 : memref<125x128xf32, #tpu.memory_space<vmem>>)
      "tpu.region"() ({
        %run_scoped3A_527 = tpu.sem_alloc : memref<!tpu.dma_semaphore, #tpu.memory_space<semaphore_mem>>
        %dma_start3A_528 = arith.constant 0 : i32
        %dma_start3A_529 = tpu.memref_slice %arg11[%mul3A_474, %dma_start3A_528] : memref<20x125xi32, #tpu.memory_space<vmem>> -> memref<1x125xi32, #tpu.memory_space<vmem>>
        %dma_start3A_530 = tpu.memref_squeeze %dma_start3A_529 : memref<1x125xi32, #tpu.memory_space<vmem>> -> memref<125xi32, #tpu.memory_space<vmem>>
        %dma_start3A_531 = arith.constant 0 : i32
        %dma_start3A_532 = arith.constant 0 : i32
        %dma_start3A_533 = tpu.memref_slice %arg21[%dma_start3A_531, %dma_start3A_532] : memref<10000x128xf32, #tpu.memory_space<vmem_shared>> -> memref<10000x128xf32, #tpu.memory_space<vmem_shared>>
        tpu.enqueue_indirect_dma source(%arg13 : memref<125x128xf32, #tpu.memory_space<vmem>>) target(%dma_start3A_533 : memref<10000x128xf32, #tpu.memory_space<vmem_shared>>) offsets(%dma_start3A_530 : memref<125xi32, #tpu.memory_space<vmem>>) semaphore(%run_scoped3A_527 : memref<!tpu.dma_semaphore, #tpu.memory_space<semaphore_mem>>) {add = true}
        %dma_wait3A_534 = arith.constant 0 : i32
        %dma_wait3A_535 = tpu.memref_slice %arg11[%mul3A_474, %dma_wait3A_534] : memref<20x125xi32, #tpu.memory_space<vmem>> -> memref<1x125xi32, #tpu.memory_space<vmem>>
        %dma_wait3A_536 = tpu.memref_squeeze %dma_wait3A_535 : memref<1x125xi32, #tpu.memory_space<vmem>> -> memref<125xi32, #tpu.memory_space<vmem>>
        %dma_wait3A_537 = arith.constant 0 : i32
        %dma_wait3A_538 = arith.constant 0 : i32
        %dma_wait3A_539 = tpu.memref_slice %arg21[%dma_wait3A_537, %dma_wait3A_538] : memref<10000x128xf32, #tpu.memory_space<vmem_shared>> -> memref<10000x128xf32, #tpu.memory_space<vmem_shared>>
        tpu.wait_indirect_dma semaphore(%run_scoped3A_527 : memref<!tpu.dma_semaphore, #tpu.memory_space<semaphore_mem>>) src(%arg13 : memref<125x128xf32, #tpu.memory_space<vmem>>) dst(%dma_wait3A_539 : memref<10000x128xf32, #tpu.memory_space<vmem_shared>>)
        tpu.yield
      }) : () -> ()
      %dma_start3A_487 = arith.constant 0 : i32
      %dma_start3A_488 = tpu.memref_slice %arg9[%add3A_478, %dma_start3A_487] : memref<20x125xi32, #tpu.memory_space<vmem>> -> memref<1x125xi32, #tpu.memory_space<vmem>>
      %dma_start3A_489 = tpu.memref_squeeze %dma_start3A_488 : memref<1x125xi32, #tpu.memory_space<vmem>> -> memref<125xi32, #tpu.memory_space<vmem>>
      %dma_start3A_490 = arith.constant 0 : i32
      %dma_start3A_491 = arith.constant 0 : i32
      %dma_start3A_492 = tpu.memref_slice %arg2[%dma_start3A_490, %dma_start3A_491] : memref<10000x128xf32, #tpu.memory_space<hbm>> -> memref<10000x128xf32, #tpu.memory_space<hbm>>
      tpu.enqueue_indirect_dma source(%dma_start3A_492 : memref<10000x128xf32, #tpu.memory_space<hbm>>) target(%arg13 : memref<125x128xf32, #tpu.memory_space<vmem>>) offsets(%dma_start3A_489 : memref<125xi32, #tpu.memory_space<vmem>>) semaphore(%arg16 : memref<!tpu.dma_semaphore, #tpu.memory_space<semaphore_mem>>)
      %convert_element_type3A_493 = arith.extui %ge3A_479 : i1 to i32
      %cond3A_494 = arith.constant 0 : i32
      %cond3A_495 = arith.cmpi ne, %convert_element_type3A_493, %cond3A_494 : i32
      scf.if %cond3A_495 {
        %dma_wait3A_527 = arith.constant 0 : i32
        %dma_wait3A_528 = tpu.memref_slice %arg11[%sub3A_480, %dma_wait3A_527] : memref<20x125xi32, #tpu.memory_space<vmem>> -> memref<1x125xi32, #tpu.memory_space<vmem>>
        %dma_wait3A_529 = tpu.memref_squeeze %dma_wait3A_528 : memref<1x125xi32, #tpu.memory_space<vmem>> -> memref<125xi32, #tpu.memory_space<vmem>>
        %dma_wait3A_530 = arith.constant 0 : i32
        %dma_wait3A_531 = tpu.memref_slice %arg22[%dma_wait3A_530] : memref<10000xf32, #tpu.memory_space<vmem_shared>> -> memref<10000xf32, #tpu.memory_space<vmem_shared>>
        tpu.wait_indirect_dma semaphore(%arg18 : memref<!tpu.dma_semaphore, #tpu.memory_space<semaphore_mem>>) src(%arg15 : memref<125xf32, #tpu.memory_space<vmem>>) dst(%dma_wait3A_531 : memref<10000xf32, #tpu.memory_space<vmem_shared>>)
      } else {
      }
      %dma_start3A_496 = arith.constant 0 : i32
      %dma_start3A_497 = tpu.memref_slice %arg11[%mul3A_474, %dma_start3A_496] : memref<20x125xi32, #tpu.memory_space<vmem>> -> memref<1x125xi32, #tpu.memory_space<vmem>>
      %dma_start3A_498 = tpu.memref_squeeze %dma_start3A_497 : memref<1x125xi32, #tpu.memory_space<vmem>> -> memref<125xi32, #tpu.memory_space<vmem>>
      %dma_start3A_499 = arith.constant 0 : i32
      %dma_start3A_500 = tpu.memref_slice %arg22[%dma_start3A_499] : memref<10000xf32, #tpu.memory_space<vmem_shared>> -> memref<10000xf32, #tpu.memory_space<vmem_shared>>
      tpu.enqueue_indirect_dma source(%arg15 : memref<125xf32, #tpu.memory_space<vmem>>) target(%dma_start3A_500 : memref<10000xf32, #tpu.memory_space<vmem_shared>>) offsets(%dma_start3A_498 : memref<125xi32, #tpu.memory_space<vmem>>) semaphore(%arg18 : memref<!tpu.dma_semaphore, #tpu.memory_space<semaphore_mem>>) {add = true}
      %add3A_501 = arith.constant 2 : i32
      %add3A_502 = arith.addi %add3A_476, %add3A_501 : i32
      %ge3A_503 = arith.constant 1 : i32
      %ge3A_504 = arith.cmpi sge, %scan3A_472, %ge3A_503 : i32
      %sub3A_505 = arith.constant 2 : i32
      %sub3A_506 = arith.subi %add3A_476, %sub3A_505 : i32
      %dma_wait3A_507 = arith.constant 0 : i32
      %dma_wait3A_508 = tpu.memref_slice %arg9[%add3A_476, %dma_wait3A_507] : memref<20x125xi32, #tpu.memory_space<vmem>> -> memref<1x125xi32, #tpu.memory_space<vmem>>
      %dma_wait3A_509 = tpu.memref_squeeze %dma_wait3A_508 : memref<1x125xi32, #tpu.memory_space<vmem>> -> memref<125xi32, #tpu.memory_space<vmem>>
      %dma_wait3A_510 = arith.constant 0 : i32
      %dma_wait3A_511 = arith.constant 0 : i32
      %dma_wait3A_512 = tpu.memref_slice %arg2[%dma_wait3A_510, %dma_wait3A_511] : memref<10000x128xf32, #tpu.memory_space<hbm>> -> memref<10000x128xf32, #tpu.memory_space<hbm>>
      tpu.wait_indirect_dma semaphore(%arg17 : memref<!tpu.dma_semaphore, #tpu.memory_space<semaphore_mem>>) src(%dma_wait3A_512 : memref<10000x128xf32, #tpu.memory_space<hbm>>) dst(%arg14 : memref<125x128xf32, #tpu.memory_space<vmem>>)
      "tpu.region"() ({
        %run_scoped3A_527 = tpu.sem_alloc : memref<!tpu.dma_semaphore, #tpu.memory_space<semaphore_mem>>
        %dma_start3A_528 = arith.constant 0 : i32
        %dma_start3A_529 = tpu.memref_slice %arg11[%add3A_476, %dma_start3A_528] : memref<20x125xi32, #tpu.memory_space<vmem>> -> memref<1x125xi32, #tpu.memory_space<vmem>>
        %dma_start3A_530 = tpu.memref_squeeze %dma_start3A_529 : memref<1x125xi32, #tpu.memory_space<vmem>> -> memref<125xi32, #tpu.memory_space<vmem>>
        %dma_start3A_531 = arith.constant 0 : i32
        %dma_start3A_532 = arith.constant 0 : i32
        %dma_start3A_533 = tpu.memref_slice %arg21[%dma_start3A_531, %dma_start3A_532] : memref<10000x128xf32, #tpu.memory_space<vmem_shared>> -> memref<10000x128xf32, #tpu.memory_space<vmem_shared>>
        tpu.enqueue_indirect_dma source(%arg14 : memref<125x128xf32, #tpu.memory_space<vmem>>) target(%dma_start3A_533 : memref<10000x128xf32, #tpu.memory_space<vmem_shared>>) offsets(%dma_start3A_530 : memref<125xi32, #tpu.memory_space<vmem>>) semaphore(%run_scoped3A_527 : memref<!tpu.dma_semaphore, #tpu.memory_space<semaphore_mem>>) {add = true}
        %dma_wait3A_534 = arith.constant 0 : i32
        %dma_wait3A_535 = tpu.memref_slice %arg11[%add3A_476, %dma_wait3A_534] : memref<20x125xi32, #tpu.memory_space<vmem>> -> memref<1x125xi32, #tpu.memory_space<vmem>>
        %dma_wait3A_536 = tpu.memref_squeeze %dma_wait3A_535 : memref<1x125xi32, #tpu.memory_space<vmem>> -> memref<125xi32, #tpu.memory_space<vmem>>
        %dma_wait3A_537 = arith.constant 0 : i32
        %dma_wait3A_538 = arith.constant 0 : i32
        %dma_wait3A_539 = tpu.memref_slice %arg21[%dma_wait3A_537, %dma_wait3A_538] : memref<10000x128xf32, #tpu.memory_space<vmem_shared>> -> memref<10000x128xf32, #tpu.memory_space<vmem_shared>>
        tpu.wait_indirect_dma semaphore(%run_scoped3A_527 : memref<!tpu.dma_semaphore, #tpu.memory_space<semaphore_mem>>) src(%arg14 : memref<125x128xf32, #tpu.memory_space<vmem>>) dst(%dma_wait3A_539 : memref<10000x128xf32, #tpu.memory_space<vmem_shared>>)
        tpu.yield
      }) : () -> ()
      %dma_start3A_513 = arith.constant 0 : i32
      %dma_start3A_514 = tpu.memref_slice %arg9[%add3A_502, %dma_start3A_513] : memref<20x125xi32, #tpu.memory_space<vmem>> -> memref<1x125xi32, #tpu.memory_space<vmem>>
      %dma_start3A_515 = tpu.memref_squeeze %dma_start3A_514 : memref<1x125xi32, #tpu.memory_space<vmem>> -> memref<125xi32, #tpu.memory_space<vmem>>
      %dma_start3A_516 = arith.constant 0 : i32
      %dma_start3A_517 = arith.constant 0 : i32
      %dma_start3A_518 = tpu.memref_slice %arg2[%dma_start3A_516, %dma_start3A_517] : memref<10000x128xf32, #tpu.memory_space<hbm>> -> memref<10000x128xf32, #tpu.memory_space<hbm>>
      tpu.enqueue_indirect_dma source(%dma_start3A_518 : memref<10000x128xf32, #tpu.memory_space<hbm>>) target(%arg14 : memref<125x128xf32, #tpu.memory_space<vmem>>) offsets(%dma_start3A_515 : memref<125xi32, #tpu.memory_space<vmem>>) semaphore(%arg17 : memref<!tpu.dma_semaphore, #tpu.memory_space<semaphore_mem>>)
      %convert_element_type3A_519 = arith.extui %ge3A_504 : i1 to i32
      %cond3A_520 = arith.constant 0 : i32
      %cond3A_521 = arith.cmpi ne, %convert_element_type3A_519, %cond3A_520 : i32
      scf.if %cond3A_521 {
        %dma_wait3A_527 = arith.constant 0 : i32
        %dma_wait3A_528 = tpu.memref_slice %arg11[%sub3A_506, %dma_wait3A_527] : memref<20x125xi32, #tpu.memory_space<vmem>> -> memref<1x125xi32, #tpu.memory_space<vmem>>
        %dma_wait3A_529 = tpu.memref_squeeze %dma_wait3A_528 : memref<1x125xi32, #tpu.memory_space<vmem>> -> memref<125xi32, #tpu.memory_space<vmem>>
        %dma_wait3A_530 = arith.constant 0 : i32
        %dma_wait3A_531 = tpu.memref_slice %arg22[%dma_wait3A_530] : memref<10000xf32, #tpu.memory_space<vmem_shared>> -> memref<10000xf32, #tpu.memory_space<vmem_shared>>
        tpu.wait_indirect_dma semaphore(%arg19 : memref<!tpu.dma_semaphore, #tpu.memory_space<semaphore_mem>>) src(%arg15 : memref<125xf32, #tpu.memory_space<vmem>>) dst(%dma_wait3A_531 : memref<10000xf32, #tpu.memory_space<vmem_shared>>)
      } else {
      }
      %dma_start3A_522 = arith.constant 0 : i32
      %dma_start3A_523 = tpu.memref_slice %arg11[%add3A_476, %dma_start3A_522] : memref<20x125xi32, #tpu.memory_space<vmem>> -> memref<1x125xi32, #tpu.memory_space<vmem>>
      %dma_start3A_524 = tpu.memref_squeeze %dma_start3A_523 : memref<1x125xi32, #tpu.memory_space<vmem>> -> memref<125xi32, #tpu.memory_space<vmem>>
      %dma_start3A_525 = arith.constant 0 : i32
      %dma_start3A_526 = tpu.memref_slice %arg22[%dma_start3A_525] : memref<10000xf32, #tpu.memory_space<vmem_shared>> -> memref<10000xf32, #tpu.memory_space<vmem_shared>>
      tpu.enqueue_indirect_dma source(%arg15 : memref<125xf32, #tpu.memory_space<vmem>>) target(%dma_start3A_526 : memref<10000xf32, #tpu.memory_space<vmem_shared>>) offsets(%dma_start3A_524 : memref<125xi32, #tpu.memory_space<vmem>>) semaphore(%arg19 : memref<!tpu.dma_semaphore, #tpu.memory_space<semaphore_mem>>) {add = true}
    }
    %scan3A_88 = arith.constant 9 : i32
    %dma_wait3A_89 = arith.constant 0 : i32
    %dma_wait3A_90 = arith.constant 1 : i32
    %dma_wait3A_91 = arith.constant 0 : i32
    %dma_wait3A_92 = arith.constant 0 : i32
    %dma_wait3A_93 = tpu.memref_slice %arg3[%dma_wait3A_89, %add3A, %dma_wait3A_90, %dma_wait3A_91, %dma_wait3A_92] : memref<2x32x4x20x125xi32, #tpu.memory_space<hbm>> -> memref<1x1x1x20x125xi32, #tpu.memory_space<hbm>>
    %dma_wait3A_94 = tpu.memref_squeeze %dma_wait3A_93 : memref<1x1x1x20x125xi32, #tpu.memory_space<hbm>> -> memref<20x125xi32, #tpu.memory_space<hbm>>
    %dma_wait3A_95 = arith.constant 0 : i32
    %dma_wait3A_96 = arith.constant 0 : i32
    %dma_wait3A_97 = tpu.memref_slice %arg3[%dma_wait3A_89, %add3A, %dma_wait3A_90, %dma_wait3A_95, %dma_wait3A_96] : memref<2x32x4x20x125xi32, #tpu.memory_space<hbm>> -> memref<1x1x1x20x125xi32, #tpu.memory_space<hbm>>
    %dma_wait3A_98 = tpu.memref_squeeze %dma_wait3A_97 : memref<1x1x1x20x125xi32, #tpu.memory_space<hbm>> -> memref<20x125xi32, #tpu.memory_space<hbm>>
    tpu.wait_dma2 semaphore(%arg20 : memref<!tpu.dma_semaphore, #tpu.memory_space<semaphore_mem>>) src(%dma_wait3A_98 : memref<20x125xi32, #tpu.memory_space<hbm>>) dst(%arg10 : memref<20x125xi32, #tpu.memory_space<vmem>>)
    %dma_wait3A_99 = arith.constant 1 : i32
    %dma_wait3A_100 = arith.constant 1 : i32
    %dma_wait3A_101 = arith.constant 0 : i32
    %dma_wait3A_102 = arith.constant 0 : i32
    %dma_wait3A_103 = tpu.memref_slice %arg3[%dma_wait3A_99, %add3A, %dma_wait3A_100, %dma_wait3A_101, %dma_wait3A_102] : memref<2x32x4x20x125xi32, #tpu.memory_space<hbm>> -> memref<1x1x1x20x125xi32, #tpu.memory_space<hbm>>
    %dma_wait3A_104 = tpu.memref_squeeze %dma_wait3A_103 : memref<1x1x1x20x125xi32, #tpu.memory_space<hbm>> -> memref<20x125xi32, #tpu.memory_space<hbm>>
    %dma_wait3A_105 = arith.constant 0 : i32
    %dma_wait3A_106 = arith.constant 0 : i32
    %dma_wait3A_107 = tpu.memref_slice %arg3[%dma_wait3A_99, %add3A, %dma_wait3A_100, %dma_wait3A_105, %dma_wait3A_106] : memref<2x32x4x20x125xi32, #tpu.memory_space<hbm>> -> memref<1x1x1x20x125xi32, #tpu.memory_space<hbm>>
    %dma_wait3A_108 = tpu.memref_squeeze %dma_wait3A_107 : memref<1x1x1x20x125xi32, #tpu.memory_space<hbm>> -> memref<20x125xi32, #tpu.memory_space<hbm>>
    tpu.wait_dma2 semaphore(%arg20 : memref<!tpu.dma_semaphore, #tpu.memory_space<semaphore_mem>>) src(%dma_wait3A_108 : memref<20x125xi32, #tpu.memory_space<hbm>>) dst(%arg12 : memref<20x125xi32, #tpu.memory_space<vmem>>)
    %dma_wait3A_109 = arith.constant 18 : i32
    %dma_wait3A_110 = arith.constant 0 : i32
    %dma_wait3A_111 = tpu.memref_slice %arg9[%dma_wait3A_109, %dma_wait3A_110] : memref<20x125xi32, #tpu.memory_space<vmem>> -> memref<1x125xi32, #tpu.memory_space<vmem>>
    %dma_wait3A_112 = tpu.memref_squeeze %dma_wait3A_111 : memref<1x125xi32, #tpu.memory_space<vmem>> -> memref<125xi32, #tpu.memory_space<vmem>>
    %dma_wait3A_113 = arith.constant 0 : i32
    %dma_wait3A_114 = arith.constant 0 : i32
    %dma_wait3A_115 = tpu.memref_slice %arg2[%dma_wait3A_113, %dma_wait3A_114] : memref<10000x128xf32, #tpu.memory_space<hbm>> -> memref<10000x128xf32, #tpu.memory_space<hbm>>
    tpu.wait_indirect_dma semaphore(%arg16 : memref<!tpu.dma_semaphore, #tpu.memory_space<semaphore_mem>>) src(%dma_wait3A_115 : memref<10000x128xf32, #tpu.memory_space<hbm>>) dst(%arg13 : memref<125x128xf32, #tpu.memory_space<vmem>>)
    %run_scoped3A = arith.constant 18 : i32
    "tpu.region"() ({
      %run_scoped3A_472 = tpu.sem_alloc : memref<!tpu.dma_semaphore, #tpu.memory_space<semaphore_mem>>
      %dma_start3A_473 = arith.constant 0 : i32
      %dma_start3A_474 = tpu.memref_slice %arg11[%run_scoped3A, %dma_start3A_473] : memref<20x125xi32, #tpu.memory_space<vmem>> -> memref<1x125xi32, #tpu.memory_space<vmem>>
      %dma_start3A_475 = tpu.memref_squeeze %dma_start3A_474 : memref<1x125xi32, #tpu.memory_space<vmem>> -> memref<125xi32, #tpu.memory_space<vmem>>
      %dma_start3A_476 = arith.constant 0 : i32
      %dma_start3A_477 = arith.constant 0 : i32
      %dma_start3A_478 = tpu.memref_slice %arg21[%dma_start3A_476, %dma_start3A_477] : memref<10000x128xf32, #tpu.memory_space<vmem_shared>> -> memref<10000x128xf32, #tpu.memory_space<vmem_shared>>
      tpu.enqueue_indirect_dma source(%arg13 : memref<125x128xf32, #tpu.memory_space<vmem>>) target(%dma_start3A_478 : memref<10000x128xf32, #tpu.memory_space<vmem_shared>>) offsets(%dma_start3A_475 : memref<125xi32, #tpu.memory_space<vmem>>) semaphore(%run_scoped3A_472 : memref<!tpu.dma_semaphore, #tpu.memory_space<semaphore_mem>>) {add = true}
      %dma_wait3A_479 = arith.constant 0 : i32
      %dma_wait3A_480 = tpu.memref_slice %arg11[%run_scoped3A, %dma_wait3A_479] : memref<20x125xi32, #tpu.memory_space<vmem>> -> memref<1x125xi32, #tpu.memory_space<vmem>>
      %dma_wait3A_481 = tpu.memref_squeeze %dma_wait3A_480 : memref<1x125xi32, #tpu.memory_space<vmem>> -> memref<125xi32, #tpu.memory_space<vmem>>
      %dma_wait3A_482 = arith.constant 0 : i32
      %dma_wait3A_483 = arith.constant 0 : i32
      %dma_wait3A_484 = tpu.memref_slice %arg21[%dma_wait3A_482, %dma_wait3A_483] : memref<10000x128xf32, #tpu.memory_space<vmem_shared>> -> memref<10000x128xf32, #tpu.memory_space<vmem_shared>>
      tpu.wait_indirect_dma semaphore(%run_scoped3A_472 : memref<!tpu.dma_semaphore, #tpu.memory_space<semaphore_mem>>) src(%arg13 : memref<125x128xf32, #tpu.memory_space<vmem>>) dst(%dma_wait3A_484 : memref<10000x128xf32, #tpu.memory_space<vmem_shared>>)
      tpu.yield
    }) : () -> ()
    %dma_start3A_116 = arith.constant 0 : i32
    %dma_start3A_117 = arith.constant 0 : i32
    %dma_start3A_118 = tpu.memref_slice %arg10[%dma_start3A_116, %dma_start3A_117] : memref<20x125xi32, #tpu.memory_space<vmem>> -> memref<1x125xi32, #tpu.memory_space<vmem>>
    %dma_start3A_119 = tpu.memref_squeeze %dma_start3A_118 : memref<1x125xi32, #tpu.memory_space<vmem>> -> memref<125xi32, #tpu.memory_space<vmem>>
    %dma_start3A_120 = arith.constant 0 : i32
    %dma_start3A_121 = arith.constant 0 : i32
    %dma_start3A_122 = tpu.memref_slice %arg2[%dma_start3A_120, %dma_start3A_121] : memref<10000x128xf32, #tpu.memory_space<hbm>> -> memref<10000x128xf32, #tpu.memory_space<hbm>>
    tpu.enqueue_indirect_dma source(%dma_start3A_122 : memref<10000x128xf32, #tpu.memory_space<hbm>>) target(%arg13 : memref<125x128xf32, #tpu.memory_space<vmem>>) offsets(%dma_start3A_119 : memref<125xi32, #tpu.memory_space<vmem>>) semaphore(%arg16 : memref<!tpu.dma_semaphore, #tpu.memory_space<semaphore_mem>>)
    %dma_wait3A_123 = arith.constant 16 : i32
    %dma_wait3A_124 = arith.constant 0 : i32
    %dma_wait3A_125 = tpu.memref_slice %arg11[%dma_wait3A_123, %dma_wait3A_124] : memref<20x125xi32, #tpu.memory_space<vmem>> -> memref<1x125xi32, #tpu.memory_space<vmem>>
    %dma_wait3A_126 = tpu.memref_squeeze %dma_wait3A_125 : memref<1x125xi32, #tpu.memory_space<vmem>> -> memref<125xi32, #tpu.memory_space<vmem>>
    %dma_wait3A_127 = arith.constant 0 : i32
    %dma_wait3A_128 = tpu.memref_slice %arg22[%dma_wait3A_127] : memref<10000xf32, #tpu.memory_space<vmem_shared>> -> memref<10000xf32, #tpu.memory_space<vmem_shared>>
    tpu.wait_indirect_dma semaphore(%arg18 : memref<!tpu.dma_semaphore, #tpu.memory_space<semaphore_mem>>) src(%arg15 : memref<125xf32, #tpu.memory_space<vmem>>) dst(%dma_wait3A_128 : memref<10000xf32, #tpu.memory_space<vmem_shared>>)
    %dma_start3A_129 = arith.constant 18 : i32
    %dma_start3A_130 = arith.constant 0 : i32
    %dma_start3A_131 = tpu.memref_slice %arg11[%dma_start3A_129, %dma_start3A_130] : memref<20x125xi32, #tpu.memory_space<vmem>> -> memref<1x125xi32, #tpu.memory_space<vmem>>
    %dma_start3A_132 = tpu.memref_squeeze %dma_start3A_131 : memref<1x125xi32, #tpu.memory_space<vmem>> -> memref<125xi32, #tpu.memory_space<vmem>>
    %dma_start3A_133 = arith.constant 0 : i32
    %dma_start3A_134 = tpu.memref_slice %arg22[%dma_start3A_133] : memref<10000xf32, #tpu.memory_space<vmem_shared>> -> memref<10000xf32, #tpu.memory_space<vmem_shared>>
    tpu.enqueue_indirect_dma source(%arg15 : memref<125xf32, #tpu.memory_space<vmem>>) target(%dma_start3A_134 : memref<10000xf32, #tpu.memory_space<vmem_shared>>) offsets(%dma_start3A_132 : memref<125xi32, #tpu.memory_space<vmem>>) semaphore(%arg18 : memref<!tpu.dma_semaphore, #tpu.memory_space<semaphore_mem>>) {add = true}
    %dma_wait3A_135 = arith.constant 19 : i32
    %dma_wait3A_136 = arith.constant 0 : i32
    %dma_wait3A_137 = tpu.memref_slice %arg9[%dma_wait3A_135, %dma_wait3A_136] : memref<20x125xi32, #tpu.memory_space<vmem>> -> memref<1x125xi32, #tpu.memory_space<vmem>>
    %dma_wait3A_138 = tpu.memref_squeeze %dma_wait3A_137 : memref<1x125xi32, #tpu.memory_space<vmem>> -> memref<125xi32, #tpu.memory_space<vmem>>
    %dma_wait3A_139 = arith.constant 0 : i32
    %dma_wait3A_140 = arith.constant 0 : i32
    %dma_wait3A_141 = tpu.memref_slice %arg2[%dma_wait3A_139, %dma_wait3A_140] : memref<10000x128xf32, #tpu.memory_space<hbm>> -> memref<10000x128xf32, #tpu.memory_space<hbm>>
    tpu.wait_indirect_dma semaphore(%arg17 : memref<!tpu.dma_semaphore, #tpu.memory_space<semaphore_mem>>) src(%dma_wait3A_141 : memref<10000x128xf32, #tpu.memory_space<hbm>>) dst(%arg14 : memref<125x128xf32, #tpu.memory_space<vmem>>)
    %run_scoped3A_142 = arith.constant 19 : i32
    "tpu.region"() ({
      %run_scoped3A_472 = tpu.sem_alloc : memref<!tpu.dma_semaphore, #tpu.memory_space<semaphore_mem>>
      %dma_start3A_473 = arith.constant 0 : i32
      %dma_start3A_474 = tpu.memref_slice %arg11[%run_scoped3A_142, %dma_start3A_473] : memref<20x125xi32, #tpu.memory_space<vmem>> -> memref<1x125xi32, #tpu.memory_space<vmem>>
      %dma_start3A_475 = tpu.memref_squeeze %dma_start3A_474 : memref<1x125xi32, #tpu.memory_space<vmem>> -> memref<125xi32, #tpu.memory_space<vmem>>
      %dma_start3A_476 = arith.constant 0 : i32
      %dma_start3A_477 = arith.constant 0 : i32
      %dma_start3A_478 = tpu.memref_slice %arg21[%dma_start3A_476, %dma_start3A_477] : memref<10000x128xf32, #tpu.memory_space<vmem_shared>> -> memref<10000x128xf32, #tpu.memory_space<vmem_shared>>
      tpu.enqueue_indirect_dma source(%arg14 : memref<125x128xf32, #tpu.memory_space<vmem>>) target(%dma_start3A_478 : memref<10000x128xf32, #tpu.memory_space<vmem_shared>>) offsets(%dma_start3A_475 : memref<125xi32, #tpu.memory_space<vmem>>) semaphore(%run_scoped3A_472 : memref<!tpu.dma_semaphore, #tpu.memory_space<semaphore_mem>>) {add = true}
      %dma_wait3A_479 = arith.constant 0 : i32
      %dma_wait3A_480 = tpu.memref_slice %arg11[%run_scoped3A_142, %dma_wait3A_479] : memref<20x125xi32, #tpu.memory_space<vmem>> -> memref<1x125xi32, #tpu.memory_space<vmem>>
      %dma_wait3A_481 = tpu.memref_squeeze %dma_wait3A_480 : memref<1x125xi32, #tpu.memory_space<vmem>> -> memref<125xi32, #tpu.memory_space<vmem>>
      %dma_wait3A_482 = arith.constant 0 : i32
      %dma_wait3A_483 = arith.constant 0 : i32
      %dma_wait3A_484 = tpu.memref_slice %arg21[%dma_wait3A_482, %dma_wait3A_483] : memref<10000x128xf32, #tpu.memory_space<vmem_shared>> -> memref<10000x128xf32, #tpu.memory_space<vmem_shared>>
      tpu.wait_indirect_dma semaphore(%run_scoped3A_472 : memref<!tpu.dma_semaphore, #tpu.memory_space<semaphore_mem>>) src(%arg14 : memref<125x128xf32, #tpu.memory_space<vmem>>) dst(%dma_wait3A_484 : memref<10000x128xf32, #tpu.memory_space<vmem_shared>>)
      tpu.yield
    }) : () -> ()
    %dma_start3A_143 = arith.constant 1 : i32
    %dma_start3A_144 = arith.constant 0 : i32
    %dma_start3A_145 = tpu.memref_slice %arg10[%dma_start3A_143, %dma_start3A_144] : memref<20x125xi32, #tpu.memory_space<vmem>> -> memref<1x125xi32, #tpu.memory_space<vmem>>
    %dma_start3A_146 = tpu.memref_squeeze %dma_start3A_145 : memref<1x125xi32, #tpu.memory_space<vmem>> -> memref<125xi32, #tpu.memory_space<vmem>>
    %dma_start3A_147 = arith.constant 0 : i32
    %dma_start3A_148 = arith.constant 0 : i32
    %dma_start3A_149 = tpu.memref_slice %arg2[%dma_start3A_147, %dma_start3A_148] : memref<10000x128xf32, #tpu.memory_space<hbm>> -> memref<10000x128xf32, #tpu.memory_space<hbm>>
    tpu.enqueue_indirect_dma source(%dma_start3A_149 : memref<10000x128xf32, #tpu.memory_space<hbm>>) target(%arg14 : memref<125x128xf32, #tpu.memory_space<vmem>>) offsets(%dma_start3A_146 : memref<125xi32, #tpu.memory_space<vmem>>) semaphore(%arg17 : memref<!tpu.dma_semaphore, #tpu.memory_space<semaphore_mem>>)
    %dma_wait3A_150 = arith.constant 17 : i32
    %dma_wait3A_151 = arith.constant 0 : i32
    %dma_wait3A_152 = tpu.memref_slice %arg11[%dma_wait3A_150, %dma_wait3A_151] : memref<20x125xi32, #tpu.memory_space<vmem>> -> memref<1x125xi32, #tpu.memory_space<vmem>>
    %dma_wait3A_153 = tpu.memref_squeeze %dma_wait3A_152 : memref<1x125xi32, #tpu.memory_space<vmem>> -> memref<125xi32, #tpu.memory_space<vmem>>
    %dma_wait3A_154 = arith.constant 0 : i32
    %dma_wait3A_155 = tpu.memref_slice %arg22[%dma_wait3A_154] : memref<10000xf32, #tpu.memory_space<vmem_shared>> -> memref<10000xf32, #tpu.memory_space<vmem_shared>>
    tpu.wait_indirect_dma semaphore(%arg19 : memref<!tpu.dma_semaphore, #tpu.memory_space<semaphore_mem>>) src(%arg15 : memref<125xf32, #tpu.memory_space<vmem>>) dst(%dma_wait3A_155 : memref<10000xf32, #tpu.memory_space<vmem_shared>>)
    %dma_start3A_156 = arith.constant 19 : i32
    %dma_start3A_157 = arith.constant 0 : i32
    %dma_start3A_158 = tpu.memref_slice %arg11[%dma_start3A_156, %dma_start3A_157] : memref<20x125xi32, #tpu.memory_space<vmem>> -> memref<1x125xi32, #tpu.memory_space<vmem>>
    %dma_start3A_159 = tpu.memref_squeeze %dma_start3A_158 : memref<1x125xi32, #tpu.memory_space<vmem>> -> memref<125xi32, #tpu.memory_space<vmem>>
    %dma_start3A_160 = arith.constant 0 : i32
    %dma_start3A_161 = tpu.memref_slice %arg22[%dma_start3A_160] : memref<10000xf32, #tpu.memory_space<vmem_shared>> -> memref<10000xf32, #tpu.memory_space<vmem_shared>>
    tpu.enqueue_indirect_dma source(%arg15 : memref<125xf32, #tpu.memory_space<vmem>>) target(%dma_start3A_161 : memref<10000xf32, #tpu.memory_space<vmem_shared>>) offsets(%dma_start3A_159 : memref<125xi32, #tpu.memory_space<vmem>>) semaphore(%arg19 : memref<!tpu.dma_semaphore, #tpu.memory_space<semaphore_mem>>) {add = true}
    %dma_wait3A_162 = arith.constant 18 : i32
    %dma_wait3A_163 = arith.constant 0 : i32
    %dma_wait3A_164 = tpu.memref_slice %arg11[%dma_wait3A_162, %dma_wait3A_163] : memref<20x125xi32, #tpu.memory_space<vmem>> -> memref<1x125xi32, #tpu.memory_space<vmem>>
    %dma_wait3A_165 = tpu.memref_squeeze %dma_wait3A_164 : memref<1x125xi32, #tpu.memory_space<vmem>> -> memref<125xi32, #tpu.memory_space<vmem>>
    %dma_wait3A_166 = arith.constant 0 : i32
    %dma_wait3A_167 = tpu.memref_slice %arg22[%dma_wait3A_166] : memref<10000xf32, #tpu.memory_space<vmem_shared>> -> memref<10000xf32, #tpu.memory_space<vmem_shared>>
    tpu.wait_indirect_dma semaphore(%arg18 : memref<!tpu.dma_semaphore, #tpu.memory_space<semaphore_mem>>) src(%arg15 : memref<125xf32, #tpu.memory_space<vmem>>) dst(%dma_wait3A_167 : memref<10000xf32, #tpu.memory_space<vmem_shared>>)
    %dma_wait3A_168 = arith.constant 19 : i32
    %dma_wait3A_169 = arith.constant 0 : i32
    %dma_wait3A_170 = tpu.memref_slice %arg11[%dma_wait3A_168, %dma_wait3A_169] : memref<20x125xi32, #tpu.memory_space<vmem>> -> memref<1x125xi32, #tpu.memory_space<vmem>>
    %dma_wait3A_171 = tpu.memref_squeeze %dma_wait3A_170 : memref<1x125xi32, #tpu.memory_space<vmem>> -> memref<125xi32, #tpu.memory_space<vmem>>
    %dma_wait3A_172 = arith.constant 0 : i32
    %dma_wait3A_173 = tpu.memref_slice %arg22[%dma_wait3A_172] : memref<10000xf32, #tpu.memory_space<vmem_shared>> -> memref<10000xf32, #tpu.memory_space<vmem_shared>>
    tpu.wait_indirect_dma semaphore(%arg19 : memref<!tpu.dma_semaphore, #tpu.memory_space<semaphore_mem>>) src(%arg15 : memref<125xf32, #tpu.memory_space<vmem>>) dst(%dma_wait3A_173 : memref<10000xf32, #tpu.memory_space<vmem_shared>>)
    %dma_start3A_174 = arith.constant 0 : i32
    %dma_start3A_175 = arith.constant 2 : i32
    %dma_start3A_176 = arith.constant 0 : i32
    %dma_start3A_177 = arith.constant 0 : i32
    %dma_start3A_178 = tpu.memref_slice %arg3[%dma_start3A_174, %add3A, %dma_start3A_175, %dma_start3A_176, %dma_start3A_177] : memref<2x32x4x20x125xi32, #tpu.memory_space<hbm>> -> memref<1x1x1x20x125xi32, #tpu.memory_space<hbm>>
    %dma_start3A_179 = tpu.memref_squeeze %dma_start3A_178 : memref<1x1x1x20x125xi32, #tpu.memory_space<hbm>> -> memref<20x125xi32, #tpu.memory_space<hbm>>
    %dma_start3A_180 = arith.constant 0 : i32
    %dma_start3A_181 = arith.constant 0 : i32
    %dma_start3A_182 = tpu.memref_slice %arg3[%dma_start3A_174, %add3A, %dma_start3A_175, %dma_start3A_180, %dma_start3A_181] : memref<2x32x4x20x125xi32, #tpu.memory_space<hbm>> -> memref<1x1x1x20x125xi32, #tpu.memory_space<hbm>>
    %dma_start3A_183 = tpu.memref_squeeze %dma_start3A_182 : memref<1x1x1x20x125xi32, #tpu.memory_space<hbm>> -> memref<20x125xi32, #tpu.memory_space<hbm>>
    tpu.enqueue_dma source(%dma_start3A_183 : memref<20x125xi32, #tpu.memory_space<hbm>>) target(%arg9 : memref<20x125xi32, #tpu.memory_space<vmem>>) target_semaphore(%arg20 : memref<!tpu.dma_semaphore, #tpu.memory_space<semaphore_mem>>)
    %dma_start3A_184 = arith.constant 1 : i32
    %dma_start3A_185 = arith.constant 2 : i32
    %dma_start3A_186 = arith.constant 0 : i32
    %dma_start3A_187 = arith.constant 0 : i32
    %dma_start3A_188 = tpu.memref_slice %arg3[%dma_start3A_184, %add3A, %dma_start3A_185, %dma_start3A_186, %dma_start3A_187] : memref<2x32x4x20x125xi32, #tpu.memory_space<hbm>> -> memref<1x1x1x20x125xi32, #tpu.memory_space<hbm>>
    %dma_start3A_189 = tpu.memref_squeeze %dma_start3A_188 : memref<1x1x1x20x125xi32, #tpu.memory_space<hbm>> -> memref<20x125xi32, #tpu.memory_space<hbm>>
    %dma_start3A_190 = arith.constant 0 : i32
    %dma_start3A_191 = arith.constant 0 : i32
    %dma_start3A_192 = tpu.memref_slice %arg3[%dma_start3A_184, %add3A, %dma_start3A_185, %dma_start3A_190, %dma_start3A_191] : memref<2x32x4x20x125xi32, #tpu.memory_space<hbm>> -> memref<1x1x1x20x125xi32, #tpu.memory_space<hbm>>
    %dma_start3A_193 = tpu.memref_squeeze %dma_start3A_192 : memref<1x1x1x20x125xi32, #tpu.memory_space<hbm>> -> memref<20x125xi32, #tpu.memory_space<hbm>>
    tpu.enqueue_dma source(%dma_start3A_193 : memref<20x125xi32, #tpu.memory_space<hbm>>) target(%arg11 : memref<20x125xi32, #tpu.memory_space<vmem>>) target_semaphore(%arg20 : memref<!tpu.dma_semaphore, #tpu.memory_space<semaphore_mem>>)
    %scan3A_194 = arith.constant 0 : i32
    %scan3A_195 = arith.constant 0 : i32
    %scan3A_196 = arith.constant 9 : i32
    %scan3A_197 = arith.addi %scan3A_195, %scan3A_196 : i32
    %scan3A_198 = arith.constant 1 : i32
    scf.for %scan3A_472 = %scan3A_195 to %scan3A_197 step %scan3A_198  : i32 {
      %mul3A_473 = arith.constant 2 : i32
      %mul3A_474 = arith.muli %mul3A_473, %scan3A_472 : i32
      %add3A_475 = arith.constant 1 : i32
      %add3A_476 = arith.addi %mul3A_474, %add3A_475 : i32
      %add3A_477 = arith.constant 2 : i32
      %add3A_478 = arith.addi %mul3A_474, %add3A_477 : i32
      %ge3A = arith.constant 1 : i32
      %ge3A_479 = arith.cmpi sge, %scan3A_472, %ge3A : i32
      %sub3A = arith.constant 2 : i32
      %sub3A_480 = arith.subi %mul3A_474, %sub3A : i32
      %dma_wait3A_481 = arith.constant 0 : i32
      %dma_wait3A_482 = tpu.memref_slice %arg10[%mul3A_474, %dma_wait3A_481] : memref<20x125xi32, #tpu.memory_space<vmem>> -> memref<1x125xi32, #tpu.memory_space<vmem>>
      %dma_wait3A_483 = tpu.memref_squeeze %dma_wait3A_482 : memref<1x125xi32, #tpu.memory_space<vmem>> -> memref<125xi32, #tpu.memory_space<vmem>>
      %dma_wait3A_484 = arith.constant 0 : i32
      %dma_wait3A_485 = arith.constant 0 : i32
      %dma_wait3A_486 = tpu.memref_slice %arg2[%dma_wait3A_484, %dma_wait3A_485] : memref<10000x128xf32, #tpu.memory_space<hbm>> -> memref<10000x128xf32, #tpu.memory_space<hbm>>
      tpu.wait_indirect_dma semaphore(%arg16 : memref<!tpu.dma_semaphore, #tpu.memory_space<semaphore_mem>>) src(%dma_wait3A_486 : memref<10000x128xf32, #tpu.memory_space<hbm>>) dst(%arg13 : memref<125x128xf32, #tpu.memory_space<vmem>>)
      "tpu.region"() ({
        %run_scoped3A_527 = tpu.sem_alloc : memref<!tpu.dma_semaphore, #tpu.memory_space<semaphore_mem>>
        %dma_start3A_528 = arith.constant 0 : i32
        %dma_start3A_529 = tpu.memref_slice %arg12[%mul3A_474, %dma_start3A_528] : memref<20x125xi32, #tpu.memory_space<vmem>> -> memref<1x125xi32, #tpu.memory_space<vmem>>
        %dma_start3A_530 = tpu.memref_squeeze %dma_start3A_529 : memref<1x125xi32, #tpu.memory_space<vmem>> -> memref<125xi32, #tpu.memory_space<vmem>>
        %dma_start3A_531 = arith.constant 0 : i32
        %dma_start3A_532 = arith.constant 0 : i32
        %dma_start3A_533 = tpu.memref_slice %arg21[%dma_start3A_531, %dma_start3A_532] : memref<10000x128xf32, #tpu.memory_space<vmem_shared>> -> memref<10000x128xf32, #tpu.memory_space<vmem_shared>>
        tpu.enqueue_indirect_dma source(%arg13 : memref<125x128xf32, #tpu.memory_space<vmem>>) target(%dma_start3A_533 : memref<10000x128xf32, #tpu.memory_space<vmem_shared>>) offsets(%dma_start3A_530 : memref<125xi32, #tpu.memory_space<vmem>>) semaphore(%run_scoped3A_527 : memref<!tpu.dma_semaphore, #tpu.memory_space<semaphore_mem>>) {add = true}
        %dma_wait3A_534 = arith.constant 0 : i32
        %dma_wait3A_535 = tpu.memref_slice %arg12[%mul3A_474, %dma_wait3A_534] : memref<20x125xi32, #tpu.memory_space<vmem>> -> memref<1x125xi32, #tpu.memory_space<vmem>>
        %dma_wait3A_536 = tpu.memref_squeeze %dma_wait3A_535 : memref<1x125xi32, #tpu.memory_space<vmem>> -> memref<125xi32, #tpu.memory_space<vmem>>
        %dma_wait3A_537 = arith.constant 0 : i32
        %dma_wait3A_538 = arith.constant 0 : i32
        %dma_wait3A_539 = tpu.memref_slice %arg21[%dma_wait3A_537, %dma_wait3A_538] : memref<10000x128xf32, #tpu.memory_space<vmem_shared>> -> memref<10000x128xf32, #tpu.memory_space<vmem_shared>>
        tpu.wait_indirect_dma semaphore(%run_scoped3A_527 : memref<!tpu.dma_semaphore, #tpu.memory_space<semaphore_mem>>) src(%arg13 : memref<125x128xf32, #tpu.memory_space<vmem>>) dst(%dma_wait3A_539 : memref<10000x128xf32, #tpu.memory_space<vmem_shared>>)
        tpu.yield
      }) : () -> ()
      %dma_start3A_487 = arith.constant 0 : i32
      %dma_start3A_488 = tpu.memref_slice %arg10[%add3A_478, %dma_start3A_487] : memref<20x125xi32, #tpu.memory_space<vmem>> -> memref<1x125xi32, #tpu.memory_space<vmem>>
      %dma_start3A_489 = tpu.memref_squeeze %dma_start3A_488 : memref<1x125xi32, #tpu.memory_space<vmem>> -> memref<125xi32, #tpu.memory_space<vmem>>
      %dma_start3A_490 = arith.constant 0 : i32
      %dma_start3A_491 = arith.constant 0 : i32
      %dma_start3A_492 = tpu.memref_slice %arg2[%dma_start3A_490, %dma_start3A_491] : memref<10000x128xf32, #tpu.memory_space<hbm>> -> memref<10000x128xf32, #tpu.memory_space<hbm>>
      tpu.enqueue_indirect_dma source(%dma_start3A_492 : memref<10000x128xf32, #tpu.memory_space<hbm>>) target(%arg13 : memref<125x128xf32, #tpu.memory_space<vmem>>) offsets(%dma_start3A_489 : memref<125xi32, #tpu.memory_space<vmem>>) semaphore(%arg16 : memref<!tpu.dma_semaphore, #tpu.memory_space<semaphore_mem>>)
      %convert_element_type3A_493 = arith.extui %ge3A_479 : i1 to i32
      %cond3A_494 = arith.constant 0 : i32
      %cond3A_495 = arith.cmpi ne, %convert_element_type3A_493, %cond3A_494 : i32
      scf.if %cond3A_495 {
        %dma_wait3A_527 = arith.constant 0 : i32
        %dma_wait3A_528 = tpu.memref_slice %arg12[%sub3A_480, %dma_wait3A_527] : memref<20x125xi32, #tpu.memory_space<vmem>> -> memref<1x125xi32, #tpu.memory_space<vmem>>
        %dma_wait3A_529 = tpu.memref_squeeze %dma_wait3A_528 : memref<1x125xi32, #tpu.memory_space<vmem>> -> memref<125xi32, #tpu.memory_space<vmem>>
        %dma_wait3A_530 = arith.constant 0 : i32
        %dma_wait3A_531 = tpu.memref_slice %arg22[%dma_wait3A_530] : memref<10000xf32, #tpu.memory_space<vmem_shared>> -> memref<10000xf32, #tpu.memory_space<vmem_shared>>
        tpu.wait_indirect_dma semaphore(%arg18 : memref<!tpu.dma_semaphore, #tpu.memory_space<semaphore_mem>>) src(%arg15 : memref<125xf32, #tpu.memory_space<vmem>>) dst(%dma_wait3A_531 : memref<10000xf32, #tpu.memory_space<vmem_shared>>)
      } else {
      }
      %dma_start3A_496 = arith.constant 0 : i32
      %dma_start3A_497 = tpu.memref_slice %arg12[%mul3A_474, %dma_start3A_496] : memref<20x125xi32, #tpu.memory_space<vmem>> -> memref<1x125xi32, #tpu.memory_space<vmem>>
      %dma_start3A_498 = tpu.memref_squeeze %dma_start3A_497 : memref<1x125xi32, #tpu.memory_space<vmem>> -> memref<125xi32, #tpu.memory_space<vmem>>
      %dma_start3A_499 = arith.constant 0 : i32
      %dma_start3A_500 = tpu.memref_slice %arg22[%dma_start3A_499] : memref<10000xf32, #tpu.memory_space<vmem_shared>> -> memref<10000xf32, #tpu.memory_space<vmem_shared>>
      tpu.enqueue_indirect_dma source(%arg15 : memref<125xf32, #tpu.memory_space<vmem>>) target(%dma_start3A_500 : memref<10000xf32, #tpu.memory_space<vmem_shared>>) offsets(%dma_start3A_498 : memref<125xi32, #tpu.memory_space<vmem>>) semaphore(%arg18 : memref<!tpu.dma_semaphore, #tpu.memory_space<semaphore_mem>>) {add = true}
      %add3A_501 = arith.constant 2 : i32
      %add3A_502 = arith.addi %add3A_476, %add3A_501 : i32
      %ge3A_503 = arith.constant 1 : i32
      %ge3A_504 = arith.cmpi sge, %scan3A_472, %ge3A_503 : i32
      %sub3A_505 = arith.constant 2 : i32
      %sub3A_506 = arith.subi %add3A_476, %sub3A_505 : i32
      %dma_wait3A_507 = arith.constant 0 : i32
      %dma_wait3A_508 = tpu.memref_slice %arg10[%add3A_476, %dma_wait3A_507] : memref<20x125xi32, #tpu.memory_space<vmem>> -> memref<1x125xi32, #tpu.memory_space<vmem>>
      %dma_wait3A_509 = tpu.memref_squeeze %dma_wait3A_508 : memref<1x125xi32, #tpu.memory_space<vmem>> -> memref<125xi32, #tpu.memory_space<vmem>>
      %dma_wait3A_510 = arith.constant 0 : i32
      %dma_wait3A_511 = arith.constant 0 : i32
      %dma_wait3A_512 = tpu.memref_slice %arg2[%dma_wait3A_510, %dma_wait3A_511] : memref<10000x128xf32, #tpu.memory_space<hbm>> -> memref<10000x128xf32, #tpu.memory_space<hbm>>
      tpu.wait_indirect_dma semaphore(%arg17 : memref<!tpu.dma_semaphore, #tpu.memory_space<semaphore_mem>>) src(%dma_wait3A_512 : memref<10000x128xf32, #tpu.memory_space<hbm>>) dst(%arg14 : memref<125x128xf32, #tpu.memory_space<vmem>>)
      "tpu.region"() ({
        %run_scoped3A_527 = tpu.sem_alloc : memref<!tpu.dma_semaphore, #tpu.memory_space<semaphore_mem>>
        %dma_start3A_528 = arith.constant 0 : i32
        %dma_start3A_529 = tpu.memref_slice %arg12[%add3A_476, %dma_start3A_528] : memref<20x125xi32, #tpu.memory_space<vmem>> -> memref<1x125xi32, #tpu.memory_space<vmem>>
        %dma_start3A_530 = tpu.memref_squeeze %dma_start3A_529 : memref<1x125xi32, #tpu.memory_space<vmem>> -> memref<125xi32, #tpu.memory_space<vmem>>
        %dma_start3A_531 = arith.constant 0 : i32
        %dma_start3A_532 = arith.constant 0 : i32
        %dma_start3A_533 = tpu.memref_slice %arg21[%dma_start3A_531, %dma_start3A_532] : memref<10000x128xf32, #tpu.memory_space<vmem_shared>> -> memref<10000x128xf32, #tpu.memory_space<vmem_shared>>
        tpu.enqueue_indirect_dma source(%arg14 : memref<125x128xf32, #tpu.memory_space<vmem>>) target(%dma_start3A_533 : memref<10000x128xf32, #tpu.memory_space<vmem_shared>>) offsets(%dma_start3A_530 : memref<125xi32, #tpu.memory_space<vmem>>) semaphore(%run_scoped3A_527 : memref<!tpu.dma_semaphore, #tpu.memory_space<semaphore_mem>>) {add = true}
        %dma_wait3A_534 = arith.constant 0 : i32
        %dma_wait3A_535 = tpu.memref_slice %arg12[%add3A_476, %dma_wait3A_534] : memref<20x125xi32, #tpu.memory_space<vmem>> -> memref<1x125xi32, #tpu.memory_space<vmem>>
        %dma_wait3A_536 = tpu.memref_squeeze %dma_wait3A_535 : memref<1x125xi32, #tpu.memory_space<vmem>> -> memref<125xi32, #tpu.memory_space<vmem>>
        %dma_wait3A_537 = arith.constant 0 : i32
        %dma_wait3A_538 = arith.constant 0 : i32
        %dma_wait3A_539 = tpu.memref_slice %arg21[%dma_wait3A_537, %dma_wait3A_538] : memref<10000x128xf32, #tpu.memory_space<vmem_shared>> -> memref<10000x128xf32, #tpu.memory_space<vmem_shared>>
        tpu.wait_indirect_dma semaphore(%run_scoped3A_527 : memref<!tpu.dma_semaphore, #tpu.memory_space<semaphore_mem>>) src(%arg14 : memref<125x128xf32, #tpu.memory_space<vmem>>) dst(%dma_wait3A_539 : memref<10000x128xf32, #tpu.memory_space<vmem_shared>>)
        tpu.yield
      }) : () -> ()
      %dma_start3A_513 = arith.constant 0 : i32
      %dma_start3A_514 = tpu.memref_slice %arg10[%add3A_502, %dma_start3A_513] : memref<20x125xi32, #tpu.memory_space<vmem>> -> memref<1x125xi32, #tpu.memory_space<vmem>>
      %dma_start3A_515 = tpu.memref_squeeze %dma_start3A_514 : memref<1x125xi32, #tpu.memory_space<vmem>> -> memref<125xi32, #tpu.memory_space<vmem>>
      %dma_start3A_516 = arith.constant 0 : i32
      %dma_start3A_517 = arith.constant 0 : i32
      %dma_start3A_518 = tpu.memref_slice %arg2[%dma_start3A_516, %dma_start3A_517] : memref<10000x128xf32, #tpu.memory_space<hbm>> -> memref<10000x128xf32, #tpu.memory_space<hbm>>
      tpu.enqueue_indirect_dma source(%dma_start3A_518 : memref<10000x128xf32, #tpu.memory_space<hbm>>) target(%arg14 : memref<125x128xf32, #tpu.memory_space<vmem>>) offsets(%dma_start3A_515 : memref<125xi32, #tpu.memory_space<vmem>>) semaphore(%arg17 : memref<!tpu.dma_semaphore, #tpu.memory_space<semaphore_mem>>)
      %convert_element_type3A_519 = arith.extui %ge3A_504 : i1 to i32
      %cond3A_520 = arith.constant 0 : i32
      %cond3A_521 = arith.cmpi ne, %convert_element_type3A_519, %cond3A_520 : i32
      scf.if %cond3A_521 {
        %dma_wait3A_527 = arith.constant 0 : i32
        %dma_wait3A_528 = tpu.memref_slice %arg12[%sub3A_506, %dma_wait3A_527] : memref<20x125xi32, #tpu.memory_space<vmem>> -> memref<1x125xi32, #tpu.memory_space<vmem>>
        %dma_wait3A_529 = tpu.memref_squeeze %dma_wait3A_528 : memref<1x125xi32, #tpu.memory_space<vmem>> -> memref<125xi32, #tpu.memory_space<vmem>>
        %dma_wait3A_530 = arith.constant 0 : i32
        %dma_wait3A_531 = tpu.memref_slice %arg22[%dma_wait3A_530] : memref<10000xf32, #tpu.memory_space<vmem_shared>> -> memref<10000xf32, #tpu.memory_space<vmem_shared>>
        tpu.wait_indirect_dma semaphore(%arg19 : memref<!tpu.dma_semaphore, #tpu.memory_space<semaphore_mem>>) src(%arg15 : memref<125xf32, #tpu.memory_space<vmem>>) dst(%dma_wait3A_531 : memref<10000xf32, #tpu.memory_space<vmem_shared>>)
      } else {
      }
      %dma_start3A_522 = arith.constant 0 : i32
      %dma_start3A_523 = tpu.memref_slice %arg12[%add3A_476, %dma_start3A_522] : memref<20x125xi32, #tpu.memory_space<vmem>> -> memref<1x125xi32, #tpu.memory_space<vmem>>
      %dma_start3A_524 = tpu.memref_squeeze %dma_start3A_523 : memref<1x125xi32, #tpu.memory_space<vmem>> -> memref<125xi32, #tpu.memory_space<vmem>>
      %dma_start3A_525 = arith.constant 0 : i32
      %dma_start3A_526 = tpu.memref_slice %arg22[%dma_start3A_525] : memref<10000xf32, #tpu.memory_space<vmem_shared>> -> memref<10000xf32, #tpu.memory_space<vmem_shared>>
      tpu.enqueue_indirect_dma source(%arg15 : memref<125xf32, #tpu.memory_space<vmem>>) target(%dma_start3A_526 : memref<10000xf32, #tpu.memory_space<vmem_shared>>) offsets(%dma_start3A_524 : memref<125xi32, #tpu.memory_space<vmem>>) semaphore(%arg19 : memref<!tpu.dma_semaphore, #tpu.memory_space<semaphore_mem>>) {add = true}
    }
    %scan3A_199 = arith.constant 9 : i32
    %dma_wait3A_200 = arith.constant 0 : i32
    %dma_wait3A_201 = arith.constant 2 : i32
    %dma_wait3A_202 = arith.constant 0 : i32
    %dma_wait3A_203 = arith.constant 0 : i32
    %dma_wait3A_204 = tpu.memref_slice %arg3[%dma_wait3A_200, %add3A, %dma_wait3A_201, %dma_wait3A_202, %dma_wait3A_203] : memref<2x32x4x20x125xi32, #tpu.memory_space<hbm>> -> memref<1x1x1x20x125xi32, #tpu.memory_space<hbm>>
    %dma_wait3A_205 = tpu.memref_squeeze %dma_wait3A_204 : memref<1x1x1x20x125xi32, #tpu.memory_space<hbm>> -> memref<20x125xi32, #tpu.memory_space<hbm>>
    %dma_wait3A_206 = arith.constant 0 : i32
    %dma_wait3A_207 = arith.constant 0 : i32
    %dma_wait3A_208 = tpu.memref_slice %arg3[%dma_wait3A_200, %add3A, %dma_wait3A_201, %dma_wait3A_206, %dma_wait3A_207] : memref<2x32x4x20x125xi32, #tpu.memory_space<hbm>> -> memref<1x1x1x20x125xi32, #tpu.memory_space<hbm>>
    %dma_wait3A_209 = tpu.memref_squeeze %dma_wait3A_208 : memref<1x1x1x20x125xi32, #tpu.memory_space<hbm>> -> memref<20x125xi32, #tpu.memory_space<hbm>>
    tpu.wait_dma2 semaphore(%arg20 : memref<!tpu.dma_semaphore, #tpu.memory_space<semaphore_mem>>) src(%dma_wait3A_209 : memref<20x125xi32, #tpu.memory_space<hbm>>) dst(%arg9 : memref<20x125xi32, #tpu.memory_space<vmem>>)
    %dma_wait3A_210 = arith.constant 1 : i32
    %dma_wait3A_211 = arith.constant 2 : i32
    %dma_wait3A_212 = arith.constant 0 : i32
    %dma_wait3A_213 = arith.constant 0 : i32
    %dma_wait3A_214 = tpu.memref_slice %arg3[%dma_wait3A_210, %add3A, %dma_wait3A_211, %dma_wait3A_212, %dma_wait3A_213] : memref<2x32x4x20x125xi32, #tpu.memory_space<hbm>> -> memref<1x1x1x20x125xi32, #tpu.memory_space<hbm>>
    %dma_wait3A_215 = tpu.memref_squeeze %dma_wait3A_214 : memref<1x1x1x20x125xi32, #tpu.memory_space<hbm>> -> memref<20x125xi32, #tpu.memory_space<hbm>>
    %dma_wait3A_216 = arith.constant 0 : i32
    %dma_wait3A_217 = arith.constant 0 : i32
    %dma_wait3A_218 = tpu.memref_slice %arg3[%dma_wait3A_210, %add3A, %dma_wait3A_211, %dma_wait3A_216, %dma_wait3A_217] : memref<2x32x4x20x125xi32, #tpu.memory_space<hbm>> -> memref<1x1x1x20x125xi32, #tpu.memory_space<hbm>>
    %dma_wait3A_219 = tpu.memref_squeeze %dma_wait3A_218 : memref<1x1x1x20x125xi32, #tpu.memory_space<hbm>> -> memref<20x125xi32, #tpu.memory_space<hbm>>
    tpu.wait_dma2 semaphore(%arg20 : memref<!tpu.dma_semaphore, #tpu.memory_space<semaphore_mem>>) src(%dma_wait3A_219 : memref<20x125xi32, #tpu.memory_space<hbm>>) dst(%arg11 : memref<20x125xi32, #tpu.memory_space<vmem>>)
    %dma_wait3A_220 = arith.constant 18 : i32
    %dma_wait3A_221 = arith.constant 0 : i32
    %dma_wait3A_222 = tpu.memref_slice %arg10[%dma_wait3A_220, %dma_wait3A_221] : memref<20x125xi32, #tpu.memory_space<vmem>> -> memref<1x125xi32, #tpu.memory_space<vmem>>
    %dma_wait3A_223 = tpu.memref_squeeze %dma_wait3A_222 : memref<1x125xi32, #tpu.memory_space<vmem>> -> memref<125xi32, #tpu.memory_space<vmem>>
    %dma_wait3A_224 = arith.constant 0 : i32
    %dma_wait3A_225 = arith.constant 0 : i32
    %dma_wait3A_226 = tpu.memref_slice %arg2[%dma_wait3A_224, %dma_wait3A_225] : memref<10000x128xf32, #tpu.memory_space<hbm>> -> memref<10000x128xf32, #tpu.memory_space<hbm>>
    tpu.wait_indirect_dma semaphore(%arg16 : memref<!tpu.dma_semaphore, #tpu.memory_space<semaphore_mem>>) src(%dma_wait3A_226 : memref<10000x128xf32, #tpu.memory_space<hbm>>) dst(%arg13 : memref<125x128xf32, #tpu.memory_space<vmem>>)
    %run_scoped3A_227 = arith.constant 18 : i32
    "tpu.region"() ({
      %run_scoped3A_472 = tpu.sem_alloc : memref<!tpu.dma_semaphore, #tpu.memory_space<semaphore_mem>>
      %dma_start3A_473 = arith.constant 0 : i32
      %dma_start3A_474 = tpu.memref_slice %arg12[%run_scoped3A_227, %dma_start3A_473] : memref<20x125xi32, #tpu.memory_space<vmem>> -> memref<1x125xi32, #tpu.memory_space<vmem>>
      %dma_start3A_475 = tpu.memref_squeeze %dma_start3A_474 : memref<1x125xi32, #tpu.memory_space<vmem>> -> memref<125xi32, #tpu.memory_space<vmem>>
      %dma_start3A_476 = arith.constant 0 : i32
      %dma_start3A_477 = arith.constant 0 : i32
      %dma_start3A_478 = tpu.memref_slice %arg21[%dma_start3A_476, %dma_start3A_477] : memref<10000x128xf32, #tpu.memory_space<vmem_shared>> -> memref<10000x128xf32, #tpu.memory_space<vmem_shared>>
      tpu.enqueue_indirect_dma source(%arg13 : memref<125x128xf32, #tpu.memory_space<vmem>>) target(%dma_start3A_478 : memref<10000x128xf32, #tpu.memory_space<vmem_shared>>) offsets(%dma_start3A_475 : memref<125xi32, #tpu.memory_space<vmem>>) semaphore(%run_scoped3A_472 : memref<!tpu.dma_semaphore, #tpu.memory_space<semaphore_mem>>) {add = true}
      %dma_wait3A_479 = arith.constant 0 : i32
      %dma_wait3A_480 = tpu.memref_slice %arg12[%run_scoped3A_227, %dma_wait3A_479] : memref<20x125xi32, #tpu.memory_space<vmem>> -> memref<1x125xi32, #tpu.memory_space<vmem>>
      %dma_wait3A_481 = tpu.memref_squeeze %dma_wait3A_480 : memref<1x125xi32, #tpu.memory_space<vmem>> -> memref<125xi32, #tpu.memory_space<vmem>>
      %dma_wait3A_482 = arith.constant 0 : i32
      %dma_wait3A_483 = arith.constant 0 : i32
      %dma_wait3A_484 = tpu.memref_slice %arg21[%dma_wait3A_482, %dma_wait3A_483] : memref<10000x128xf32, #tpu.memory_space<vmem_shared>> -> memref<10000x128xf32, #tpu.memory_space<vmem_shared>>
      tpu.wait_indirect_dma semaphore(%run_scoped3A_472 : memref<!tpu.dma_semaphore, #tpu.memory_space<semaphore_mem>>) src(%arg13 : memref<125x128xf32, #tpu.memory_space<vmem>>) dst(%dma_wait3A_484 : memref<10000x128xf32, #tpu.memory_space<vmem_shared>>)
      tpu.yield
    }) : () -> ()
    %dma_start3A_228 = arith.constant 0 : i32
    %dma_start3A_229 = arith.constant 0 : i32
    %dma_start3A_230 = tpu.memref_slice %arg9[%dma_start3A_228, %dma_start3A_229] : memref<20x125xi32, #tpu.memory_space<vmem>> -> memref<1x125xi32, #tpu.memory_space<vmem>>
    %dma_start3A_231 = tpu.memref_squeeze %dma_start3A_230 : memref<1x125xi32, #tpu.memory_space<vmem>> -> memref<125xi32, #tpu.memory_space<vmem>>
    %dma_start3A_232 = arith.constant 0 : i32
    %dma_start3A_233 = arith.constant 0 : i32
    %dma_start3A_234 = tpu.memref_slice %arg2[%dma_start3A_232, %dma_start3A_233] : memref<10000x128xf32, #tpu.memory_space<hbm>> -> memref<10000x128xf32, #tpu.memory_space<hbm>>
    tpu.enqueue_indirect_dma source(%dma_start3A_234 : memref<10000x128xf32, #tpu.memory_space<hbm>>) target(%arg13 : memref<125x128xf32, #tpu.memory_space<vmem>>) offsets(%dma_start3A_231 : memref<125xi32, #tpu.memory_space<vmem>>) semaphore(%arg16 : memref<!tpu.dma_semaphore, #tpu.memory_space<semaphore_mem>>)
    %dma_wait3A_235 = arith.constant 16 : i32
    %dma_wait3A_236 = arith.constant 0 : i32
    %dma_wait3A_237 = tpu.memref_slice %arg12[%dma_wait3A_235, %dma_wait3A_236] : memref<20x125xi32, #tpu.memory_space<vmem>> -> memref<1x125xi32, #tpu.memory_space<vmem>>
    %dma_wait3A_238 = tpu.memref_squeeze %dma_wait3A_237 : memref<1x125xi32, #tpu.memory_space<vmem>> -> memref<125xi32, #tpu.memory_space<vmem>>
    %dma_wait3A_239 = arith.constant 0 : i32
    %dma_wait3A_240 = tpu.memref_slice %arg22[%dma_wait3A_239] : memref<10000xf32, #tpu.memory_space<vmem_shared>> -> memref<10000xf32, #tpu.memory_space<vmem_shared>>
    tpu.wait_indirect_dma semaphore(%arg18 : memref<!tpu.dma_semaphore, #tpu.memory_space<semaphore_mem>>) src(%arg15 : memref<125xf32, #tpu.memory_space<vmem>>) dst(%dma_wait3A_240 : memref<10000xf32, #tpu.memory_space<vmem_shared>>)
    %dma_start3A_241 = arith.constant 18 : i32
    %dma_start3A_242 = arith.constant 0 : i32
    %dma_start3A_243 = tpu.memref_slice %arg12[%dma_start3A_241, %dma_start3A_242] : memref<20x125xi32, #tpu.memory_space<vmem>> -> memref<1x125xi32, #tpu.memory_space<vmem>>
    %dma_start3A_244 = tpu.memref_squeeze %dma_start3A_243 : memref<1x125xi32, #tpu.memory_space<vmem>> -> memref<125xi32, #tpu.memory_space<vmem>>
    %dma_start3A_245 = arith.constant 0 : i32
    %dma_start3A_246 = tpu.memref_slice %arg22[%dma_start3A_245] : memref<10000xf32, #tpu.memory_space<vmem_shared>> -> memref<10000xf32, #tpu.memory_space<vmem_shared>>
    tpu.enqueue_indirect_dma source(%arg15 : memref<125xf32, #tpu.memory_space<vmem>>) target(%dma_start3A_246 : memref<10000xf32, #tpu.memory_space<vmem_shared>>) offsets(%dma_start3A_244 : memref<125xi32, #tpu.memory_space<vmem>>) semaphore(%arg18 : memref<!tpu.dma_semaphore, #tpu.memory_space<semaphore_mem>>) {add = true}
    %dma_wait3A_247 = arith.constant 19 : i32
    %dma_wait3A_248 = arith.constant 0 : i32
    %dma_wait3A_249 = tpu.memref_slice %arg10[%dma_wait3A_247, %dma_wait3A_248] : memref<20x125xi32, #tpu.memory_space<vmem>> -> memref<1x125xi32, #tpu.memory_space<vmem>>
    %dma_wait3A_250 = tpu.memref_squeeze %dma_wait3A_249 : memref<1x125xi32, #tpu.memory_space<vmem>> -> memref<125xi32, #tpu.memory_space<vmem>>
    %dma_wait3A_251 = arith.constant 0 : i32
    %dma_wait3A_252 = arith.constant 0 : i32
    %dma_wait3A_253 = tpu.memref_slice %arg2[%dma_wait3A_251, %dma_wait3A_252] : memref<10000x128xf32, #tpu.memory_space<hbm>> -> memref<10000x128xf32, #tpu.memory_space<hbm>>
    tpu.wait_indirect_dma semaphore(%arg17 : memref<!tpu.dma_semaphore, #tpu.memory_space<semaphore_mem>>) src(%dma_wait3A_253 : memref<10000x128xf32, #tpu.memory_space<hbm>>) dst(%arg14 : memref<125x128xf32, #tpu.memory_space<vmem>>)
    %run_scoped3A_254 = arith.constant 19 : i32
    "tpu.region"() ({
      %run_scoped3A_472 = tpu.sem_alloc : memref<!tpu.dma_semaphore, #tpu.memory_space<semaphore_mem>>
      %dma_start3A_473 = arith.constant 0 : i32
      %dma_start3A_474 = tpu.memref_slice %arg12[%run_scoped3A_254, %dma_start3A_473] : memref<20x125xi32, #tpu.memory_space<vmem>> -> memref<1x125xi32, #tpu.memory_space<vmem>>
      %dma_start3A_475 = tpu.memref_squeeze %dma_start3A_474 : memref<1x125xi32, #tpu.memory_space<vmem>> -> memref<125xi32, #tpu.memory_space<vmem>>
      %dma_start3A_476 = arith.constant 0 : i32
      %dma_start3A_477 = arith.constant 0 : i32
      %dma_start3A_478 = tpu.memref_slice %arg21[%dma_start3A_476, %dma_start3A_477] : memref<10000x128xf32, #tpu.memory_space<vmem_shared>> -> memref<10000x128xf32, #tpu.memory_space<vmem_shared>>
      tpu.enqueue_indirect_dma source(%arg14 : memref<125x128xf32, #tpu.memory_space<vmem>>) target(%dma_start3A_478 : memref<10000x128xf32, #tpu.memory_space<vmem_shared>>) offsets(%dma_start3A_475 : memref<125xi32, #tpu.memory_space<vmem>>) semaphore(%run_scoped3A_472 : memref<!tpu.dma_semaphore, #tpu.memory_space<semaphore_mem>>) {add = true}
      %dma_wait3A_479 = arith.constant 0 : i32
      %dma_wait3A_480 = tpu.memref_slice %arg12[%run_scoped3A_254, %dma_wait3A_479] : memref<20x125xi32, #tpu.memory_space<vmem>> -> memref<1x125xi32, #tpu.memory_space<vmem>>
      %dma_wait3A_481 = tpu.memref_squeeze %dma_wait3A_480 : memref<1x125xi32, #tpu.memory_space<vmem>> -> memref<125xi32, #tpu.memory_space<vmem>>
      %dma_wait3A_482 = arith.constant 0 : i32
      %dma_wait3A_483 = arith.constant 0 : i32
      %dma_wait3A_484 = tpu.memref_slice %arg21[%dma_wait3A_482, %dma_wait3A_483] : memref<10000x128xf32, #tpu.memory_space<vmem_shared>> -> memref<10000x128xf32, #tpu.memory_space<vmem_shared>>
      tpu.wait_indirect_dma semaphore(%run_scoped3A_472 : memref<!tpu.dma_semaphore, #tpu.memory_space<semaphore_mem>>) src(%arg14 : memref<125x128xf32, #tpu.memory_space<vmem>>) dst(%dma_wait3A_484 : memref<10000x128xf32, #tpu.memory_space<vmem_shared>>)
      tpu.yield
    }) : () -> ()
    %dma_start3A_255 = arith.constant 1 : i32
    %dma_start3A_256 = arith.constant 0 : i32
    %dma_start3A_257 = tpu.memref_slice %arg9[%dma_start3A_255, %dma_start3A_256] : memref<20x125xi32, #tpu.memory_space<vmem>> -> memref<1x125xi32, #tpu.memory_space<vmem>>
    %dma_start3A_258 = tpu.memref_squeeze %dma_start3A_257 : memref<1x125xi32, #tpu.memory_space<vmem>> -> memref<125xi32, #tpu.memory_space<vmem>>
    %dma_start3A_259 = arith.constant 0 : i32
    %dma_start3A_260 = arith.constant 0 : i32
    %dma_start3A_261 = tpu.memref_slice %arg2[%dma_start3A_259, %dma_start3A_260] : memref<10000x128xf32, #tpu.memory_space<hbm>> -> memref<10000x128xf32, #tpu.memory_space<hbm>>
    tpu.enqueue_indirect_dma source(%dma_start3A_261 : memref<10000x128xf32, #tpu.memory_space<hbm>>) target(%arg14 : memref<125x128xf32, #tpu.memory_space<vmem>>) offsets(%dma_start3A_258 : memref<125xi32, #tpu.memory_space<vmem>>) semaphore(%arg17 : memref<!tpu.dma_semaphore, #tpu.memory_space<semaphore_mem>>)
    %dma_wait3A_262 = arith.constant 17 : i32
    %dma_wait3A_263 = arith.constant 0 : i32
    %dma_wait3A_264 = tpu.memref_slice %arg12[%dma_wait3A_262, %dma_wait3A_263] : memref<20x125xi32, #tpu.memory_space<vmem>> -> memref<1x125xi32, #tpu.memory_space<vmem>>
    %dma_wait3A_265 = tpu.memref_squeeze %dma_wait3A_264 : memref<1x125xi32, #tpu.memory_space<vmem>> -> memref<125xi32, #tpu.memory_space<vmem>>
    %dma_wait3A_266 = arith.constant 0 : i32
    %dma_wait3A_267 = tpu.memref_slice %arg22[%dma_wait3A_266] : memref<10000xf32, #tpu.memory_space<vmem_shared>> -> memref<10000xf32, #tpu.memory_space<vmem_shared>>
    tpu.wait_indirect_dma semaphore(%arg19 : memref<!tpu.dma_semaphore, #tpu.memory_space<semaphore_mem>>) src(%arg15 : memref<125xf32, #tpu.memory_space<vmem>>) dst(%dma_wait3A_267 : memref<10000xf32, #tpu.memory_space<vmem_shared>>)
    %dma_start3A_268 = arith.constant 19 : i32
    %dma_start3A_269 = arith.constant 0 : i32
    %dma_start3A_270 = tpu.memref_slice %arg12[%dma_start3A_268, %dma_start3A_269] : memref<20x125xi32, #tpu.memory_space<vmem>> -> memref<1x125xi32, #tpu.memory_space<vmem>>
    %dma_start3A_271 = tpu.memref_squeeze %dma_start3A_270 : memref<1x125xi32, #tpu.memory_space<vmem>> -> memref<125xi32, #tpu.memory_space<vmem>>
    %dma_start3A_272 = arith.constant 0 : i32
    %dma_start3A_273 = tpu.memref_slice %arg22[%dma_start3A_272] : memref<10000xf32, #tpu.memory_space<vmem_shared>> -> memref<10000xf32, #tpu.memory_space<vmem_shared>>
    tpu.enqueue_indirect_dma source(%arg15 : memref<125xf32, #tpu.memory_space<vmem>>) target(%dma_start3A_273 : memref<10000xf32, #tpu.memory_space<vmem_shared>>) offsets(%dma_start3A_271 : memref<125xi32, #tpu.memory_space<vmem>>) semaphore(%arg19 : memref<!tpu.dma_semaphore, #tpu.memory_space<semaphore_mem>>) {add = true}
    %dma_wait3A_274 = arith.constant 18 : i32
    %dma_wait3A_275 = arith.constant 0 : i32
    %dma_wait3A_276 = tpu.memref_slice %arg12[%dma_wait3A_274, %dma_wait3A_275] : memref<20x125xi32, #tpu.memory_space<vmem>> -> memref<1x125xi32, #tpu.memory_space<vmem>>
    %dma_wait3A_277 = tpu.memref_squeeze %dma_wait3A_276 : memref<1x125xi32, #tpu.memory_space<vmem>> -> memref<125xi32, #tpu.memory_space<vmem>>
    %dma_wait3A_278 = arith.constant 0 : i32
    %dma_wait3A_279 = tpu.memref_slice %arg22[%dma_wait3A_278] : memref<10000xf32, #tpu.memory_space<vmem_shared>> -> memref<10000xf32, #tpu.memory_space<vmem_shared>>
    tpu.wait_indirect_dma semaphore(%arg18 : memref<!tpu.dma_semaphore, #tpu.memory_space<semaphore_mem>>) src(%arg15 : memref<125xf32, #tpu.memory_space<vmem>>) dst(%dma_wait3A_279 : memref<10000xf32, #tpu.memory_space<vmem_shared>>)
    %dma_wait3A_280 = arith.constant 19 : i32
    %dma_wait3A_281 = arith.constant 0 : i32
    %dma_wait3A_282 = tpu.memref_slice %arg12[%dma_wait3A_280, %dma_wait3A_281] : memref<20x125xi32, #tpu.memory_space<vmem>> -> memref<1x125xi32, #tpu.memory_space<vmem>>
    %dma_wait3A_283 = tpu.memref_squeeze %dma_wait3A_282 : memref<1x125xi32, #tpu.memory_space<vmem>> -> memref<125xi32, #tpu.memory_space<vmem>>
    %dma_wait3A_284 = arith.constant 0 : i32
    %dma_wait3A_285 = tpu.memref_slice %arg22[%dma_wait3A_284] : memref<10000xf32, #tpu.memory_space<vmem_shared>> -> memref<10000xf32, #tpu.memory_space<vmem_shared>>
    tpu.wait_indirect_dma semaphore(%arg19 : memref<!tpu.dma_semaphore, #tpu.memory_space<semaphore_mem>>) src(%arg15 : memref<125xf32, #tpu.memory_space<vmem>>) dst(%dma_wait3A_285 : memref<10000xf32, #tpu.memory_space<vmem_shared>>)
    %dma_start3A_286 = arith.constant 0 : i32
    %dma_start3A_287 = arith.constant 3 : i32
    %dma_start3A_288 = arith.constant 0 : i32
    %dma_start3A_289 = arith.constant 0 : i32
    %dma_start3A_290 = tpu.memref_slice %arg3[%dma_start3A_286, %add3A, %dma_start3A_287, %dma_start3A_288, %dma_start3A_289] : memref<2x32x4x20x125xi32, #tpu.memory_space<hbm>> -> memref<1x1x1x20x125xi32, #tpu.memory_space<hbm>>
    %dma_start3A_291 = tpu.memref_squeeze %dma_start3A_290 : memref<1x1x1x20x125xi32, #tpu.memory_space<hbm>> -> memref<20x125xi32, #tpu.memory_space<hbm>>
    %dma_start3A_292 = arith.constant 0 : i32
    %dma_start3A_293 = arith.constant 0 : i32
    %dma_start3A_294 = tpu.memref_slice %arg3[%dma_start3A_286, %add3A, %dma_start3A_287, %dma_start3A_292, %dma_start3A_293] : memref<2x32x4x20x125xi32, #tpu.memory_space<hbm>> -> memref<1x1x1x20x125xi32, #tpu.memory_space<hbm>>
    %dma_start3A_295 = tpu.memref_squeeze %dma_start3A_294 : memref<1x1x1x20x125xi32, #tpu.memory_space<hbm>> -> memref<20x125xi32, #tpu.memory_space<hbm>>
    tpu.enqueue_dma source(%dma_start3A_295 : memref<20x125xi32, #tpu.memory_space<hbm>>) target(%arg10 : memref<20x125xi32, #tpu.memory_space<vmem>>) target_semaphore(%arg20 : memref<!tpu.dma_semaphore, #tpu.memory_space<semaphore_mem>>)
    %dma_start3A_296 = arith.constant 1 : i32
    %dma_start3A_297 = arith.constant 3 : i32
    %dma_start3A_298 = arith.constant 0 : i32
    %dma_start3A_299 = arith.constant 0 : i32
    %dma_start3A_300 = tpu.memref_slice %arg3[%dma_start3A_296, %add3A, %dma_start3A_297, %dma_start3A_298, %dma_start3A_299] : memref<2x32x4x20x125xi32, #tpu.memory_space<hbm>> -> memref<1x1x1x20x125xi32, #tpu.memory_space<hbm>>
    %dma_start3A_301 = tpu.memref_squeeze %dma_start3A_300 : memref<1x1x1x20x125xi32, #tpu.memory_space<hbm>> -> memref<20x125xi32, #tpu.memory_space<hbm>>
    %dma_start3A_302 = arith.constant 0 : i32
    %dma_start3A_303 = arith.constant 0 : i32
    %dma_start3A_304 = tpu.memref_slice %arg3[%dma_start3A_296, %add3A, %dma_start3A_297, %dma_start3A_302, %dma_start3A_303] : memref<2x32x4x20x125xi32, #tpu.memory_space<hbm>> -> memref<1x1x1x20x125xi32, #tpu.memory_space<hbm>>
    %dma_start3A_305 = tpu.memref_squeeze %dma_start3A_304 : memref<1x1x1x20x125xi32, #tpu.memory_space<hbm>> -> memref<20x125xi32, #tpu.memory_space<hbm>>
    tpu.enqueue_dma source(%dma_start3A_305 : memref<20x125xi32, #tpu.memory_space<hbm>>) target(%arg12 : memref<20x125xi32, #tpu.memory_space<vmem>>) target_semaphore(%arg20 : memref<!tpu.dma_semaphore, #tpu.memory_space<semaphore_mem>>)
    %scan3A_306 = arith.constant 0 : i32
    %scan3A_307 = arith.constant 0 : i32
    %scan3A_308 = arith.constant 9 : i32
    %scan3A_309 = arith.addi %scan3A_307, %scan3A_308 : i32
    %scan3A_310 = arith.constant 1 : i32
    scf.for %scan3A_472 = %scan3A_307 to %scan3A_309 step %scan3A_310  : i32 {
      %mul3A_473 = arith.constant 2 : i32
      %mul3A_474 = arith.muli %mul3A_473, %scan3A_472 : i32
      %add3A_475 = arith.constant 1 : i32
      %add3A_476 = arith.addi %mul3A_474, %add3A_475 : i32
      %add3A_477 = arith.constant 2 : i32
      %add3A_478 = arith.addi %mul3A_474, %add3A_477 : i32
      %ge3A = arith.constant 1 : i32
      %ge3A_479 = arith.cmpi sge, %scan3A_472, %ge3A : i32
      %sub3A = arith.constant 2 : i32
      %sub3A_480 = arith.subi %mul3A_474, %sub3A : i32
      %dma_wait3A_481 = arith.constant 0 : i32
      %dma_wait3A_482 = tpu.memref_slice %arg9[%mul3A_474, %dma_wait3A_481] : memref<20x125xi32, #tpu.memory_space<vmem>> -> memref<1x125xi32, #tpu.memory_space<vmem>>
      %dma_wait3A_483 = tpu.memref_squeeze %dma_wait3A_482 : memref<1x125xi32, #tpu.memory_space<vmem>> -> memref<125xi32, #tpu.memory_space<vmem>>
      %dma_wait3A_484 = arith.constant 0 : i32
      %dma_wait3A_485 = arith.constant 0 : i32
      %dma_wait3A_486 = tpu.memref_slice %arg2[%dma_wait3A_484, %dma_wait3A_485] : memref<10000x128xf32, #tpu.memory_space<hbm>> -> memref<10000x128xf32, #tpu.memory_space<hbm>>
      tpu.wait_indirect_dma semaphore(%arg16 : memref<!tpu.dma_semaphore, #tpu.memory_space<semaphore_mem>>) src(%dma_wait3A_486 : memref<10000x128xf32, #tpu.memory_space<hbm>>) dst(%arg13 : memref<125x128xf32, #tpu.memory_space<vmem>>)
      "tpu.region"() ({
        %run_scoped3A_527 = tpu.sem_alloc : memref<!tpu.dma_semaphore, #tpu.memory_space<semaphore_mem>>
        %dma_start3A_528 = arith.constant 0 : i32
        %dma_start3A_529 = tpu.memref_slice %arg11[%mul3A_474, %dma_start3A_528] : memref<20x125xi32, #tpu.memory_space<vmem>> -> memref<1x125xi32, #tpu.memory_space<vmem>>
        %dma_start3A_530 = tpu.memref_squeeze %dma_start3A_529 : memref<1x125xi32, #tpu.memory_space<vmem>> -> memref<125xi32, #tpu.memory_space<vmem>>
        %dma_start3A_531 = arith.constant 0 : i32
        %dma_start3A_532 = arith.constant 0 : i32
        %dma_start3A_533 = tpu.memref_slice %arg21[%dma_start3A_531, %dma_start3A_532] : memref<10000x128xf32, #tpu.memory_space<vmem_shared>> -> memref<10000x128xf32, #tpu.memory_space<vmem_shared>>
        tpu.enqueue_indirect_dma source(%arg13 : memref<125x128xf32, #tpu.memory_space<vmem>>) target(%dma_start3A_533 : memref<10000x128xf32, #tpu.memory_space<vmem_shared>>) offsets(%dma_start3A_530 : memref<125xi32, #tpu.memory_space<vmem>>) semaphore(%run_scoped3A_527 : memref<!tpu.dma_semaphore, #tpu.memory_space<semaphore_mem>>) {add = true}
        %dma_wait3A_534 = arith.constant 0 : i32
        %dma_wait3A_535 = tpu.memref_slice %arg11[%mul3A_474, %dma_wait3A_534] : memref<20x125xi32, #tpu.memory_space<vmem>> -> memref<1x125xi32, #tpu.memory_space<vmem>>
        %dma_wait3A_536 = tpu.memref_squeeze %dma_wait3A_535 : memref<1x125xi32, #tpu.memory_space<vmem>> -> memref<125xi32, #tpu.memory_space<vmem>>
        %dma_wait3A_537 = arith.constant 0 : i32
        %dma_wait3A_538 = arith.constant 0 : i32
        %dma_wait3A_539 = tpu.memref_slice %arg21[%dma_wait3A_537, %dma_wait3A_538] : memref<10000x128xf32, #tpu.memory_space<vmem_shared>> -> memref<10000x128xf32, #tpu.memory_space<vmem_shared>>
        tpu.wait_indirect_dma semaphore(%run_scoped3A_527 : memref<!tpu.dma_semaphore, #tpu.memory_space<semaphore_mem>>) src(%arg13 : memref<125x128xf32, #tpu.memory_space<vmem>>) dst(%dma_wait3A_539 : memref<10000x128xf32, #tpu.memory_space<vmem_shared>>)
        tpu.yield
      }) : () -> ()
      %dma_start3A_487 = arith.constant 0 : i32
      %dma_start3A_488 = tpu.memref_slice %arg9[%add3A_478, %dma_start3A_487] : memref<20x125xi32, #tpu.memory_space<vmem>> -> memref<1x125xi32, #tpu.memory_space<vmem>>
      %dma_start3A_489 = tpu.memref_squeeze %dma_start3A_488 : memref<1x125xi32, #tpu.memory_space<vmem>> -> memref<125xi32, #tpu.memory_space<vmem>>
      %dma_start3A_490 = arith.constant 0 : i32
      %dma_start3A_491 = arith.constant 0 : i32
      %dma_start3A_492 = tpu.memref_slice %arg2[%dma_start3A_490, %dma_start3A_491] : memref<10000x128xf32, #tpu.memory_space<hbm>> -> memref<10000x128xf32, #tpu.memory_space<hbm>>
      tpu.enqueue_indirect_dma source(%dma_start3A_492 : memref<10000x128xf32, #tpu.memory_space<hbm>>) target(%arg13 : memref<125x128xf32, #tpu.memory_space<vmem>>) offsets(%dma_start3A_489 : memref<125xi32, #tpu.memory_space<vmem>>) semaphore(%arg16 : memref<!tpu.dma_semaphore, #tpu.memory_space<semaphore_mem>>)
      %convert_element_type3A_493 = arith.extui %ge3A_479 : i1 to i32
      %cond3A_494 = arith.constant 0 : i32
      %cond3A_495 = arith.cmpi ne, %convert_element_type3A_493, %cond3A_494 : i32
      scf.if %cond3A_495 {
        %dma_wait3A_527 = arith.constant 0 : i32
        %dma_wait3A_528 = tpu.memref_slice %arg11[%sub3A_480, %dma_wait3A_527] : memref<20x125xi32, #tpu.memory_space<vmem>> -> memref<1x125xi32, #tpu.memory_space<vmem>>
        %dma_wait3A_529 = tpu.memref_squeeze %dma_wait3A_528 : memref<1x125xi32, #tpu.memory_space<vmem>> -> memref<125xi32, #tpu.memory_space<vmem>>
        %dma_wait3A_530 = arith.constant 0 : i32
        %dma_wait3A_531 = tpu.memref_slice %arg22[%dma_wait3A_530] : memref<10000xf32, #tpu.memory_space<vmem_shared>> -> memref<10000xf32, #tpu.memory_space<vmem_shared>>
        tpu.wait_indirect_dma semaphore(%arg18 : memref<!tpu.dma_semaphore, #tpu.memory_space<semaphore_mem>>) src(%arg15 : memref<125xf32, #tpu.memory_space<vmem>>) dst(%dma_wait3A_531 : memref<10000xf32, #tpu.memory_space<vmem_shared>>)
      } else {
      }
      %dma_start3A_496 = arith.constant 0 : i32
      %dma_start3A_497 = tpu.memref_slice %arg11[%mul3A_474, %dma_start3A_496] : memref<20x125xi32, #tpu.memory_space<vmem>> -> memref<1x125xi32, #tpu.memory_space<vmem>>
      %dma_start3A_498 = tpu.memref_squeeze %dma_start3A_497 : memref<1x125xi32, #tpu.memory_space<vmem>> -> memref<125xi32, #tpu.memory_space<vmem>>
      %dma_start3A_499 = arith.constant 0 : i32
      %dma_start3A_500 = tpu.memref_slice %arg22[%dma_start3A_499] : memref<10000xf32, #tpu.memory_space<vmem_shared>> -> memref<10000xf32, #tpu.memory_space<vmem_shared>>
      tpu.enqueue_indirect_dma source(%arg15 : memref<125xf32, #tpu.memory_space<vmem>>) target(%dma_start3A_500 : memref<10000xf32, #tpu.memory_space<vmem_shared>>) offsets(%dma_start3A_498 : memref<125xi32, #tpu.memory_space<vmem>>) semaphore(%arg18 : memref<!tpu.dma_semaphore, #tpu.memory_space<semaphore_mem>>) {add = true}
      %add3A_501 = arith.constant 2 : i32
      %add3A_502 = arith.addi %add3A_476, %add3A_501 : i32
      %ge3A_503 = arith.constant 1 : i32
      %ge3A_504 = arith.cmpi sge, %scan3A_472, %ge3A_503 : i32
      %sub3A_505 = arith.constant 2 : i32
      %sub3A_506 = arith.subi %add3A_476, %sub3A_505 : i32
      %dma_wait3A_507 = arith.constant 0 : i32
      %dma_wait3A_508 = tpu.memref_slice %arg9[%add3A_476, %dma_wait3A_507] : memref<20x125xi32, #tpu.memory_space<vmem>> -> memref<1x125xi32, #tpu.memory_space<vmem>>
      %dma_wait3A_509 = tpu.memref_squeeze %dma_wait3A_508 : memref<1x125xi32, #tpu.memory_space<vmem>> -> memref<125xi32, #tpu.memory_space<vmem>>
      %dma_wait3A_510 = arith.constant 0 : i32
      %dma_wait3A_511 = arith.constant 0 : i32
      %dma_wait3A_512 = tpu.memref_slice %arg2[%dma_wait3A_510, %dma_wait3A_511] : memref<10000x128xf32, #tpu.memory_space<hbm>> -> memref<10000x128xf32, #tpu.memory_space<hbm>>
      tpu.wait_indirect_dma semaphore(%arg17 : memref<!tpu.dma_semaphore, #tpu.memory_space<semaphore_mem>>) src(%dma_wait3A_512 : memref<10000x128xf32, #tpu.memory_space<hbm>>) dst(%arg14 : memref<125x128xf32, #tpu.memory_space<vmem>>)
      "tpu.region"() ({
        %run_scoped3A_527 = tpu.sem_alloc : memref<!tpu.dma_semaphore, #tpu.memory_space<semaphore_mem>>
        %dma_start3A_528 = arith.constant 0 : i32
        %dma_start3A_529 = tpu.memref_slice %arg11[%add3A_476, %dma_start3A_528] : memref<20x125xi32, #tpu.memory_space<vmem>> -> memref<1x125xi32, #tpu.memory_space<vmem>>
        %dma_start3A_530 = tpu.memref_squeeze %dma_start3A_529 : memref<1x125xi32, #tpu.memory_space<vmem>> -> memref<125xi32, #tpu.memory_space<vmem>>
        %dma_start3A_531 = arith.constant 0 : i32
        %dma_start3A_532 = arith.constant 0 : i32
        %dma_start3A_533 = tpu.memref_slice %arg21[%dma_start3A_531, %dma_start3A_532] : memref<10000x128xf32, #tpu.memory_space<vmem_shared>> -> memref<10000x128xf32, #tpu.memory_space<vmem_shared>>
        tpu.enqueue_indirect_dma source(%arg14 : memref<125x128xf32, #tpu.memory_space<vmem>>) target(%dma_start3A_533 : memref<10000x128xf32, #tpu.memory_space<vmem_shared>>) offsets(%dma_start3A_530 : memref<125xi32, #tpu.memory_space<vmem>>) semaphore(%run_scoped3A_527 : memref<!tpu.dma_semaphore, #tpu.memory_space<semaphore_mem>>) {add = true}
        %dma_wait3A_534 = arith.constant 0 : i32
        %dma_wait3A_535 = tpu.memref_slice %arg11[%add3A_476, %dma_wait3A_534] : memref<20x125xi32, #tpu.memory_space<vmem>> -> memref<1x125xi32, #tpu.memory_space<vmem>>
        %dma_wait3A_536 = tpu.memref_squeeze %dma_wait3A_535 : memref<1x125xi32, #tpu.memory_space<vmem>> -> memref<125xi32, #tpu.memory_space<vmem>>
        %dma_wait3A_537 = arith.constant 0 : i32
        %dma_wait3A_538 = arith.constant 0 : i32
        %dma_wait3A_539 = tpu.memref_slice %arg21[%dma_wait3A_537, %dma_wait3A_538] : memref<10000x128xf32, #tpu.memory_space<vmem_shared>> -> memref<10000x128xf32, #tpu.memory_space<vmem_shared>>
        tpu.wait_indirect_dma semaphore(%run_scoped3A_527 : memref<!tpu.dma_semaphore, #tpu.memory_space<semaphore_mem>>) src(%arg14 : memref<125x128xf32, #tpu.memory_space<vmem>>) dst(%dma_wait3A_539 : memref<10000x128xf32, #tpu.memory_space<vmem_shared>>)
        tpu.yield
      }) : () -> ()
      %dma_start3A_513 = arith.constant 0 : i32
      %dma_start3A_514 = tpu.memref_slice %arg9[%add3A_502, %dma_start3A_513] : memref<20x125xi32, #tpu.memory_space<vmem>> -> memref<1x125xi32, #tpu.memory_space<vmem>>
      %dma_start3A_515 = tpu.memref_squeeze %dma_start3A_514 : memref<1x125xi32, #tpu.memory_space<vmem>> -> memref<125xi32, #tpu.memory_space<vmem>>
      %dma_start3A_516 = arith.constant 0 : i32
      %dma_start3A_517 = arith.constant 0 : i32
      %dma_start3A_518 = tpu.memref_slice %arg2[%dma_start3A_516, %dma_start3A_517] : memref<10000x128xf32, #tpu.memory_space<hbm>> -> memref<10000x128xf32, #tpu.memory_space<hbm>>
      tpu.enqueue_indirect_dma source(%dma_start3A_518 : memref<10000x128xf32, #tpu.memory_space<hbm>>) target(%arg14 : memref<125x128xf32, #tpu.memory_space<vmem>>) offsets(%dma_start3A_515 : memref<125xi32, #tpu.memory_space<vmem>>) semaphore(%arg17 : memref<!tpu.dma_semaphore, #tpu.memory_space<semaphore_mem>>)
      %convert_element_type3A_519 = arith.extui %ge3A_504 : i1 to i32
      %cond3A_520 = arith.constant 0 : i32
      %cond3A_521 = arith.cmpi ne, %convert_element_type3A_519, %cond3A_520 : i32
      scf.if %cond3A_521 {
        %dma_wait3A_527 = arith.constant 0 : i32
        %dma_wait3A_528 = tpu.memref_slice %arg11[%sub3A_506, %dma_wait3A_527] : memref<20x125xi32, #tpu.memory_space<vmem>> -> memref<1x125xi32, #tpu.memory_space<vmem>>
        %dma_wait3A_529 = tpu.memref_squeeze %dma_wait3A_528 : memref<1x125xi32, #tpu.memory_space<vmem>> -> memref<125xi32, #tpu.memory_space<vmem>>
        %dma_wait3A_530 = arith.constant 0 : i32
        %dma_wait3A_531 = tpu.memref_slice %arg22[%dma_wait3A_530] : memref<10000xf32, #tpu.memory_space<vmem_shared>> -> memref<10000xf32, #tpu.memory_space<vmem_shared>>
        tpu.wait_indirect_dma semaphore(%arg19 : memref<!tpu.dma_semaphore, #tpu.memory_space<semaphore_mem>>) src(%arg15 : memref<125xf32, #tpu.memory_space<vmem>>) dst(%dma_wait3A_531 : memref<10000xf32, #tpu.memory_space<vmem_shared>>)
      } else {
      }
      %dma_start3A_522 = arith.constant 0 : i32
      %dma_start3A_523 = tpu.memref_slice %arg11[%add3A_476, %dma_start3A_522] : memref<20x125xi32, #tpu.memory_space<vmem>> -> memref<1x125xi32, #tpu.memory_space<vmem>>
      %dma_start3A_524 = tpu.memref_squeeze %dma_start3A_523 : memref<1x125xi32, #tpu.memory_space<vmem>> -> memref<125xi32, #tpu.memory_space<vmem>>
      %dma_start3A_525 = arith.constant 0 : i32
      %dma_start3A_526 = tpu.memref_slice %arg22[%dma_start3A_525] : memref<10000xf32, #tpu.memory_space<vmem_shared>> -> memref<10000xf32, #tpu.memory_space<vmem_shared>>
      tpu.enqueue_indirect_dma source(%arg15 : memref<125xf32, #tpu.memory_space<vmem>>) target(%dma_start3A_526 : memref<10000xf32, #tpu.memory_space<vmem_shared>>) offsets(%dma_start3A_524 : memref<125xi32, #tpu.memory_space<vmem>>) semaphore(%arg19 : memref<!tpu.dma_semaphore, #tpu.memory_space<semaphore_mem>>) {add = true}
    }
    %scan3A_311 = arith.constant 9 : i32
    %dma_wait3A_312 = arith.constant 0 : i32
    %dma_wait3A_313 = arith.constant 3 : i32
    %dma_wait3A_314 = arith.constant 0 : i32
    %dma_wait3A_315 = arith.constant 0 : i32
    %dma_wait3A_316 = tpu.memref_slice %arg3[%dma_wait3A_312, %add3A, %dma_wait3A_313, %dma_wait3A_314, %dma_wait3A_315] : memref<2x32x4x20x125xi32, #tpu.memory_space<hbm>> -> memref<1x1x1x20x125xi32, #tpu.memory_space<hbm>>
    %dma_wait3A_317 = tpu.memref_squeeze %dma_wait3A_316 : memref<1x1x1x20x125xi32, #tpu.memory_space<hbm>> -> memref<20x125xi32, #tpu.memory_space<hbm>>
    %dma_wait3A_318 = arith.constant 0 : i32
    %dma_wait3A_319 = arith.constant 0 : i32
    %dma_wait3A_320 = tpu.memref_slice %arg3[%dma_wait3A_312, %add3A, %dma_wait3A_313, %dma_wait3A_318, %dma_wait3A_319] : memref<2x32x4x20x125xi32, #tpu.memory_space<hbm>> -> memref<1x1x1x20x125xi32, #tpu.memory_space<hbm>>
    %dma_wait3A_321 = tpu.memref_squeeze %dma_wait3A_320 : memref<1x1x1x20x125xi32, #tpu.memory_space<hbm>> -> memref<20x125xi32, #tpu.memory_space<hbm>>
    tpu.wait_dma2 semaphore(%arg20 : memref<!tpu.dma_semaphore, #tpu.memory_space<semaphore_mem>>) src(%dma_wait3A_321 : memref<20x125xi32, #tpu.memory_space<hbm>>) dst(%arg10 : memref<20x125xi32, #tpu.memory_space<vmem>>)
    %dma_wait3A_322 = arith.constant 1 : i32
    %dma_wait3A_323 = arith.constant 3 : i32
    %dma_wait3A_324 = arith.constant 0 : i32
    %dma_wait3A_325 = arith.constant 0 : i32
    %dma_wait3A_326 = tpu.memref_slice %arg3[%dma_wait3A_322, %add3A, %dma_wait3A_323, %dma_wait3A_324, %dma_wait3A_325] : memref<2x32x4x20x125xi32, #tpu.memory_space<hbm>> -> memref<1x1x1x20x125xi32, #tpu.memory_space<hbm>>
    %dma_wait3A_327 = tpu.memref_squeeze %dma_wait3A_326 : memref<1x1x1x20x125xi32, #tpu.memory_space<hbm>> -> memref<20x125xi32, #tpu.memory_space<hbm>>
    %dma_wait3A_328 = arith.constant 0 : i32
    %dma_wait3A_329 = arith.constant 0 : i32
    %dma_wait3A_330 = tpu.memref_slice %arg3[%dma_wait3A_322, %add3A, %dma_wait3A_323, %dma_wait3A_328, %dma_wait3A_329] : memref<2x32x4x20x125xi32, #tpu.memory_space<hbm>> -> memref<1x1x1x20x125xi32, #tpu.memory_space<hbm>>
    %dma_wait3A_331 = tpu.memref_squeeze %dma_wait3A_330 : memref<1x1x1x20x125xi32, #tpu.memory_space<hbm>> -> memref<20x125xi32, #tpu.memory_space<hbm>>
    tpu.wait_dma2 semaphore(%arg20 : memref<!tpu.dma_semaphore, #tpu.memory_space<semaphore_mem>>) src(%dma_wait3A_331 : memref<20x125xi32, #tpu.memory_space<hbm>>) dst(%arg12 : memref<20x125xi32, #tpu.memory_space<vmem>>)
    %dma_wait3A_332 = arith.constant 18 : i32
    %dma_wait3A_333 = arith.constant 0 : i32
    %dma_wait3A_334 = tpu.memref_slice %arg9[%dma_wait3A_332, %dma_wait3A_333] : memref<20x125xi32, #tpu.memory_space<vmem>> -> memref<1x125xi32, #tpu.memory_space<vmem>>
    %dma_wait3A_335 = tpu.memref_squeeze %dma_wait3A_334 : memref<1x125xi32, #tpu.memory_space<vmem>> -> memref<125xi32, #tpu.memory_space<vmem>>
    %dma_wait3A_336 = arith.constant 0 : i32
    %dma_wait3A_337 = arith.constant 0 : i32
    %dma_wait3A_338 = tpu.memref_slice %arg2[%dma_wait3A_336, %dma_wait3A_337] : memref<10000x128xf32, #tpu.memory_space<hbm>> -> memref<10000x128xf32, #tpu.memory_space<hbm>>
    tpu.wait_indirect_dma semaphore(%arg16 : memref<!tpu.dma_semaphore, #tpu.memory_space<semaphore_mem>>) src(%dma_wait3A_338 : memref<10000x128xf32, #tpu.memory_space<hbm>>) dst(%arg13 : memref<125x128xf32, #tpu.memory_space<vmem>>)
    %run_scoped3A_339 = arith.constant 18 : i32
    "tpu.region"() ({
      %run_scoped3A_472 = tpu.sem_alloc : memref<!tpu.dma_semaphore, #tpu.memory_space<semaphore_mem>>
      %dma_start3A_473 = arith.constant 0 : i32
      %dma_start3A_474 = tpu.memref_slice %arg11[%run_scoped3A_339, %dma_start3A_473] : memref<20x125xi32, #tpu.memory_space<vmem>> -> memref<1x125xi32, #tpu.memory_space<vmem>>
      %dma_start3A_475 = tpu.memref_squeeze %dma_start3A_474 : memref<1x125xi32, #tpu.memory_space<vmem>> -> memref<125xi32, #tpu.memory_space<vmem>>
      %dma_start3A_476 = arith.constant 0 : i32
      %dma_start3A_477 = arith.constant 0 : i32
      %dma_start3A_478 = tpu.memref_slice %arg21[%dma_start3A_476, %dma_start3A_477] : memref<10000x128xf32, #tpu.memory_space<vmem_shared>> -> memref<10000x128xf32, #tpu.memory_space<vmem_shared>>
      tpu.enqueue_indirect_dma source(%arg13 : memref<125x128xf32, #tpu.memory_space<vmem>>) target(%dma_start3A_478 : memref<10000x128xf32, #tpu.memory_space<vmem_shared>>) offsets(%dma_start3A_475 : memref<125xi32, #tpu.memory_space<vmem>>) semaphore(%run_scoped3A_472 : memref<!tpu.dma_semaphore, #tpu.memory_space<semaphore_mem>>) {add = true}
      %dma_wait3A_479 = arith.constant 0 : i32
      %dma_wait3A_480 = tpu.memref_slice %arg11[%run_scoped3A_339, %dma_wait3A_479] : memref<20x125xi32, #tpu.memory_space<vmem>> -> memref<1x125xi32, #tpu.memory_space<vmem>>
      %dma_wait3A_481 = tpu.memref_squeeze %dma_wait3A_480 : memref<1x125xi32, #tpu.memory_space<vmem>> -> memref<125xi32, #tpu.memory_space<vmem>>
      %dma_wait3A_482 = arith.constant 0 : i32
      %dma_wait3A_483 = arith.constant 0 : i32
      %dma_wait3A_484 = tpu.memref_slice %arg21[%dma_wait3A_482, %dma_wait3A_483] : memref<10000x128xf32, #tpu.memory_space<vmem_shared>> -> memref<10000x128xf32, #tpu.memory_space<vmem_shared>>
      tpu.wait_indirect_dma semaphore(%run_scoped3A_472 : memref<!tpu.dma_semaphore, #tpu.memory_space<semaphore_mem>>) src(%arg13 : memref<125x128xf32, #tpu.memory_space<vmem>>) dst(%dma_wait3A_484 : memref<10000x128xf32, #tpu.memory_space<vmem_shared>>)
      tpu.yield
    }) : () -> ()
    %dma_start3A_340 = arith.constant 0 : i32
    %dma_start3A_341 = arith.constant 0 : i32
    %dma_start3A_342 = tpu.memref_slice %arg10[%dma_start3A_340, %dma_start3A_341] : memref<20x125xi32, #tpu.memory_space<vmem>> -> memref<1x125xi32, #tpu.memory_space<vmem>>
    %dma_start3A_343 = tpu.memref_squeeze %dma_start3A_342 : memref<1x125xi32, #tpu.memory_space<vmem>> -> memref<125xi32, #tpu.memory_space<vmem>>
    %dma_start3A_344 = arith.constant 0 : i32
    %dma_start3A_345 = arith.constant 0 : i32
    %dma_start3A_346 = tpu.memref_slice %arg2[%dma_start3A_344, %dma_start3A_345] : memref<10000x128xf32, #tpu.memory_space<hbm>> -> memref<10000x128xf32, #tpu.memory_space<hbm>>
    tpu.enqueue_indirect_dma source(%dma_start3A_346 : memref<10000x128xf32, #tpu.memory_space<hbm>>) target(%arg13 : memref<125x128xf32, #tpu.memory_space<vmem>>) offsets(%dma_start3A_343 : memref<125xi32, #tpu.memory_space<vmem>>) semaphore(%arg16 : memref<!tpu.dma_semaphore, #tpu.memory_space<semaphore_mem>>)
    %dma_wait3A_347 = arith.constant 16 : i32
    %dma_wait3A_348 = arith.constant 0 : i32
    %dma_wait3A_349 = tpu.memref_slice %arg11[%dma_wait3A_347, %dma_wait3A_348] : memref<20x125xi32, #tpu.memory_space<vmem>> -> memref<1x125xi32, #tpu.memory_space<vmem>>
    %dma_wait3A_350 = tpu.memref_squeeze %dma_wait3A_349 : memref<1x125xi32, #tpu.memory_space<vmem>> -> memref<125xi32, #tpu.memory_space<vmem>>
    %dma_wait3A_351 = arith.constant 0 : i32
    %dma_wait3A_352 = tpu.memref_slice %arg22[%dma_wait3A_351] : memref<10000xf32, #tpu.memory_space<vmem_shared>> -> memref<10000xf32, #tpu.memory_space<vmem_shared>>
    tpu.wait_indirect_dma semaphore(%arg18 : memref<!tpu.dma_semaphore, #tpu.memory_space<semaphore_mem>>) src(%arg15 : memref<125xf32, #tpu.memory_space<vmem>>) dst(%dma_wait3A_352 : memref<10000xf32, #tpu.memory_space<vmem_shared>>)
    %dma_start3A_353 = arith.constant 18 : i32
    %dma_start3A_354 = arith.constant 0 : i32
    %dma_start3A_355 = tpu.memref_slice %arg11[%dma_start3A_353, %dma_start3A_354] : memref<20x125xi32, #tpu.memory_space<vmem>> -> memref<1x125xi32, #tpu.memory_space<vmem>>
    %dma_start3A_356 = tpu.memref_squeeze %dma_start3A_355 : memref<1x125xi32, #tpu.memory_space<vmem>> -> memref<125xi32, #tpu.memory_space<vmem>>
    %dma_start3A_357 = arith.constant 0 : i32
    %dma_start3A_358 = tpu.memref_slice %arg22[%dma_start3A_357] : memref<10000xf32, #tpu.memory_space<vmem_shared>> -> memref<10000xf32, #tpu.memory_space<vmem_shared>>
    tpu.enqueue_indirect_dma source(%arg15 : memref<125xf32, #tpu.memory_space<vmem>>) target(%dma_start3A_358 : memref<10000xf32, #tpu.memory_space<vmem_shared>>) offsets(%dma_start3A_356 : memref<125xi32, #tpu.memory_space<vmem>>) semaphore(%arg18 : memref<!tpu.dma_semaphore, #tpu.memory_space<semaphore_mem>>) {add = true}
    %dma_wait3A_359 = arith.constant 19 : i32
    %dma_wait3A_360 = arith.constant 0 : i32
    %dma_wait3A_361 = tpu.memref_slice %arg9[%dma_wait3A_359, %dma_wait3A_360] : memref<20x125xi32, #tpu.memory_space<vmem>> -> memref<1x125xi32, #tpu.memory_space<vmem>>
    %dma_wait3A_362 = tpu.memref_squeeze %dma_wait3A_361 : memref<1x125xi32, #tpu.memory_space<vmem>> -> memref<125xi32, #tpu.memory_space<vmem>>
    %dma_wait3A_363 = arith.constant 0 : i32
    %dma_wait3A_364 = arith.constant 0 : i32
    %dma_wait3A_365 = tpu.memref_slice %arg2[%dma_wait3A_363, %dma_wait3A_364] : memref<10000x128xf32, #tpu.memory_space<hbm>> -> memref<10000x128xf32, #tpu.memory_space<hbm>>
    tpu.wait_indirect_dma semaphore(%arg17 : memref<!tpu.dma_semaphore, #tpu.memory_space<semaphore_mem>>) src(%dma_wait3A_365 : memref<10000x128xf32, #tpu.memory_space<hbm>>) dst(%arg14 : memref<125x128xf32, #tpu.memory_space<vmem>>)
    %run_scoped3A_366 = arith.constant 19 : i32
    "tpu.region"() ({
      %run_scoped3A_472 = tpu.sem_alloc : memref<!tpu.dma_semaphore, #tpu.memory_space<semaphore_mem>>
      %dma_start3A_473 = arith.constant 0 : i32
      %dma_start3A_474 = tpu.memref_slice %arg11[%run_scoped3A_366, %dma_start3A_473] : memref<20x125xi32, #tpu.memory_space<vmem>> -> memref<1x125xi32, #tpu.memory_space<vmem>>
      %dma_start3A_475 = tpu.memref_squeeze %dma_start3A_474 : memref<1x125xi32, #tpu.memory_space<vmem>> -> memref<125xi32, #tpu.memory_space<vmem>>
      %dma_start3A_476 = arith.constant 0 : i32
      %dma_start3A_477 = arith.constant 0 : i32
      %dma_start3A_478 = tpu.memref_slice %arg21[%dma_start3A_476, %dma_start3A_477] : memref<10000x128xf32, #tpu.memory_space<vmem_shared>> -> memref<10000x128xf32, #tpu.memory_space<vmem_shared>>
      tpu.enqueue_indirect_dma source(%arg14 : memref<125x128xf32, #tpu.memory_space<vmem>>) target(%dma_start3A_478 : memref<10000x128xf32, #tpu.memory_space<vmem_shared>>) offsets(%dma_start3A_475 : memref<125xi32, #tpu.memory_space<vmem>>) semaphore(%run_scoped3A_472 : memref<!tpu.dma_semaphore, #tpu.memory_space<semaphore_mem>>) {add = true}
      %dma_wait3A_479 = arith.constant 0 : i32
      %dma_wait3A_480 = tpu.memref_slice %arg11[%run_scoped3A_366, %dma_wait3A_479] : memref<20x125xi32, #tpu.memory_space<vmem>> -> memref<1x125xi32, #tpu.memory_space<vmem>>
      %dma_wait3A_481 = tpu.memref_squeeze %dma_wait3A_480 : memref<1x125xi32, #tpu.memory_space<vmem>> -> memref<125xi32, #tpu.memory_space<vmem>>
      %dma_wait3A_482 = arith.constant 0 : i32
      %dma_wait3A_483 = arith.constant 0 : i32
      %dma_wait3A_484 = tpu.memref_slice %arg21[%dma_wait3A_482, %dma_wait3A_483] : memref<10000x128xf32, #tpu.memory_space<vmem_shared>> -> memref<10000x128xf32, #tpu.memory_space<vmem_shared>>
      tpu.wait_indirect_dma semaphore(%run_scoped3A_472 : memref<!tpu.dma_semaphore, #tpu.memory_space<semaphore_mem>>) src(%arg14 : memref<125x128xf32, #tpu.memory_space<vmem>>) dst(%dma_wait3A_484 : memref<10000x128xf32, #tpu.memory_space<vmem_shared>>)
      tpu.yield
    }) : () -> ()
    %dma_start3A_367 = arith.constant 1 : i32
    %dma_start3A_368 = arith.constant 0 : i32
    %dma_start3A_369 = tpu.memref_slice %arg10[%dma_start3A_367, %dma_start3A_368] : memref<20x125xi32, #tpu.memory_space<vmem>> -> memref<1x125xi32, #tpu.memory_space<vmem>>
    %dma_start3A_370 = tpu.memref_squeeze %dma_start3A_369 : memref<1x125xi32, #tpu.memory_space<vmem>> -> memref<125xi32, #tpu.memory_space<vmem>>
    %dma_start3A_371 = arith.constant 0 : i32
    %dma_start3A_372 = arith.constant 0 : i32
    %dma_start3A_373 = tpu.memref_slice %arg2[%dma_start3A_371, %dma_start3A_372] : memref<10000x128xf32, #tpu.memory_space<hbm>> -> memref<10000x128xf32, #tpu.memory_space<hbm>>
    tpu.enqueue_indirect_dma source(%dma_start3A_373 : memref<10000x128xf32, #tpu.memory_space<hbm>>) target(%arg14 : memref<125x128xf32, #tpu.memory_space<vmem>>) offsets(%dma_start3A_370 : memref<125xi32, #tpu.memory_space<vmem>>) semaphore(%arg17 : memref<!tpu.dma_semaphore, #tpu.memory_space<semaphore_mem>>)
    %dma_wait3A_374 = arith.constant 17 : i32
    %dma_wait3A_375 = arith.constant 0 : i32
    %dma_wait3A_376 = tpu.memref_slice %arg11[%dma_wait3A_374, %dma_wait3A_375] : memref<20x125xi32, #tpu.memory_space<vmem>> -> memref<1x125xi32, #tpu.memory_space<vmem>>
    %dma_wait3A_377 = tpu.memref_squeeze %dma_wait3A_376 : memref<1x125xi32, #tpu.memory_space<vmem>> -> memref<125xi32, #tpu.memory_space<vmem>>
    %dma_wait3A_378 = arith.constant 0 : i32
    %dma_wait3A_379 = tpu.memref_slice %arg22[%dma_wait3A_378] : memref<10000xf32, #tpu.memory_space<vmem_shared>> -> memref<10000xf32, #tpu.memory_space<vmem_shared>>
    tpu.wait_indirect_dma semaphore(%arg19 : memref<!tpu.dma_semaphore, #tpu.memory_space<semaphore_mem>>) src(%arg15 : memref<125xf32, #tpu.memory_space<vmem>>) dst(%dma_wait3A_379 : memref<10000xf32, #tpu.memory_space<vmem_shared>>)
    %dma_start3A_380 = arith.constant 19 : i32
    %dma_start3A_381 = arith.constant 0 : i32
    %dma_start3A_382 = tpu.memref_slice %arg11[%dma_start3A_380, %dma_start3A_381] : memref<20x125xi32, #tpu.memory_space<vmem>> -> memref<1x125xi32, #tpu.memory_space<vmem>>
    %dma_start3A_383 = tpu.memref_squeeze %dma_start3A_382 : memref<1x125xi32, #tpu.memory_space<vmem>> -> memref<125xi32, #tpu.memory_space<vmem>>
    %dma_start3A_384 = arith.constant 0 : i32
    %dma_start3A_385 = tpu.memref_slice %arg22[%dma_start3A_384] : memref<10000xf32, #tpu.memory_space<vmem_shared>> -> memref<10000xf32, #tpu.memory_space<vmem_shared>>
    tpu.enqueue_indirect_dma source(%arg15 : memref<125xf32, #tpu.memory_space<vmem>>) target(%dma_start3A_385 : memref<10000xf32, #tpu.memory_space<vmem_shared>>) offsets(%dma_start3A_383 : memref<125xi32, #tpu.memory_space<vmem>>) semaphore(%arg19 : memref<!tpu.dma_semaphore, #tpu.memory_space<semaphore_mem>>) {add = true}
    %dma_wait3A_386 = arith.constant 18 : i32
    %dma_wait3A_387 = arith.constant 0 : i32
    %dma_wait3A_388 = tpu.memref_slice %arg11[%dma_wait3A_386, %dma_wait3A_387] : memref<20x125xi32, #tpu.memory_space<vmem>> -> memref<1x125xi32, #tpu.memory_space<vmem>>
    %dma_wait3A_389 = tpu.memref_squeeze %dma_wait3A_388 : memref<1x125xi32, #tpu.memory_space<vmem>> -> memref<125xi32, #tpu.memory_space<vmem>>
    %dma_wait3A_390 = arith.constant 0 : i32
    %dma_wait3A_391 = tpu.memref_slice %arg22[%dma_wait3A_390] : memref<10000xf32, #tpu.memory_space<vmem_shared>> -> memref<10000xf32, #tpu.memory_space<vmem_shared>>
    tpu.wait_indirect_dma semaphore(%arg18 : memref<!tpu.dma_semaphore, #tpu.memory_space<semaphore_mem>>) src(%arg15 : memref<125xf32, #tpu.memory_space<vmem>>) dst(%dma_wait3A_391 : memref<10000xf32, #tpu.memory_space<vmem_shared>>)
    %dma_wait3A_392 = arith.constant 19 : i32
    %dma_wait3A_393 = arith.constant 0 : i32
    %dma_wait3A_394 = tpu.memref_slice %arg11[%dma_wait3A_392, %dma_wait3A_393] : memref<20x125xi32, #tpu.memory_space<vmem>> -> memref<1x125xi32, #tpu.memory_space<vmem>>
    %dma_wait3A_395 = tpu.memref_squeeze %dma_wait3A_394 : memref<1x125xi32, #tpu.memory_space<vmem>> -> memref<125xi32, #tpu.memory_space<vmem>>
    %dma_wait3A_396 = arith.constant 0 : i32
    %dma_wait3A_397 = tpu.memref_slice %arg22[%dma_wait3A_396] : memref<10000xf32, #tpu.memory_space<vmem_shared>> -> memref<10000xf32, #tpu.memory_space<vmem_shared>>
    tpu.wait_indirect_dma semaphore(%arg19 : memref<!tpu.dma_semaphore, #tpu.memory_space<semaphore_mem>>) src(%arg15 : memref<125xf32, #tpu.memory_space<vmem>>) dst(%dma_wait3A_397 : memref<10000xf32, #tpu.memory_space<vmem_shared>>)
    %scan3A_398 = arith.constant 0 : i32
    %scan3A_399 = arith.constant 0 : i32
    %scan3A_400 = arith.constant 9 : i32
    %scan3A_401 = arith.addi %scan3A_399, %scan3A_400 : i32
    %scan3A_402 = arith.constant 1 : i32
    scf.for %scan3A_472 = %scan3A_399 to %scan3A_401 step %scan3A_402  : i32 {
      %mul3A_473 = arith.constant 2 : i32
      %mul3A_474 = arith.muli %mul3A_473, %scan3A_472 : i32
      %add3A_475 = arith.constant 1 : i32
      %add3A_476 = arith.addi %mul3A_474, %add3A_475 : i32
      %add3A_477 = arith.constant 2 : i32
      %add3A_478 = arith.addi %mul3A_474, %add3A_477 : i32
      %ge3A = arith.constant 1 : i32
      %ge3A_479 = arith.cmpi sge, %scan3A_472, %ge3A : i32
      %sub3A = arith.constant 2 : i32
      %sub3A_480 = arith.subi %mul3A_474, %sub3A : i32
      %dma_wait3A_481 = arith.constant 0 : i32
      %dma_wait3A_482 = tpu.memref_slice %arg10[%mul3A_474, %dma_wait3A_481] : memref<20x125xi32, #tpu.memory_space<vmem>> -> memref<1x125xi32, #tpu.memory_space<vmem>>
      %dma_wait3A_483 = tpu.memref_squeeze %dma_wait3A_482 : memref<1x125xi32, #tpu.memory_space<vmem>> -> memref<125xi32, #tpu.memory_space<vmem>>
      %dma_wait3A_484 = arith.constant 0 : i32
      %dma_wait3A_485 = arith.constant 0 : i32
      %dma_wait3A_486 = tpu.memref_slice %arg2[%dma_wait3A_484, %dma_wait3A_485] : memref<10000x128xf32, #tpu.memory_space<hbm>> -> memref<10000x128xf32, #tpu.memory_space<hbm>>
      tpu.wait_indirect_dma semaphore(%arg16 : memref<!tpu.dma_semaphore, #tpu.memory_space<semaphore_mem>>) src(%dma_wait3A_486 : memref<10000x128xf32, #tpu.memory_space<hbm>>) dst(%arg13 : memref<125x128xf32, #tpu.memory_space<vmem>>)
      "tpu.region"() ({
        %run_scoped3A_527 = tpu.sem_alloc : memref<!tpu.dma_semaphore, #tpu.memory_space<semaphore_mem>>
        %dma_start3A_528 = arith.constant 0 : i32
        %dma_start3A_529 = tpu.memref_slice %arg12[%mul3A_474, %dma_start3A_528] : memref<20x125xi32, #tpu.memory_space<vmem>> -> memref<1x125xi32, #tpu.memory_space<vmem>>
        %dma_start3A_530 = tpu.memref_squeeze %dma_start3A_529 : memref<1x125xi32, #tpu.memory_space<vmem>> -> memref<125xi32, #tpu.memory_space<vmem>>
        %dma_start3A_531 = arith.constant 0 : i32
        %dma_start3A_532 = arith.constant 0 : i32
        %dma_start3A_533 = tpu.memref_slice %arg21[%dma_start3A_531, %dma_start3A_532] : memref<10000x128xf32, #tpu.memory_space<vmem_shared>> -> memref<10000x128xf32, #tpu.memory_space<vmem_shared>>
        tpu.enqueue_indirect_dma source(%arg13 : memref<125x128xf32, #tpu.memory_space<vmem>>) target(%dma_start3A_533 : memref<10000x128xf32, #tpu.memory_space<vmem_shared>>) offsets(%dma_start3A_530 : memref<125xi32, #tpu.memory_space<vmem>>) semaphore(%run_scoped3A_527 : memref<!tpu.dma_semaphore, #tpu.memory_space<semaphore_mem>>) {add = true}
        %dma_wait3A_534 = arith.constant 0 : i32
        %dma_wait3A_535 = tpu.memref_slice %arg12[%mul3A_474, %dma_wait3A_534] : memref<20x125xi32, #tpu.memory_space<vmem>> -> memref<1x125xi32, #tpu.memory_space<vmem>>
        %dma_wait3A_536 = tpu.memref_squeeze %dma_wait3A_535 : memref<1x125xi32, #tpu.memory_space<vmem>> -> memref<125xi32, #tpu.memory_space<vmem>>
        %dma_wait3A_537 = arith.constant 0 : i32
        %dma_wait3A_538 = arith.constant 0 : i32
        %dma_wait3A_539 = tpu.memref_slice %arg21[%dma_wait3A_537, %dma_wait3A_538] : memref<10000x128xf32, #tpu.memory_space<vmem_shared>> -> memref<10000x128xf32, #tpu.memory_space<vmem_shared>>
        tpu.wait_indirect_dma semaphore(%run_scoped3A_527 : memref<!tpu.dma_semaphore, #tpu.memory_space<semaphore_mem>>) src(%arg13 : memref<125x128xf32, #tpu.memory_space<vmem>>) dst(%dma_wait3A_539 : memref<10000x128xf32, #tpu.memory_space<vmem_shared>>)
        tpu.yield
      }) : () -> ()
      %dma_start3A_487 = arith.constant 0 : i32
      %dma_start3A_488 = tpu.memref_slice %arg10[%add3A_478, %dma_start3A_487] : memref<20x125xi32, #tpu.memory_space<vmem>> -> memref<1x125xi32, #tpu.memory_space<vmem>>
      %dma_start3A_489 = tpu.memref_squeeze %dma_start3A_488 : memref<1x125xi32, #tpu.memory_space<vmem>> -> memref<125xi32, #tpu.memory_space<vmem>>
      %dma_start3A_490 = arith.constant 0 : i32
      %dma_start3A_491 = arith.constant 0 : i32
      %dma_start3A_492 = tpu.memref_slice %arg2[%dma_start3A_490, %dma_start3A_491] : memref<10000x128xf32, #tpu.memory_space<hbm>> -> memref<10000x128xf32, #tpu.memory_space<hbm>>
      tpu.enqueue_indirect_dma source(%dma_start3A_492 : memref<10000x128xf32, #tpu.memory_space<hbm>>) target(%arg13 : memref<125x128xf32, #tpu.memory_space<vmem>>) offsets(%dma_start3A_489 : memref<125xi32, #tpu.memory_space<vmem>>) semaphore(%arg16 : memref<!tpu.dma_semaphore, #tpu.memory_space<semaphore_mem>>)
      %convert_element_type3A_493 = arith.extui %ge3A_479 : i1 to i32
      %cond3A_494 = arith.constant 0 : i32
      %cond3A_495 = arith.cmpi ne, %convert_element_type3A_493, %cond3A_494 : i32
      scf.if %cond3A_495 {
        %dma_wait3A_527 = arith.constant 0 : i32
        %dma_wait3A_528 = tpu.memref_slice %arg12[%sub3A_480, %dma_wait3A_527] : memref<20x125xi32, #tpu.memory_space<vmem>> -> memref<1x125xi32, #tpu.memory_space<vmem>>
        %dma_wait3A_529 = tpu.memref_squeeze %dma_wait3A_528 : memref<1x125xi32, #tpu.memory_space<vmem>> -> memref<125xi32, #tpu.memory_space<vmem>>
        %dma_wait3A_530 = arith.constant 0 : i32
        %dma_wait3A_531 = tpu.memref_slice %arg22[%dma_wait3A_530] : memref<10000xf32, #tpu.memory_space<vmem_shared>> -> memref<10000xf32, #tpu.memory_space<vmem_shared>>
        tpu.wait_indirect_dma semaphore(%arg18 : memref<!tpu.dma_semaphore, #tpu.memory_space<semaphore_mem>>) src(%arg15 : memref<125xf32, #tpu.memory_space<vmem>>) dst(%dma_wait3A_531 : memref<10000xf32, #tpu.memory_space<vmem_shared>>)
      } else {
      }
      %dma_start3A_496 = arith.constant 0 : i32
      %dma_start3A_497 = tpu.memref_slice %arg12[%mul3A_474, %dma_start3A_496] : memref<20x125xi32, #tpu.memory_space<vmem>> -> memref<1x125xi32, #tpu.memory_space<vmem>>
      %dma_start3A_498 = tpu.memref_squeeze %dma_start3A_497 : memref<1x125xi32, #tpu.memory_space<vmem>> -> memref<125xi32, #tpu.memory_space<vmem>>
      %dma_start3A_499 = arith.constant 0 : i32
      %dma_start3A_500 = tpu.memref_slice %arg22[%dma_start3A_499] : memref<10000xf32, #tpu.memory_space<vmem_shared>> -> memref<10000xf32, #tpu.memory_space<vmem_shared>>
      tpu.enqueue_indirect_dma source(%arg15 : memref<125xf32, #tpu.memory_space<vmem>>) target(%dma_start3A_500 : memref<10000xf32, #tpu.memory_space<vmem_shared>>) offsets(%dma_start3A_498 : memref<125xi32, #tpu.memory_space<vmem>>) semaphore(%arg18 : memref<!tpu.dma_semaphore, #tpu.memory_space<semaphore_mem>>) {add = true}
      %add3A_501 = arith.constant 2 : i32
      %add3A_502 = arith.addi %add3A_476, %add3A_501 : i32
      %ge3A_503 = arith.constant 1 : i32
      %ge3A_504 = arith.cmpi sge, %scan3A_472, %ge3A_503 : i32
      %sub3A_505 = arith.constant 2 : i32
      %sub3A_506 = arith.subi %add3A_476, %sub3A_505 : i32
      %dma_wait3A_507 = arith.constant 0 : i32
      %dma_wait3A_508 = tpu.memref_slice %arg10[%add3A_476, %dma_wait3A_507] : memref<20x125xi32, #tpu.memory_space<vmem>> -> memref<1x125xi32, #tpu.memory_space<vmem>>
      %dma_wait3A_509 = tpu.memref_squeeze %dma_wait3A_508 : memref<1x125xi32, #tpu.memory_space<vmem>> -> memref<125xi32, #tpu.memory_space<vmem>>
      %dma_wait3A_510 = arith.constant 0 : i32
      %dma_wait3A_511 = arith.constant 0 : i32
      %dma_wait3A_512 = tpu.memref_slice %arg2[%dma_wait3A_510, %dma_wait3A_511] : memref<10000x128xf32, #tpu.memory_space<hbm>> -> memref<10000x128xf32, #tpu.memory_space<hbm>>
      tpu.wait_indirect_dma semaphore(%arg17 : memref<!tpu.dma_semaphore, #tpu.memory_space<semaphore_mem>>) src(%dma_wait3A_512 : memref<10000x128xf32, #tpu.memory_space<hbm>>) dst(%arg14 : memref<125x128xf32, #tpu.memory_space<vmem>>)
      "tpu.region"() ({
        %run_scoped3A_527 = tpu.sem_alloc : memref<!tpu.dma_semaphore, #tpu.memory_space<semaphore_mem>>
        %dma_start3A_528 = arith.constant 0 : i32
        %dma_start3A_529 = tpu.memref_slice %arg12[%add3A_476, %dma_start3A_528] : memref<20x125xi32, #tpu.memory_space<vmem>> -> memref<1x125xi32, #tpu.memory_space<vmem>>
        %dma_start3A_530 = tpu.memref_squeeze %dma_start3A_529 : memref<1x125xi32, #tpu.memory_space<vmem>> -> memref<125xi32, #tpu.memory_space<vmem>>
        %dma_start3A_531 = arith.constant 0 : i32
        %dma_start3A_532 = arith.constant 0 : i32
        %dma_start3A_533 = tpu.memref_slice %arg21[%dma_start3A_531, %dma_start3A_532] : memref<10000x128xf32, #tpu.memory_space<vmem_shared>> -> memref<10000x128xf32, #tpu.memory_space<vmem_shared>>
        tpu.enqueue_indirect_dma source(%arg14 : memref<125x128xf32, #tpu.memory_space<vmem>>) target(%dma_start3A_533 : memref<10000x128xf32, #tpu.memory_space<vmem_shared>>) offsets(%dma_start3A_530 : memref<125xi32, #tpu.memory_space<vmem>>) semaphore(%run_scoped3A_527 : memref<!tpu.dma_semaphore, #tpu.memory_space<semaphore_mem>>) {add = true}
        %dma_wait3A_534 = arith.constant 0 : i32
        %dma_wait3A_535 = tpu.memref_slice %arg12[%add3A_476, %dma_wait3A_534] : memref<20x125xi32, #tpu.memory_space<vmem>> -> memref<1x125xi32, #tpu.memory_space<vmem>>
        %dma_wait3A_536 = tpu.memref_squeeze %dma_wait3A_535 : memref<1x125xi32, #tpu.memory_space<vmem>> -> memref<125xi32, #tpu.memory_space<vmem>>
        %dma_wait3A_537 = arith.constant 0 : i32
        %dma_wait3A_538 = arith.constant 0 : i32
        %dma_wait3A_539 = tpu.memref_slice %arg21[%dma_wait3A_537, %dma_wait3A_538] : memref<10000x128xf32, #tpu.memory_space<vmem_shared>> -> memref<10000x128xf32, #tpu.memory_space<vmem_shared>>
        tpu.wait_indirect_dma semaphore(%run_scoped3A_527 : memref<!tpu.dma_semaphore, #tpu.memory_space<semaphore_mem>>) src(%arg14 : memref<125x128xf32, #tpu.memory_space<vmem>>) dst(%dma_wait3A_539 : memref<10000x128xf32, #tpu.memory_space<vmem_shared>>)
        tpu.yield
      }) : () -> ()
      %dma_start3A_513 = arith.constant 0 : i32
      %dma_start3A_514 = tpu.memref_slice %arg10[%add3A_502, %dma_start3A_513] : memref<20x125xi32, #tpu.memory_space<vmem>> -> memref<1x125xi32, #tpu.memory_space<vmem>>
      %dma_start3A_515 = tpu.memref_squeeze %dma_start3A_514 : memref<1x125xi32, #tpu.memory_space<vmem>> -> memref<125xi32, #tpu.memory_space<vmem>>
      %dma_start3A_516 = arith.constant 0 : i32
      %dma_start3A_517 = arith.constant 0 : i32
      %dma_start3A_518 = tpu.memref_slice %arg2[%dma_start3A_516, %dma_start3A_517] : memref<10000x128xf32, #tpu.memory_space<hbm>> -> memref<10000x128xf32, #tpu.memory_space<hbm>>
      tpu.enqueue_indirect_dma source(%dma_start3A_518 : memref<10000x128xf32, #tpu.memory_space<hbm>>) target(%arg14 : memref<125x128xf32, #tpu.memory_space<vmem>>) offsets(%dma_start3A_515 : memref<125xi32, #tpu.memory_space<vmem>>) semaphore(%arg17 : memref<!tpu.dma_semaphore, #tpu.memory_space<semaphore_mem>>)
      %convert_element_type3A_519 = arith.extui %ge3A_504 : i1 to i32
      %cond3A_520 = arith.constant 0 : i32
      %cond3A_521 = arith.cmpi ne, %convert_element_type3A_519, %cond3A_520 : i32
      scf.if %cond3A_521 {
        %dma_wait3A_527 = arith.constant 0 : i32
        %dma_wait3A_528 = tpu.memref_slice %arg12[%sub3A_506, %dma_wait3A_527] : memref<20x125xi32, #tpu.memory_space<vmem>> -> memref<1x125xi32, #tpu.memory_space<vmem>>
        %dma_wait3A_529 = tpu.memref_squeeze %dma_wait3A_528 : memref<1x125xi32, #tpu.memory_space<vmem>> -> memref<125xi32, #tpu.memory_space<vmem>>
        %dma_wait3A_530 = arith.constant 0 : i32
        %dma_wait3A_531 = tpu.memref_slice %arg22[%dma_wait3A_530] : memref<10000xf32, #tpu.memory_space<vmem_shared>> -> memref<10000xf32, #tpu.memory_space<vmem_shared>>
        tpu.wait_indirect_dma semaphore(%arg19 : memref<!tpu.dma_semaphore, #tpu.memory_space<semaphore_mem>>) src(%arg15 : memref<125xf32, #tpu.memory_space<vmem>>) dst(%dma_wait3A_531 : memref<10000xf32, #tpu.memory_space<vmem_shared>>)
      } else {
      }
      %dma_start3A_522 = arith.constant 0 : i32
      %dma_start3A_523 = tpu.memref_slice %arg12[%add3A_476, %dma_start3A_522] : memref<20x125xi32, #tpu.memory_space<vmem>> -> memref<1x125xi32, #tpu.memory_space<vmem>>
      %dma_start3A_524 = tpu.memref_squeeze %dma_start3A_523 : memref<1x125xi32, #tpu.memory_space<vmem>> -> memref<125xi32, #tpu.memory_space<vmem>>
      %dma_start3A_525 = arith.constant 0 : i32
      %dma_start3A_526 = tpu.memref_slice %arg22[%dma_start3A_525] : memref<10000xf32, #tpu.memory_space<vmem_shared>> -> memref<10000xf32, #tpu.memory_space<vmem_shared>>
      tpu.enqueue_indirect_dma source(%arg15 : memref<125xf32, #tpu.memory_space<vmem>>) target(%dma_start3A_526 : memref<10000xf32, #tpu.memory_space<vmem_shared>>) offsets(%dma_start3A_524 : memref<125xi32, #tpu.memory_space<vmem>>) semaphore(%arg19 : memref<!tpu.dma_semaphore, #tpu.memory_space<semaphore_mem>>) {add = true}
    }
    %scan3A_403 = arith.constant 9 : i32
    %dma_wait3A_404 = arith.constant 18 : i32
    %dma_wait3A_405 = arith.constant 0 : i32
    %dma_wait3A_406 = tpu.memref_slice %arg10[%dma_wait3A_404, %dma_wait3A_405] : memref<20x125xi32, #tpu.memory_space<vmem>> -> memref<1x125xi32, #tpu.memory_space<vmem>>
    %dma_wait3A_407 = tpu.memref_squeeze %dma_wait3A_406 : memref<1x125xi32, #tpu.memory_space<vmem>> -> memref<125xi32, #tpu.memory_space<vmem>>
    %dma_wait3A_408 = arith.constant 0 : i32
    %dma_wait3A_409 = arith.constant 0 : i32
    %dma_wait3A_410 = tpu.memref_slice %arg2[%dma_wait3A_408, %dma_wait3A_409] : memref<10000x128xf32, #tpu.memory_space<hbm>> -> memref<10000x128xf32, #tpu.memory_space<hbm>>
    tpu.wait_indirect_dma semaphore(%arg16 : memref<!tpu.dma_semaphore, #tpu.memory_space<semaphore_mem>>) src(%dma_wait3A_410 : memref<10000x128xf32, #tpu.memory_space<hbm>>) dst(%arg13 : memref<125x128xf32, #tpu.memory_space<vmem>>)
    %run_scoped3A_411 = arith.constant 18 : i32
    "tpu.region"() ({
      %run_scoped3A_472 = tpu.sem_alloc : memref<!tpu.dma_semaphore, #tpu.memory_space<semaphore_mem>>
      %dma_start3A_473 = arith.constant 0 : i32
      %dma_start3A_474 = tpu.memref_slice %arg12[%run_scoped3A_411, %dma_start3A_473] : memref<20x125xi32, #tpu.memory_space<vmem>> -> memref<1x125xi32, #tpu.memory_space<vmem>>
      %dma_start3A_475 = tpu.memref_squeeze %dma_start3A_474 : memref<1x125xi32, #tpu.memory_space<vmem>> -> memref<125xi32, #tpu.memory_space<vmem>>
      %dma_start3A_476 = arith.constant 0 : i32
      %dma_start3A_477 = arith.constant 0 : i32
      %dma_start3A_478 = tpu.memref_slice %arg21[%dma_start3A_476, %dma_start3A_477] : memref<10000x128xf32, #tpu.memory_space<vmem_shared>> -> memref<10000x128xf32, #tpu.memory_space<vmem_shared>>
      tpu.enqueue_indirect_dma source(%arg13 : memref<125x128xf32, #tpu.memory_space<vmem>>) target(%dma_start3A_478 : memref<10000x128xf32, #tpu.memory_space<vmem_shared>>) offsets(%dma_start3A_475 : memref<125xi32, #tpu.memory_space<vmem>>) semaphore(%run_scoped3A_472 : memref<!tpu.dma_semaphore, #tpu.memory_space<semaphore_mem>>) {add = true}
      %dma_wait3A_479 = arith.constant 0 : i32
      %dma_wait3A_480 = tpu.memref_slice %arg12[%run_scoped3A_411, %dma_wait3A_479] : memref<20x125xi32, #tpu.memory_space<vmem>> -> memref<1x125xi32, #tpu.memory_space<vmem>>
      %dma_wait3A_481 = tpu.memref_squeeze %dma_wait3A_480 : memref<1x125xi32, #tpu.memory_space<vmem>> -> memref<125xi32, #tpu.memory_space<vmem>>
      %dma_wait3A_482 = arith.constant 0 : i32
      %dma_wait3A_483 = arith.constant 0 : i32
      %dma_wait3A_484 = tpu.memref_slice %arg21[%dma_wait3A_482, %dma_wait3A_483] : memref<10000x128xf32, #tpu.memory_space<vmem_shared>> -> memref<10000x128xf32, #tpu.memory_space<vmem_shared>>
      tpu.wait_indirect_dma semaphore(%run_scoped3A_472 : memref<!tpu.dma_semaphore, #tpu.memory_space<semaphore_mem>>) src(%arg13 : memref<125x128xf32, #tpu.memory_space<vmem>>) dst(%dma_wait3A_484 : memref<10000x128xf32, #tpu.memory_space<vmem_shared>>)
      tpu.yield
    }) : () -> ()
    %dma_wait3A_412 = arith.constant 16 : i32
    %dma_wait3A_413 = arith.constant 0 : i32
    %dma_wait3A_414 = tpu.memref_slice %arg12[%dma_wait3A_412, %dma_wait3A_413] : memref<20x125xi32, #tpu.memory_space<vmem>> -> memref<1x125xi32, #tpu.memory_space<vmem>>
    %dma_wait3A_415 = tpu.memref_squeeze %dma_wait3A_414 : memref<1x125xi32, #tpu.memory_space<vmem>> -> memref<125xi32, #tpu.memory_space<vmem>>
    %dma_wait3A_416 = arith.constant 0 : i32
    %dma_wait3A_417 = tpu.memref_slice %arg22[%dma_wait3A_416] : memref<10000xf32, #tpu.memory_space<vmem_shared>> -> memref<10000xf32, #tpu.memory_space<vmem_shared>>
    tpu.wait_indirect_dma semaphore(%arg18 : memref<!tpu.dma_semaphore, #tpu.memory_space<semaphore_mem>>) src(%arg15 : memref<125xf32, #tpu.memory_space<vmem>>) dst(%dma_wait3A_417 : memref<10000xf32, #tpu.memory_space<vmem_shared>>)
    %dma_start3A_418 = arith.constant 18 : i32
    %dma_start3A_419 = arith.constant 0 : i32
    %dma_start3A_420 = tpu.memref_slice %arg12[%dma_start3A_418, %dma_start3A_419] : memref<20x125xi32, #tpu.memory_space<vmem>> -> memref<1x125xi32, #tpu.memory_space<vmem>>
    %dma_start3A_421 = tpu.memref_squeeze %dma_start3A_420 : memref<1x125xi32, #tpu.memory_space<vmem>> -> memref<125xi32, #tpu.memory_space<vmem>>
    %dma_start3A_422 = arith.constant 0 : i32
    %dma_start3A_423 = tpu.memref_slice %arg22[%dma_start3A_422] : memref<10000xf32, #tpu.memory_space<vmem_shared>> -> memref<10000xf32, #tpu.memory_space<vmem_shared>>
    tpu.enqueue_indirect_dma source(%arg15 : memref<125xf32, #tpu.memory_space<vmem>>) target(%dma_start3A_423 : memref<10000xf32, #tpu.memory_space<vmem_shared>>) offsets(%dma_start3A_421 : memref<125xi32, #tpu.memory_space<vmem>>) semaphore(%arg18 : memref<!tpu.dma_semaphore, #tpu.memory_space<semaphore_mem>>) {add = true}
    %dma_wait3A_424 = arith.constant 19 : i32
    %dma_wait3A_425 = arith.constant 0 : i32
    %dma_wait3A_426 = tpu.memref_slice %arg10[%dma_wait3A_424, %dma_wait3A_425] : memref<20x125xi32, #tpu.memory_space<vmem>> -> memref<1x125xi32, #tpu.memory_space<vmem>>
    %dma_wait3A_427 = tpu.memref_squeeze %dma_wait3A_426 : memref<1x125xi32, #tpu.memory_space<vmem>> -> memref<125xi32, #tpu.memory_space<vmem>>
    %dma_wait3A_428 = arith.constant 0 : i32
    %dma_wait3A_429 = arith.constant 0 : i32
    %dma_wait3A_430 = tpu.memref_slice %arg2[%dma_wait3A_428, %dma_wait3A_429] : memref<10000x128xf32, #tpu.memory_space<hbm>> -> memref<10000x128xf32, #tpu.memory_space<hbm>>
    tpu.wait_indirect_dma semaphore(%arg17 : memref<!tpu.dma_semaphore, #tpu.memory_space<semaphore_mem>>) src(%dma_wait3A_430 : memref<10000x128xf32, #tpu.memory_space<hbm>>) dst(%arg14 : memref<125x128xf32, #tpu.memory_space<vmem>>)
    %run_scoped3A_431 = arith.constant 19 : i32
    "tpu.region"() ({
      %run_scoped3A_472 = tpu.sem_alloc : memref<!tpu.dma_semaphore, #tpu.memory_space<semaphore_mem>>
      %dma_start3A_473 = arith.constant 0 : i32
      %dma_start3A_474 = tpu.memref_slice %arg12[%run_scoped3A_431, %dma_start3A_473] : memref<20x125xi32, #tpu.memory_space<vmem>> -> memref<1x125xi32, #tpu.memory_space<vmem>>
      %dma_start3A_475 = tpu.memref_squeeze %dma_start3A_474 : memref<1x125xi32, #tpu.memory_space<vmem>> -> memref<125xi32, #tpu.memory_space<vmem>>
      %dma_start3A_476 = arith.constant 0 : i32
      %dma_start3A_477 = arith.constant 0 : i32
      %dma_start3A_478 = tpu.memref_slice %arg21[%dma_start3A_476, %dma_start3A_477] : memref<10000x128xf32, #tpu.memory_space<vmem_shared>> -> memref<10000x128xf32, #tpu.memory_space<vmem_shared>>
      tpu.enqueue_indirect_dma source(%arg14 : memref<125x128xf32, #tpu.memory_space<vmem>>) target(%dma_start3A_478 : memref<10000x128xf32, #tpu.memory_space<vmem_shared>>) offsets(%dma_start3A_475 : memref<125xi32, #tpu.memory_space<vmem>>) semaphore(%run_scoped3A_472 : memref<!tpu.dma_semaphore, #tpu.memory_space<semaphore_mem>>) {add = true}
      %dma_wait3A_479 = arith.constant 0 : i32
      %dma_wait3A_480 = tpu.memref_slice %arg12[%run_scoped3A_431, %dma_wait3A_479] : memref<20x125xi32, #tpu.memory_space<vmem>> -> memref<1x125xi32, #tpu.memory_space<vmem>>
      %dma_wait3A_481 = tpu.memref_squeeze %dma_wait3A_480 : memref<1x125xi32, #tpu.memory_space<vmem>> -> memref<125xi32, #tpu.memory_space<vmem>>
      %dma_wait3A_482 = arith.constant 0 : i32
      %dma_wait3A_483 = arith.constant 0 : i32
      %dma_wait3A_484 = tpu.memref_slice %arg21[%dma_wait3A_482, %dma_wait3A_483] : memref<10000x128xf32, #tpu.memory_space<vmem_shared>> -> memref<10000x128xf32, #tpu.memory_space<vmem_shared>>
      tpu.wait_indirect_dma semaphore(%run_scoped3A_472 : memref<!tpu.dma_semaphore, #tpu.memory_space<semaphore_mem>>) src(%arg14 : memref<125x128xf32, #tpu.memory_space<vmem>>) dst(%dma_wait3A_484 : memref<10000x128xf32, #tpu.memory_space<vmem_shared>>)
      tpu.yield
    }) : () -> ()
    %dma_wait3A_432 = arith.constant 17 : i32
    %dma_wait3A_433 = arith.constant 0 : i32
    %dma_wait3A_434 = tpu.memref_slice %arg12[%dma_wait3A_432, %dma_wait3A_433] : memref<20x125xi32, #tpu.memory_space<vmem>> -> memref<1x125xi32, #tpu.memory_space<vmem>>
    %dma_wait3A_435 = tpu.memref_squeeze %dma_wait3A_434 : memref<1x125xi32, #tpu.memory_space<vmem>> -> memref<125xi32, #tpu.memory_space<vmem>>
    %dma_wait3A_436 = arith.constant 0 : i32
    %dma_wait3A_437 = tpu.memref_slice %arg22[%dma_wait3A_436] : memref<10000xf32, #tpu.memory_space<vmem_shared>> -> memref<10000xf32, #tpu.memory_space<vmem_shared>>
    tpu.wait_indirect_dma semaphore(%arg19 : memref<!tpu.dma_semaphore, #tpu.memory_space<semaphore_mem>>) src(%arg15 : memref<125xf32, #tpu.memory_space<vmem>>) dst(%dma_wait3A_437 : memref<10000xf32, #tpu.memory_space<vmem_shared>>)
    %dma_start3A_438 = arith.constant 19 : i32
    %dma_start3A_439 = arith.constant 0 : i32
    %dma_start3A_440 = tpu.memref_slice %arg12[%dma_start3A_438, %dma_start3A_439] : memref<20x125xi32, #tpu.memory_space<vmem>> -> memref<1x125xi32, #tpu.memory_space<vmem>>
    %dma_start3A_441 = tpu.memref_squeeze %dma_start3A_440 : memref<1x125xi32, #tpu.memory_space<vmem>> -> memref<125xi32, #tpu.memory_space<vmem>>
    %dma_start3A_442 = arith.constant 0 : i32
    %dma_start3A_443 = tpu.memref_slice %arg22[%dma_start3A_442] : memref<10000xf32, #tpu.memory_space<vmem_shared>> -> memref<10000xf32, #tpu.memory_space<vmem_shared>>
    tpu.enqueue_indirect_dma source(%arg15 : memref<125xf32, #tpu.memory_space<vmem>>) target(%dma_start3A_443 : memref<10000xf32, #tpu.memory_space<vmem_shared>>) offsets(%dma_start3A_441 : memref<125xi32, #tpu.memory_space<vmem>>) semaphore(%arg19 : memref<!tpu.dma_semaphore, #tpu.memory_space<semaphore_mem>>) {add = true}
    %dma_wait3A_444 = arith.constant 18 : i32
    %dma_wait3A_445 = arith.constant 0 : i32
    %dma_wait3A_446 = tpu.memref_slice %arg12[%dma_wait3A_444, %dma_wait3A_445] : memref<20x125xi32, #tpu.memory_space<vmem>> -> memref<1x125xi32, #tpu.memory_space<vmem>>
    %dma_wait3A_447 = tpu.memref_squeeze %dma_wait3A_446 : memref<1x125xi32, #tpu.memory_space<vmem>> -> memref<125xi32, #tpu.memory_space<vmem>>
    %dma_wait3A_448 = arith.constant 0 : i32
    %dma_wait3A_449 = tpu.memref_slice %arg22[%dma_wait3A_448] : memref<10000xf32, #tpu.memory_space<vmem_shared>> -> memref<10000xf32, #tpu.memory_space<vmem_shared>>
    tpu.wait_indirect_dma semaphore(%arg18 : memref<!tpu.dma_semaphore, #tpu.memory_space<semaphore_mem>>) src(%arg15 : memref<125xf32, #tpu.memory_space<vmem>>) dst(%dma_wait3A_449 : memref<10000xf32, #tpu.memory_space<vmem_shared>>)
    %dma_wait3A_450 = arith.constant 19 : i32
    %dma_wait3A_451 = arith.constant 0 : i32
    %dma_wait3A_452 = tpu.memref_slice %arg12[%dma_wait3A_450, %dma_wait3A_451] : memref<20x125xi32, #tpu.memory_space<vmem>> -> memref<1x125xi32, #tpu.memory_space<vmem>>
    %dma_wait3A_453 = tpu.memref_squeeze %dma_wait3A_452 : memref<1x125xi32, #tpu.memory_space<vmem>> -> memref<125xi32, #tpu.memory_space<vmem>>
    %dma_wait3A_454 = arith.constant 0 : i32
    %dma_wait3A_455 = tpu.memref_slice %arg22[%dma_wait3A_454] : memref<10000xf32, #tpu.memory_space<vmem_shared>> -> memref<10000xf32, #tpu.memory_space<vmem_shared>>
    tpu.wait_indirect_dma semaphore(%arg19 : memref<!tpu.dma_semaphore, #tpu.memory_space<semaphore_mem>>) src(%arg15 : memref<125xf32, #tpu.memory_space<vmem>>) dst(%dma_wait3A_455 : memref<10000xf32, #tpu.memory_space<vmem_shared>>)
    %barrier3A_456 = arith.constant 0 : index
    tpu.barrier barrier_id(%barrier3A_456)
    %lt3A_457 = arith.constant 15 : i32
    %lt3A_458 = arith.cmpi slt, %arg1, %lt3A_457 : i32
    %convert_element_type3A_459 = arith.extui %lt3A_458 : i1 to i32
    %cond3A_460 = arith.constant 0 : i32
    %cond3A_461 = arith.cmpi ne, %convert_element_type3A_459, %cond3A_460 : i32
    scf.if %cond3A_461 {
      %mul3A_472 = arith.constant 632 : i32
      %mul3A_473 = arith.muli %arg1, %mul3A_472 : i32
      %mul3A_474 = arith.constant 632 : i32
      %mul3A_475 = arith.muli %arg1, %mul3A_474 : i32
      "tpu.region"() ({
        %run_scoped3A_476 = tpu.sem_alloc : memref<!tpu.dma_semaphore, #tpu.memory_space<semaphore_mem>>
        %dma_start3A_477 = arith.constant 0 : i32
        %dma_start3A_478 = tpu.memref_slice %arg7[%arg0, %mul3A_475, %dma_start3A_477] : memref<2x10000x128xf32, #tpu.memory_space<hbm>> -> memref<1x632x128xf32, #tpu.memory_space<hbm>>
        %dma_start3A_479 = tpu.memref_squeeze %dma_start3A_478 : memref<1x632x128xf32, #tpu.memory_space<hbm>> -> memref<632x128xf32, #tpu.memory_space<hbm>>
        %dma_start3A_480 = arith.constant 0 : i32
        %dma_start3A_481 = tpu.memref_slice %arg21[%mul3A_473, %dma_start3A_480] : memref<10000x128xf32, #tpu.memory_space<vmem_shared>> -> memref<632x128xf32, #tpu.memory_space<vmem_shared>>
        tpu.enqueue_dma source(%dma_start3A_481 : memref<632x128xf32, #tpu.memory_space<vmem_shared>>) target(%dma_start3A_479 : memref<632x128xf32, #tpu.memory_space<hbm>>) target_semaphore(%run_scoped3A_476 : memref<!tpu.dma_semaphore, #tpu.memory_space<semaphore_mem>>)
        %dma_wait3A_482 = arith.constant 0 : i32
        %dma_wait3A_483 = tpu.memref_slice %arg7[%arg0, %mul3A_475, %dma_wait3A_482] : memref<2x10000x128xf32, #tpu.memory_space<hbm>> -> memref<1x632x128xf32, #tpu.memory_space<hbm>>
        %dma_wait3A_484 = tpu.memref_squeeze %dma_wait3A_483 : memref<1x632x128xf32, #tpu.memory_space<hbm>> -> memref<632x128xf32, #tpu.memory_space<hbm>>
        %dma_wait3A_485 = arith.constant 0 : i32
        %dma_wait3A_486 = tpu.memref_slice %arg21[%mul3A_473, %dma_wait3A_485] : memref<10000x128xf32, #tpu.memory_space<vmem_shared>> -> memref<632x128xf32, #tpu.memory_space<vmem_shared>>
        tpu.wait_dma2 semaphore(%run_scoped3A_476 : memref<!tpu.dma_semaphore, #tpu.memory_space<semaphore_mem>>) src(%dma_wait3A_486 : memref<632x128xf32, #tpu.memory_space<vmem_shared>>) dst(%dma_wait3A_484 : memref<632x128xf32, #tpu.memory_space<hbm>>)
        tpu.yield
      }) : () -> ()
    } else {
    }
    %eq3A_462 = arith.constant 15 : i32
    %eq3A_463 = arith.cmpi eq, %arg1, %eq3A_462 : i32
    %convert_element_type3A_464 = arith.extui %eq3A_463 : i1 to i32
    %cond3A_465 = arith.constant 0 : i32
    %cond3A_466 = arith.cmpi ne, %convert_element_type3A_464, %cond3A_465 : i32
    scf.if %cond3A_466 {
      "tpu.region"() ({
        %run_scoped3A_472 = tpu.sem_alloc : memref<!tpu.dma_semaphore, #tpu.memory_space<semaphore_mem>>
        %dma_start3A_473 = arith.constant 9480 : i32
        %dma_start3A_474 = arith.constant 0 : i32
        %dma_start3A_475 = tpu.memref_slice %arg7[%arg0, %dma_start3A_473, %dma_start3A_474] : memref<2x10000x128xf32, #tpu.memory_space<hbm>> -> memref<1x520x128xf32, #tpu.memory_space<hbm>>
        %dma_start3A_476 = tpu.memref_squeeze %dma_start3A_475 : memref<1x520x128xf32, #tpu.memory_space<hbm>> -> memref<520x128xf32, #tpu.memory_space<hbm>>
        %dma_start3A_477 = arith.constant 9480 : i32
        %dma_start3A_478 = arith.constant 0 : i32
        %dma_start3A_479 = tpu.memref_slice %arg21[%dma_start3A_477, %dma_start3A_478] : memref<10000x128xf32, #tpu.memory_space<vmem_shared>> -> memref<520x128xf32, #tpu.memory_space<vmem_shared>>
        tpu.enqueue_dma source(%dma_start3A_479 : memref<520x128xf32, #tpu.memory_space<vmem_shared>>) target(%dma_start3A_476 : memref<520x128xf32, #tpu.memory_space<hbm>>) target_semaphore(%run_scoped3A_472 : memref<!tpu.dma_semaphore, #tpu.memory_space<semaphore_mem>>)
        %dma_wait3A_480 = arith.constant 9480 : i32
        %dma_wait3A_481 = arith.constant 0 : i32
        %dma_wait3A_482 = tpu.memref_slice %arg7[%arg0, %dma_wait3A_480, %dma_wait3A_481] : memref<2x10000x128xf32, #tpu.memory_space<hbm>> -> memref<1x520x128xf32, #tpu.memory_space<hbm>>
        %dma_wait3A_483 = tpu.memref_squeeze %dma_wait3A_482 : memref<1x520x128xf32, #tpu.memory_space<hbm>> -> memref<520x128xf32, #tpu.memory_space<hbm>>
        %dma_wait3A_484 = arith.constant 9480 : i32
        %dma_wait3A_485 = arith.constant 0 : i32
        %dma_wait3A_486 = tpu.memref_slice %arg21[%dma_wait3A_484, %dma_wait3A_485] : memref<10000x128xf32, #tpu.memory_space<vmem_shared>> -> memref<520x128xf32, #tpu.memory_space<vmem_shared>>
        tpu.wait_dma2 semaphore(%run_scoped3A_472 : memref<!tpu.dma_semaphore, #tpu.memory_space<semaphore_mem>>) src(%dma_wait3A_486 : memref<520x128xf32, #tpu.memory_space<vmem_shared>>) dst(%dma_wait3A_483 : memref<520x128xf32, #tpu.memory_space<hbm>>)
        tpu.yield
      }) : () -> ()
    } else {
    }
    %eq3A_467 = arith.constant 0 : i32
    %eq3A_468 = arith.cmpi eq, %arg1, %eq3A_467 : i32
    %convert_element_type3A_469 = arith.extui %eq3A_468 : i1 to i32
    %cond3A_470 = arith.constant 0 : i32
    %cond3A_471 = arith.cmpi ne, %convert_element_type3A_469, %cond3A_470 : i32
    scf.if %cond3A_471 {
      "tpu.region"() ({
        %run_scoped3A_472 = tpu.sem_alloc : memref<!tpu.dma_semaphore, #tpu.memory_space<semaphore_mem>>
        %dma_start3A_473 = arith.constant 0 : i32
        %dma_start3A_474 = tpu.memref_slice %arg8[%arg0, %dma_start3A_473] : memref<2x10000xf32, #tpu.memory_space<hbm>> -> memref<1x10000xf32, #tpu.memory_space<hbm>>
        %dma_start3A_475 = tpu.memref_squeeze %dma_start3A_474 : memref<1x10000xf32, #tpu.memory_space<hbm>> -> memref<10000xf32, #tpu.memory_space<hbm>>
        tpu.enqueue_dma source(%arg22 : memref<10000xf32, #tpu.memory_space<vmem_shared>>) target(%dma_start3A_475 : memref<10000xf32, #tpu.memory_space<hbm>>) target_semaphore(%run_scoped3A_472 : memref<!tpu.dma_semaphore, #tpu.memory_space<semaphore_mem>>)
        %dma_wait3A_476 = arith.constant 0 : i32
        %dma_wait3A_477 = tpu.memref_slice %arg8[%arg0, %dma_wait3A_476] : memref<2x10000xf32, #tpu.memory_space<hbm>> -> memref<1x10000xf32, #tpu.memory_space<hbm>>
        %dma_wait3A_478 = tpu.memref_squeeze %dma_wait3A_477 : memref<1x10000xf32, #tpu.memory_space<hbm>> -> memref<10000xf32, #tpu.memory_space<hbm>>
        tpu.wait_dma2 semaphore(%run_scoped3A_472 : memref<!tpu.dma_semaphore, #tpu.memory_space<semaphore_mem>>) src(%arg22 : memref<10000xf32, #tpu.memory_space<vmem_shared>>) dst(%dma_wait3A_478 : memref<10000xf32, #tpu.memory_space<hbm>>)
        tpu.yield
      }) : () -> ()
    } else {
    }
    return
  }
}

module attributes {stable_mosaic.version = 14 : i64} {
  func.func @_pre_body(%arg0: i32, %arg1: memref<1x1xf32, #tpu.memory_space<smem>>, %arg2: memref<1000x128xf32, #tpu.memory_space<vmem>>, %arg3: memref<128x128xf32, #tpu.memory_space<vmem>>, %arg4: memref<1x128xf32, #tpu.memory_space<vmem>>, %arg5: memref<1000x128xf32, #tpu.memory_space<vmem>>) attributes {dimension_semantics = [#tpu.dimension_semantics<arbitrary>], iteration_bounds = array<i64: 10>, scalar_prefetch = 0 : i64, scratch_operands = 0 : i64, tpu.core_type = #tpu.core_type<tc>, window_params = [{transform_indices = @transform_0, window_bounds = array<i64: 1, 1>}, {transform_indices = @transform_1, window_bounds = array<i64: 1000, 128>}, {pipeline_mode = #tpu.pipeline_mode<synchronous>, transform_indices = @transform_2, window_bounds = array<i64: 128, 128>}, {pipeline_mode = #tpu.pipeline_mode<synchronous>, transform_indices = @transform_3, window_bounds = array<i64: 1, 128>}, {transform_indices = @transform_4, window_bounds = array<i64: 1000, 128>}]} {
    %get3A = arith.constant 0 : index
    %get3A_0 = arith.constant 0 : index
    %get3A_1 = memref.load %arg1[%get3A, %get3A_0] : memref<1x1xf32, #tpu.memory_space<smem>>
    %sqrt3A = math.sqrt %get3A_1 : f32
    %get3A_2 = arith.constant 0 : index
    %get3A_3 = arith.constant 0 : index
    %get3A_4 = vector.load %arg2[%get3A_2, %get3A_3] : memref<1000x128xf32, #tpu.memory_space<vmem>>, vector<1000x128xf32>
    %mul3A = arith.mulf %get3A_4, %get3A_4 : vector<1000x128xf32>
    %reduce_sum3A = arith.constant dense<0.000000e+00> : vector<1000xf32>
    %reduce_sum3A_5 = vector.multi_reduction <add>, %mul3A, %reduce_sum3A [1] : vector<1000x128xf32> to vector<1000xf32>
    %broadcast_in_dim3A = vector.shape_cast %reduce_sum3A_5 : vector<1000xf32> to vector<1000x1xf32>
    %sqrt3A_6 = math.sqrt %broadcast_in_dim3A : vector<1000x1xf32>
    %mul3A_7 = vector.broadcast %sqrt3A : f32 to vector<1000x1xf32>
    %mul3A_8 = arith.mulf %mul3A_7, %sqrt3A_6 : vector<1000x1xf32>
    %add3A = arith.constant 1.000000e+00 : f32
    %add3A_9 = vector.broadcast %add3A : f32 to vector<1000x1xf32>
    %add3A_10 = arith.addf %add3A_9, %mul3A_8 : vector<1000x1xf32>
    %sub3A = arith.constant 1.000000e+00 : f32
    %sub3A_11 = vector.broadcast %sub3A : f32 to vector<1000x1xf32>
    %sub3A_12 = arith.subf %sub3A_11, %mul3A_8 : vector<1000x1xf32>
    %div3A = arith.divf %add3A_10, %sub3A_12 : vector<1000x1xf32>
    %log3A = math.log %div3A : vector<1000x1xf32>
    %mul3A_13 = arith.constant 5.000000e-01 : f32
    %mul3A_14 = vector.broadcast %mul3A_13 : f32 to vector<1000x1xf32>
    %mul3A_15 = arith.mulf %mul3A_14, %log3A : vector<1000x1xf32>
    %div3A_16 = arith.constant 2.000000e+00 : f32
    %div3A_17 = arith.divf %div3A_16, %sqrt3A : f32
    %mul3A_18 = vector.broadcast %div3A_17 : f32 to vector<1000x1xf32>
    %mul3A_19 = arith.mulf %mul3A_18, %mul3A_15 : vector<1000x1xf32>
    %div3A_20 = arith.divf %mul3A_19, %sqrt3A_6 : vector<1000x1xf32>
    %mul3A_21 = vector.broadcast %div3A_20 : vector<1000x1xf32> to vector<1000x128xf32>
    %mul3A_22 = arith.mulf %mul3A_21, %get3A_4 : vector<1000x128xf32>
    %get3A_23 = arith.constant 0 : index
    %get3A_24 = arith.constant 0 : index
    %get3A_25 = vector.load %arg3[%get3A_23, %get3A_24] : memref<128x128xf32, #tpu.memory_space<vmem>>, vector<128x128xf32>
    %dot_general3A = arith.constant dense<0.000000e+00> : vector<1000x128xf32>
    %dot_general3A_26 = tpu.matmul %mul3A_22, %get3A_25, %dot_general3A {dimension_numbers = #tpu.dot_dimension_numbers<[1], [1], [0], [0], [0, 0, 1, 0], [], []>, transpose_lhs_hint = false} : vector<1000x128xf32>, vector<128x128xf32>, vector<1000x128xf32> -> vector<1000x128xf32>
    %get3A_27 = arith.constant 0 : index
    %get3A_28 = arith.constant 0 : index
    %get3A_29 = vector.load %arg4[%get3A_27, %get3A_28] : memref<1x128xf32, #tpu.memory_space<vmem>>, vector<1x128xf32>
    %add3A_30 = vector.broadcast %get3A_29 : vector<1x128xf32> to vector<1000x128xf32>
    %add3A_31 = arith.addf %dot_general3A_26, %add3A_30 : vector<1000x128xf32>
    %swap3A = arith.constant 0 : index
    %swap3A_32 = arith.constant 0 : index
    %swap3A_33 = vector.load %arg5[%swap3A, %swap3A_32] : memref<1000x128xf32, #tpu.memory_space<vmem>>, vector<1000x128xf32>
    tpu.vector_store %arg5[%swap3A, %swap3A_32], %add3A_31 {strides = array<i32>} : memref<1000x128xf32, #tpu.memory_space<vmem>>, vector<1000x128xf32>,
    return
  }
  func.func @transform_0(%arg0: i32) -> (i32, i32) {
    %c0_i32 = arith.constant 0 : i32
    %c0_i32_0 = arith.constant 0 : i32
    %c0_i32_1 = arith.constant 0 : i32
    return %c0_i32, %c0_i32_0 : i32, i32
  }
  func.func @transform_1(%arg0: i32) -> (i32, i32) {
    %c0_i32 = arith.constant 0 : i32
    %c0_i32_0 = arith.constant 0 : i32
    return %arg0, %c0_i32 : i32, i32
  }
  func.func @transform_2(%arg0: i32) -> (i32, i32) {
    %c0_i32 = arith.constant 0 : i32
    %c0_i32_0 = arith.constant 0 : i32
    %c0_i32_1 = arith.constant 0 : i32
    return %c0_i32, %c0_i32_0 : i32, i32
  }
  func.func @transform_3(%arg0: i32) -> (i32, i32) {
    %c0_i32 = arith.constant 0 : i32
    %c0_i32_0 = arith.constant 0 : i32
    %c0_i32_1 = arith.constant 0 : i32
    return %c0_i32, %c0_i32_0 : i32, i32
  }
  func.func @transform_4(%arg0: i32) -> (i32, i32) {
    %c0_i32 = arith.constant 0 : i32
    %c0_i32_0 = arith.constant 0 : i32
    return %arg0, %c0_i32 : i32, i32
  }
}

module attributes {stable_mosaic.version = 14 : i64} {
  func.func @_post_body(%arg0: i32, %arg1: memref<1x1xf32, #tpu.memory_space<smem>>, %arg2: memref<2x1000x128xf32, #tpu.memory_space<vmem>>, %arg3: memref<2x1000x1xf32, #tpu.memory_space<vmem>>, %arg4: memref<1000x128xf32, #tpu.memory_space<vmem>>) attributes {dimension_semantics = [#tpu.dimension_semantics<arbitrary>], iteration_bounds = array<i64: 10>, scalar_prefetch = 0 : i64, scratch_operands = 0 : i64, tpu.core_type = #tpu.core_type<tc>, window_params = [{transform_indices = @transform_0, window_bounds = array<i64: 1, 1>}, {transform_indices = @transform_1, window_bounds = array<i64: 2, 1000, 128>}, {transform_indices = @transform_2, window_bounds = array<i64: 2, 1000, 1>}, {transform_indices = @transform_3, window_bounds = array<i64: 1000, 128>}]} {
    %get3A = arith.constant 0 : index
    %get3A_0 = arith.constant 0 : index
    %get3A_1 = memref.load %arg1[%get3A, %get3A_0] : memref<1x1xf32, #tpu.memory_space<smem>>
    %sqrt3A = math.sqrt %get3A_1 : f32
    %get3A_2 = arith.constant 0 : index
    %get3A_3 = arith.constant 0 : index
    %get3A_4 = arith.constant 0 : index
    %get3A_5 = vector.load %arg2[%get3A_2, %get3A_3, %get3A_4] : memref<2x1000x128xf32, #tpu.memory_space<vmem>>, vector<1x1000x128xf32>
    %get3A_6 = vector.shape_cast %get3A_5 : vector<1x1000x128xf32> to vector<1000x128xf32>
    %get3A_7 = arith.constant 1 : index
    %get3A_8 = arith.constant 0 : index
    %get3A_9 = arith.constant 0 : index
    %get3A_10 = vector.load %arg2[%get3A_7, %get3A_8, %get3A_9] : memref<2x1000x128xf32, #tpu.memory_space<vmem>>, vector<1x1000x128xf32>
    %get3A_11 = vector.shape_cast %get3A_10 : vector<1x1000x128xf32> to vector<1000x128xf32>
    %add3A = arith.addf %get3A_6, %get3A_11 : vector<1000x128xf32>
    %get3A_12 = arith.constant 0 : index
    %get3A_13 = arith.constant 0 : index
    %get3A_14 = arith.constant 0 : index
    %get3A_15 = vector.load %arg3[%get3A_12, %get3A_13, %get3A_14] : memref<2x1000x1xf32, #tpu.memory_space<vmem>>, vector<1x1000x1xf32>
    %get3A_16 = vector.shape_cast %get3A_15 : vector<1x1000x1xf32> to vector<1000x1xf32>
    %get3A_17 = arith.constant 1 : index
    %get3A_18 = arith.constant 0 : index
    %get3A_19 = arith.constant 0 : index
    %get3A_20 = vector.load %arg3[%get3A_17, %get3A_18, %get3A_19] : memref<2x1000x1xf32, #tpu.memory_space<vmem>>, vector<1x1000x1xf32>
    %get3A_21 = vector.shape_cast %get3A_20 : vector<1x1000x1xf32> to vector<1000x1xf32>
    %add3A_22 = arith.addf %get3A_16, %get3A_21 : vector<1000x1xf32>
    %max3A = arith.constant 1.000000e+00 : f32
    %max3A_23 = vector.broadcast %max3A : f32 to vector<1000x1xf32>
    %max3A_24 = arith.maximumf %add3A_22, %max3A_23 : vector<1000x1xf32>
    %div3A = vector.broadcast %max3A_24 : vector<1000x1xf32> to vector<1000x128xf32>
    %div3A_25 = arith.divf %add3A, %div3A : vector<1000x128xf32>
    %mul3A = arith.mulf %div3A_25, %div3A_25 : vector<1000x128xf32>
    %reduce_sum3A = arith.constant dense<0.000000e+00> : vector<1000xf32>
    %reduce_sum3A_26 = vector.multi_reduction <add>, %mul3A, %reduce_sum3A [1] : vector<1000x128xf32> to vector<1000xf32>
    %broadcast_in_dim3A = vector.shape_cast %reduce_sum3A_26 : vector<1000xf32> to vector<1000x1xf32>
    %sqrt3A_27 = math.sqrt %broadcast_in_dim3A : vector<1000x1xf32>
    %mul3A_28 = vector.broadcast %sqrt3A : f32 to vector<1000x1xf32>
    %mul3A_29 = arith.mulf %mul3A_28, %sqrt3A_27 : vector<1000x1xf32>
    %mul3A_30 = arith.constant 5.000000e-01 : f32
    %mul3A_31 = vector.broadcast %mul3A_30 : f32 to vector<1000x1xf32>
    %mul3A_32 = arith.mulf %mul3A_29, %mul3A_31 : vector<1000x1xf32>
    %tanh3A = math.tanh %mul3A_32 : vector<1000x1xf32>
    %mul3A_33 = vector.broadcast %tanh3A : vector<1000x1xf32> to vector<1000x128xf32>
    %mul3A_34 = arith.mulf %mul3A_33, %div3A_25 : vector<1000x128xf32>
    %mul3A_35 = vector.broadcast %sqrt3A : f32 to vector<1000x1xf32>
    %mul3A_36 = arith.mulf %mul3A_35, %sqrt3A_27 : vector<1000x1xf32>
    %div3A_37 = vector.broadcast %mul3A_36 : vector<1000x1xf32> to vector<1000x128xf32>
    %div3A_38 = arith.divf %mul3A_34, %div3A_37 : vector<1000x128xf32>
    %swap3A = arith.constant 0 : index
    %swap3A_39 = arith.constant 0 : index
    %swap3A_40 = vector.load %arg4[%swap3A, %swap3A_39] : memref<1000x128xf32, #tpu.memory_space<vmem>>, vector<1000x128xf32>
    tpu.vector_store %arg4[%swap3A, %swap3A_39], %div3A_38 {strides = array<i32>} : memref<1000x128xf32, #tpu.memory_space<vmem>>, vector<1000x128xf32>,
    return
  }
  func.func @transform_0(%arg0: i32) -> (i32, i32) {
    %c0_i32 = arith.constant 0 : i32
    %c0_i32_0 = arith.constant 0 : i32
    %c0_i32_1 = arith.constant 0 : i32
    return %c0_i32, %c0_i32_0 : i32, i32
  }
  func.func @transform_1(%arg0: i32) -> (i32, i32, i32) {
    %c0_i32 = arith.constant 0 : i32
    %c0_i32_0 = arith.constant 0 : i32
    %c0_i32_1 = arith.constant 0 : i32
    return %c0_i32, %arg0, %c0_i32_0 : i32, i32, i32
  }
  func.func @transform_2(%arg0: i32) -> (i32, i32, i32) {
    %c0_i32 = arith.constant 0 : i32
    %c0_i32_0 = arith.constant 0 : i32
    %c0_i32_1 = arith.constant 0 : i32
    return %c0_i32, %arg0, %c0_i32_0 : i32, i32, i32
  }
  func.func @transform_3(%arg0: i32) -> (i32, i32) {
    %c0_i32 = arith.constant 0 : i32
    %c0_i32_0 = arith.constant 0 : i32
    return %arg0, %c0_i32 : i32, i32
  }
}

</mosaic_0001>

<sc_bundles>
// kernel: kernel.5.cloned.1.call-start
scs
__scs_entry_jumppad:
0x0: {  	(pc) =	sbr.rel $0x88, $3  }
0x1: {  	(tag) =	ssettag $0x0;
	lr =	simm.s32 $0x1  }
0x2: {  	[smem:$0x3F9C] =	sst lr;
	_ =	strace $0xD0000000  }
0x3: {  	_ = 	snop  }
0x4: {  	_ = 	snop  }
0x5: {  	_ = 	snop  }
0x6: {  	_ = 	snop  }
0x7: {  	_ = 	snop  }
__scs_overlays_trampoline_lowered:
0x8: {  	[smem:$0x3FAB] =	sst s0  }
0x9: {  	[smem:$0x3FAC] =	sst s1  }
0xa: {  	[smem:$0x3FAD] =	sst s2  }
0xb: {  	[smem:$0x3FAE] =	sst s3  }
0xc: {  	[smem:$0x3FAF] =	sst s4  }
0xd: {  	[smem:$0x3FB0] =	sst s5  }
0xe: {  	[smem:$0x3FB1] =	sst s6  }
0xf: {  	[smem:$0x3FB2] =	sst s7  }
0x10: {  	[smem:$0x3FB3] =	sst s8  }
0x11: {  	[smem:$0x3FB4] =	sst s9;
	s0 =	simm.s32 @!p0 $0x0  }
0x12: {  	s1 =	sld [smem:$0x3F9A];
	s0 =	simm.s32 @p0 $0x1  }
0x13: {  	[smem:$0x3FB5] =	sst s0;
	s0 =	simm.s32 @!p1 $0x0  }
0x14: {  	s2 =	sld [smem:$0x3F99];
	s0 =	simm.s32 @p1 $0x1  }
0x15: {  	[smem:$0x3FB6] =	sst s0;
	s0 =	simm.s32 @!p2 $0x0  }
0x16: {  	s3 =	sld [smem:$0x3FDB];
	s0 =	simm.s32 @p2 $0x1  }
0x17: {  	s4 =	simm.s32 $0x1BF5;
	[smem:$0x3FB8] =	sst s0  }
0x18: {  	s0 =	sld [smem:$0x3F9B];
	_ =	swait.ge [sflag:s4], $0x0  }
0x19: {  	s7 =	sld [smem:$0x3F9C]  }
0x1a: {  	s8 =	sadd.s32 $0xFFFFE003, lr  }
0x1b: {  	s9 =	sadd.s32 $0xFFFFFEF7, lr;
	s5 =	simm.s32 $0xFFFFFFFF;
	p2 =	slt.u32 s8, $0xFFFFF086  }
0x1c: {  	p1 =	slt.u32 s9, $0xF7A;
	s5 =	simm.s32 @!p2 $0x0  }
0x1d: {  	s5 =	simm.s32 @p1 $0x1;
	p0 =	seq.s32 s7, s2  }
0x1e: {  	s7 =	smul.u32 @!p0 $0xF7A, s2;
	p2 =	seq.s32 @!p0 s5, $0x0  }
0x1f: {  	s9 =	smul.u32 $0xF7A, s1;
	s8 =	simm.s32 @!p0 $0x1BF5;
	p2 =	por !p2, p0  }
0x20: {  	[sflag:s8] =	ssyncset.s32 @!p0 $0xFFFFF086;
	s6 =	sadd.s32 @!p0 s3, s7;
	s7 =	simm.s32 @!p0 $0x108  }
0x21: {  	s3 =	sadd.s32 s3, s9;
	s6 =	sadd.s32 @!p0 $0x88, s6;
	s7 =	simm.s32 @p2 $0x1082  }
0x22: {  	[simem:s7], [sflag:s8] =	dma.local @!p0 [hbm:s6], $0xF7A  }
0x23: {  	s9 =	sor.u32 $0xD0000000, s2;
	s6 =	simm.s32 $0x108;
	_ =	swait.ge @!p0 [sflag:s8], $0x0  }
0x24: {  	s3 =	sadd.s32 $0x88, s3;
	s6 =	simm.s32 @!p1 $0x1082;
	[sflag:s4] =	ssyncset.s32 $0xFFFFF086  }
0x25: {  	[simem:s6], [sflag:s4] =	dma.local [hbm:s3], $0xF7A  }
0x26: {  	[smem:$0x3F9C] =	sst s1;
	(tag) =	ssettag s2;
	_ =	strace s9  }
0x27: {  	s1 =	sld [smem:$0x3FAC]  }
0x28: {  	s2 =	sld [smem:$0x3FAD]  }
0x29: {  	s4 =	sld [smem:$0x3FAF]  }
0x2a: {  	p0 =	seq.s32 s5, $0x0;
	s5 =	sld [smem:$0x3FB0]  }
0x2b: {  	s6 =	sld [smem:$0x3FB1]  }
0x2c: {  	s7 =	sld [smem:$0x3FB2]  }
0x2d: {  	s3 =	simm.s32 $0x108;
	s8 =	sld [smem:$0x3FB3]  }
0x2e: {  	s3 =	simm.s32 @!p0 $0x1082;
	s9 =	sld [smem:$0x3FB4]  }
0x2f: {  	lr =	sadd.s32 s0, s3;
	s0 =	sld [smem:$0x3FAB]  }
0x30: {  	s3 =	sld [smem:$0x3FAE]  }
0x31: {  	[smem:$0x3FB7] =	sst s10  }
0x32: {  	s10 =	sld [smem:$0x3FB5];
	_ =	sdelay $0x3  }
0x33: {  	p0 =	seq.s32 s10, $0x1;
	s10 =	sld [smem:$0x3FB7];
	_ =	sdelay $0x3  }
0x34: {  	[smem:$0x3FB7] =	sst s10  }
0x35: {  	s10 =	sld [smem:$0x3FB6];
	_ =	sdelay $0x3  }
0x36: {  	p1 =	seq.s32 s10, $0x1;
	s10 =	sld [smem:$0x3FB7];
	_ =	sdelay $0x3  }
0x37: {  	[smem:$0x3FB7] =	sst s10  }
0x38: {  	s10 =	sld [smem:$0x3FB8]  }
0x39: {  	_ = 	snop;
	(pc) =	sbr.ind lr, $3  }
0x3a: {  	_ = 	snop  }
0x3b: {  	_ = 	snop  }
0x3c: {  	p2 =	seq.s32 s10, $0x1;
	s10 =	sld [smem:$0x3FB7]  }
0x3d: {  	_ =	shalt  }
0x3e: {  	_ =	shalt  }
0x3f: {  	_ =	shalt  }
0x40: {  	_ =	shalt  }
0x41: {  	_ =	shalt  }
0x42: {  	_ =	shalt  }
0x43: {  	_ =	shalt  }
0x44: {  	_ =	shalt  }
0x45: {  	_ =	shalt  }
0x46: {  	_ =	shalt  }
0x47: {  	_ =	shalt  }
0x48: {  	_ =	shalt  }
0x49: {  	_ =	shalt  }
0x4a: {  	_ =	shalt  }
0x4b: {  	_ =	shalt  }
0x4c: {  	_ =	shalt  }
0x4d: {  	_ =	shalt  }
0x4e: {  	_ =	shalt  }
0x4f: {  	_ =	shalt  }
0x50: {  	_ =	shalt  }
0x51: {  	_ =	shalt  }
0x52: {  	_ =	shalt  }
0x53: {  	_ =	shalt  }
0x54: {  	_ =	shalt  }
0x55: {  	_ =	shalt  }
0x56: {  	_ =	shalt  }
0x57: {  	_ =	shalt  }
0x58: {  	_ =	shalt  }
0x59: {  	_ =	shalt  }
0x5a: {  	_ =	shalt  }
0x5b: {  	_ =	shalt  }
0x5c: {  	_ =	shalt  }
0x5d: {  	_ =	shalt  }
0x5e: {  	_ =	shalt  }
0x5f: {  	_ =	shalt  }
0x60: {  	_ =	shalt  }
0x61: {  	_ =	shalt  }
0x62: {  	_ =	shalt  }
0x63: {  	_ =	shalt  }
0x64: {  	_ =	shalt  }
0x65: {  	_ =	shalt  }
0x66: {  	_ =	shalt  }
0x67: {  	_ =	shalt  }
0x68: {  	_ =	shalt  }
0x69: {  	_ =	shalt  }
0x6a: {  	_ =	shalt  }
0x6b: {  	_ =	shalt  }
0x6c: {  	_ =	shalt  }
0x6d: {  	_ =	shalt  }
0x6e: {  	_ =	shalt  }
0x6f: {  	_ =	shalt  }
0x70: {  	_ =	shalt  }
0x71: {  	_ =	shalt  }
0x72: {  	_ =	shalt  }
0x73: {  	_ =	shalt  }
0x74: {  	_ =	shalt  }
0x75: {  	_ =	shalt  }
0x76: {  	_ =	shalt  }
0x77: {  	_ =	shalt  }
0x78: {  	_ =	shalt  }
0x79: {  	_ =	shalt  }
0x7a: {  	_ =	shalt  }
0x7b: {  	_ =	shalt  }
0x7c: {  	_ =	shalt  }
0x7d: {  	_ =	shalt  }
0x7e: {  	_ =	shalt  }
0x7f: {  	_ =	shalt  }
0x80: {  	_ =	shalt  }
0x81: {  	_ =	shalt  }
0x82: {  	_ =	shalt  }
0x83: {  	_ =	shalt  }
0x84: {  	_ =	shalt  }
0x85: {  	_ =	shalt  }
0x86: {  	_ =	shalt  }
0x87: {  	_ =	shalt  }
.Lfunc_end0:
.L_simem_size_0:
called_computation_lowered:
.L_overlay_start_0:
0x88: {  	s2 =	sld [smem:$0x3FD9]  }
0x89: {  	s3 =	sld [smem:$0x3FFE];
	_ =	sdelay $0x1  }
0x8a: {  	s1 =	srdreg.scid  }
0x8b: {  	s0 =	sand.u32 $0x1, s1  }
0x8c: {  	s17 =	sshll.u32 s0, $0xA;
	s2 =	sadd.s32 s3, s2  }
0x8d: {  	s2 =	sadd.s32 s2, s17  }
0x8e: {  	[smem:$0x3FC3] =	sst s2  }
0x8f: {  	_ = 	snop  }
0x90: {  	s2 =	sld [smem:$0x3FD0];
	(tm) =	ssettm $0x1  }
0x91: {  	s18 =	sld [smem:$0x3FFB];
	_ =	sdelay $0x3  }
0x92: {  	_ =	strace s18  }
0x93: {  	s3 =	sld [smem:$0x3FFC];
	_ =	sdelay $0x3  }
0x94: {  	_ =	strace s3  }
0x95: {  	s3 =	sld [smem:$0x3FFD];
	_ =	sdelay $0x3  }
0x96: {  	_ =	strace s3  }
0x97: {  	_ =	strace $0x8FFFFFFF  }
0x98: {  	s19 =	sld [smem:$0x3FDB];
	_ =	sdelay $0x1  }
0x99: {  	s4 =	simm.s32 $_scs_section_size  }
0x9a: {  	s5 =	simm.s32 $_size__tile_overlayer_lowered;
	s6 =	simm.s32 $_tile_overlayer_lowered  }
0x9b: {  	s22 =	simm.s32 $0x1BFF;
	s21 =	sshll.u32 s6, $0x1;
	s3 =	sadd.s32 s4, s19  }
0x9c: {  	s7 =	simm.s32 $0x0;
	s20 =	sshll.u32 s5, $0x1;
	s5 =	sadd.s32 s21, s3  }
0x9d: {  	[timem:s7], [sflag:s22] =	dma.local [hbm:s5], s20  }
0x9e: {  	_ =	swait.ge [sflag:s22], s20  }
0x9f: {  	s4 =	ssub.s32 $0x0, s20;
	[sflag:s22] =	ssyncset.done $0x0  }
0xa0: {  	[sflag:s22] =	ssyncadd.s32 s4;
	_ =	sdelay $0x1  }
0xa1: {  	s23 =	simm.s32 $0x1B8B  }
0xa2: {  	_ =	swait.ge [sflag:s23], $0x1  }
0xa3: {  	[sflag:s23] =	ssyncset.done $0x0  }
0xa4: {  	s25 =	simm.s32 $0x1B8E;
	s24 =	sld [smem:$0x3FFE];
	[sflag:s23] =	ssyncadd.s32 $0xFFFFFFFF  }
0xa5: {  	s26 =	simm.s32 $execute0_lowered;
	[smem:$0x3FD2] =	sst s25  }
0xa6: {  	s5 =	sshll.u32 s26, $0x1;
	_ =	strace $0x80000046;
	[dreg:$0x1] =	wrdreg $0xFFFFFFFF  }
0xa7: {  	s28 =	simm.s32 $_size_execute0_lowered;
	s3 =	sadd.s32 s3, s5;
	[dreg:$0x0] =	wrdreg $0x0  }
0xa8: {  	s5 =	sshll.u32 s28, $0x1;
	[dreg:$0x2] =	wrdreg s3  }
0xa9: {  	[dreg:$0x3] =	wrdreg s5  }
0xaa: {  	[dreg:$0x4] =	wrdreg $0xC0  }
0xab: {  	_ =	task [dreg:s7], $0x5FFFF  }
0xac: {  	[dreg:$0x1] =	wrdreg $0xFFFFFFFF  }
0xad: {  	[dreg:$0x0] =	wrdreg $0x60  }
0xae: {  	[dreg:$0x2] =	wrdreg s2  }
0xaf: {  	[dreg:$0x3] =	wrdreg s24  }
0xb0: {  	[dreg:$0x4] =	wrdreg $0xB0800  }
0xb1: {  	[dreg:$0x5] =	wrdreg $0x1E9000  }
0xb2: {  	[dreg:$0x6] =	wrdreg $0x9  }
0xb3: {  	_ =	task.clear_ibuf [dreg:s7], $0x7FFFF;
	_ =	strace $0x90000046  }
0xb4: {  	s29 =	simm.s32 $0x9;
	_ =	strace $0x80000048  }
0xb5: {  	_ =	swait.ge [sflag:s29], $0x1  }
0xb6: {  	[sflag:s29] =	ssyncadd.s32 $0xFFFFFFFF  }
0xb7: {  	_ =	strace $0x90000048  }
0xb8: {  	_ =	sfence  }
0xb9: {  	s30 =	sld [smem:$0x0];
	_ =	sdelay $0x2  }
0xba: {  	s31 =	sshll.u32 s1, $0xD;
	s1 =	sshrl.u32 s1, $0x2  }
0xbb: {  	s3 =	sand.u32 $0x4000, s31;
	s1 =	sadd.s32 s1, s30  }
0xbc: {  	s0 =	sor.u32 s3, s0;
	s1 =	sshll.u32 s1, $0x11  }
0xbd: {  	s0 =	sor.u32 s1, s0  }
0xbe: {  	s0 =	sadd.s32 $0x8F2B, s0  }
0xbf: {  	[sflag:s0] =	ssyncadd.remote.s32 $0x1  }
0xc0: {  	_ =	sfence.sel $0xFFFF  }
0xc1: {  	[dreg:$0x0] =	wrdreg $0xFFFFFFFF;
	(pc) =	sbr.abs _section_cstart, $3  }
0xc2: {  	[dreg:$0x1] =	wrdreg $0xFFFFFFFF  }
0xc3: {  	_ =	task.clear_ibuf [dreg:s7], $0x2FFFF;
	_ =	strace $0x9FFFFFFF  }
0xc4: {  	(tm) =	ssettm $0x7FFFFFFF  }
0xc5: {  	_ =	shalt  }
tec
execute0_lowered:
.L_overlay_start_1:
0x0: {  	(tag) =	ssettag $0x1  }
0x1: {  	s1 =	rddreg [dreg:$0x0]  }
0x2: {  	s2 =	srdreg.scid;
	s6 =	rddreg [dreg:$0x1]  }
0x3: {  	s0 =	stileid.u32;
	s3 =	rddreg [dreg:$0x2];
	s28 =	simm.s32 $0x5  }
0x4: {  	s29 =	simm.s32 $0x7D;
	s30 =	simm.s32 $0x3000;
	s31 =	simm.s32 $0x2D00  }
0x5: {  	s2 =	sand.u32 $0x1, s2;
	s4 =	sshll.u32 s0, $0x1;
	s8 =	smul.u32 $0x2780, s0  }
0x6: {  	s9 =	sadd.s32 $0x19600, s6;
	s14 =	sadd.s32 $0x19400, s6;
	s12 =	smul.u32 $0x4F000, s0  }
0x7: {  	s13 =	sadd.s32 $0x41800, s6;
	s19 =	smul.u32 $0x13C00, s0;
	p0 =	sne.s32 s0, $0xF  }
0x8: {  	p3 =	seq.s32 s0, $0xF;
	s5 =	sor.u32 s2, s4;
	s4 =	rddreg [dreg:$0x3]  }
0x9: {  	s15 =	ssub.s32 $0x2, s2;
	s10 =	sshll.u32 s2, $0x4;
	s2 =	smul.u32 $0x138800, s2  }
0xa: {  	p2 =	sne.s32 @p0 s0, $0x0;
	s7 =	smul.u32 $0x3000, s5;
	s5 =	simm.s32 $0x0  }
0xb: {  	s8 =	sadd.s32 s8, s6;
	s11 =	sshrl.u32 s15, $0x1;
	s18 =	sshrl.u32 s12, $0x2  }
0xc: {  	s12 =	sadd.s32 $0x128400, s3;
	p1 =	por p2, !p0;
	[smem:$0x7FF] =	sst s5  }
0xd: {  	s8 =	sadd.s32 $0x19C00, s8;
	_ =	strace $0x80000047;
	[dreg:$0x5] =	wrdreg s9  }
0xe: {  	s7 =	sshrl.u32 s7, $0x3;
	[dreg:$0x6] =	wrdreg s14;
	s14 =	sadd.s32 s10, s6  }
0xf: {  	[dreg:$0x9] =	wrdreg s8;
	s7 =	sadd.s32 s7, s6;
	s6 =	sadd.s32 $0x3EC80, s6  }
0x10: {  	s9 =	ssub.s32 s15, s11;
	s25 =	sadd.s32 $0x40E00, s14;
	[dreg:$0xa] =	wrdreg s6  }
0x11: {  	p2 =	por !p2, !p0;
	s26 =	smax.u32 s9, $0x1;
	[dreg:$0x13] =	wrdreg s25  }
0x12: {  	s10 =	sadd.s32 s18, s3;
	s16 =	sadd.s32 $0x1400, s7;
	[dreg:$0x14] =	wrdreg s26  }
0x13: {  	s8 =	simm.s32 $0x1;
	s17 =	sadd.s32 $0xD400, s7;
	[dreg:$0x7] =	wrdreg s16  }
0x14: {  	s11 =	simm.s32 $0x2;
	s20 =	sadd.s32 $0x1580, s7;
	[dreg:$0x8] =	wrdreg s17  }
0x15: {  	s15 =	simm.s32 $0x3;
	s21 =	sadd.s32 $0xD580, s7;
	[dreg:$0xb] =	wrdreg s20  }
0x16: {  	s18 =	simm.s32 $0x2180;
	s22 =	sadd.s32 $0x1700, s7;
	[dreg:$0xc] =	wrdreg s21  }
0x17: {  	s9 =	simm.s32 $0x0;
	s23 =	sadd.s32 $0xD700, s7;
	[dreg:$0xd] =	wrdreg s22  }
0x18: {  	s24 =	sadd.s32 $0x1880, s7;
	s6 =	sadd.s32 s19, s2;
	[dreg:$0xe] =	wrdreg s23  }
0x19: {  	s7 =	sadd.s32 $0xD880, s7;
	s2 =	sshrl.u32 s2, $0x3;
	[dreg:$0xf] =	wrdreg s24  }
0x1a: {  	s25 =	simm.s32 $0xB000;
	s26 =	simm.s32 $0x6;
	[dreg:$0x10] =	wrdreg s7  }
0x1b: {  	s6 =	sshrl.u32 s6, $0x3;
	s2 =	sadd.s32 s13, s2;
	s24 =	simm.s32 $0x1800  }
0x1c: {  	s7 =	simm.s32 $0x2400;
	s16 =	simm.s32 $0x4;
	s17 =	simm.s32 $0x2100  }
0x1d: {  	s21 =	simm.s32 $0x2480;
	s23 =	simm.s32 $0x2D80;
	s6 =	sadd.s32 s13, s6  }
0x1e: {  	s2 =	sadd.s32 $0x25080, s2;
	s13 =	simm.s32 $0x1880;
	[dreg:$0x11] =	wrdreg s6  }
0x1f: {  	[dreg:$0x12] =	wrdreg s2;
	s6 =	simm.s32 $0x80;
	s2 =	simm.s32 $0x7000  }
.LBB2_1:
0x20: {  	s14 =	rddreg [dreg:$0x7]  }
0x21: {  	[tilespmem:s5], [sflag:$0x5] =	stream.linear.gather [hbm4b:s14+s5], $0xA00, $0x38;
	[tilespmem:$0x1EB78] =	vst v63  }
0x22: {  	s20 =	rddreg [dreg:$0x8];
	s14 =	sshll.u32 @p0 s0, $0x6  }
0x23: {  	[tilespmem:s24], [sflag:$0x5] =	stream.linear.gather [hbm4b:s20+s5], $0xA00, $0x38;
	[tilespmem:$0x1EB78] =	vst v63  }
0x24: {  	s19 =	sshrl.u32 @p0 s10, $0x3;
	s14 =	sor.u32 @p0 $0x1C06, s14;
	s20 =	rddreg [dreg:$0x9]  }
0x25: {  	[spmem:s19], [sflag:s14] =	dma.local @p0 [hbm:s20], $0x2780  }
0x26: {  	s14 =	simm.s32 @p0 $0x6  }
0x27: {  	_ =	swait.ge @p0 [sflag:s14], $0x2780  }
0x28: {  	s19 =	simm.s32 @!p1 $0x1C06;
	[sflag:s14] =	ssyncset.done @p0 $0x0  }
0x29: {  	s20 =	rddreg [dreg:$0x5];
	[sflag:s14] =	ssyncadd.s32 @p0 $0xFFFFD880;
	s14 =	sshrl.u32 @!p1 s4, $0x3  }
0x2a: {  	[spmem:s14], [sflag:s19] =	dma.local @!p1 [hbm:s20], $0x4F0  }
0x2b: {  	s14 =	simm.s32 @!p1 $0x6  }
0x2c: {  	_ =	swait.ge @!p1 [sflag:s14], $0x4F0  }
0x2d: {  	s19 =	simm.s32 @!p0 $0x1FC6;
	[sflag:s14] =	ssyncset.done @!p1 $0x0  }
0x2e: {  	s20 =	rddreg [dreg:$0xa];
	[sflag:s14] =	ssyncadd.s32 @!p1 $0xFFFFFB10;
	s14 =	sshrl.u32 @!p0 s12, $0x3  }
0x2f: {  	[spmem:s14], [sflag:s19] =	dma.local @!p0 [hbm:s20], $0x2080  }
0x30: {  	s14 =	simm.s32 @!p0 $0x6  }
0x31: {  	_ =	swait.ge @!p0 [sflag:s14], $0x2080  }
0x32: {  	[sflag:s14] =	ssyncset.done @!p0 $0x0  }
0x33: {  	s22 =	rddreg [dreg:$0x6];
	[sflag:s14] =	ssyncadd.s32 @!p0 $0xFFFFDF80  }
0x34: {  	[tilespmem:s25], [sflag:$0x6] =	stream.linear.gather [hbm4b:s22+s5], $0x80, $0x38;
	[tilespmem:$0x1EB78] =	vst v63  }
0x35: {  	_ =	swait.ge [sflag:s26], $0x80  }
0x36: {  	[sflag:s26] =	ssyncset.done $0x0  }
0x37: {  	[sflag:s26] =	ssyncadd.s32 $0xFFFFFF80  }
0x38: {  	_ =	swait.ge [sflag:s28], $0xA00  }
0x39: {  	[sflag:s28] =	ssyncset.done $0x0  }
0x3a: {  	[sflag:s28] =	ssyncadd.s32 $0xFFFFF600  }
0x3b: {  	_ =	swait.ge [sflag:s28], $0xA00  }
0x3c: {  	[sflag:s28] =	ssyncset.done $0x0  }
0x3d: {  	[sflag:s28] =	ssyncadd.s32 $0xFFFFF600  }
0x3e: {  	[bflag:$0x0] =	sbarrier.arrive $0xFFFF  }
0x3f: {  	[tilespmem:s30], [sflag:$0x1] =	stream.indirect.gather [hbm4b:s1+s29], $0x80, s5, s29, $0xb8;
	[tilespmem:$0x1EB78] =	vst v63  }
0x40: {  	_ = 	snop  }
0x41: {  	[tilespmem:s2], [sflag:$0x2] =	stream.indirect.gather [hbm4b:s1+s29], $0x80, s6, s29, $0xb8;
	[tilespmem:$0x1EB78] =	vst v63  }
0x42: {  	s20 =	simm.s32 $0xC00;
	s19 =	rddreg [dreg:$0xb]  }
0x43: {  	[tilespmem:s20], [sflag:$0x5] =	stream.linear.gather [hbm4b:s19+s5], $0xA00, $0x38;
	[tilespmem:$0x1EB78] =	vst v63  }
0x44: {  	s22 =	rddreg [dreg:$0xc]  }
0x45: {  	[tilespmem:s7], [sflag:$0x5] =	stream.linear.gather [hbm4b:s22+s5], $0xA00, $0x38;
	[tilespmem:$0x1EB78] =	vst v63  }
0x46: {  	_ =	swait.ge [sflag:s8], $0x3E80  }
0x47: {  	[sflag:s8] =	ssyncset.done $0x0  }
0x48: {  	[sflag:s8] =	ssyncadd.s32 $0xFFFFC180  }
0x49: {  	[spmem:s3] =	stream.indirect.scatter.add.f32 [tilespmem:s30], [sflag:$0x6], $0x80, s24, s29, $0xb8;
	[tilespmem:$0x1EB78] =	vst v63  }
0x4a: {  	_ =	swait.ge [sflag:s26], $0x3E80  }
0x4b: {  	[sflag:s26] =	ssyncset.done $0x0  }
0x4c: {  	s19 =	simm.s32 $0x100;
	[sflag:s26] =	ssyncadd.s32 $0xFFFFC180  }
0x4d: {  	[tilespmem:s30], [sflag:$0x1] =	stream.indirect.gather [hbm4b:s1+s29], $0x80, s19, s29, $0xb8;
	[tilespmem:$0x1EB78] =	vst v63  }
0x4e: {  	_ = 	snop  }
0x4f: {  	[spmem:s4] =	stream.indirect.scatter.add.f32 [tilespmem:s25], [sflag:$0x3], $0x1, s24, s29, $0xb8;
	[tilespmem:$0x1EB78] =	vst v63  }
0x50: {  	_ =	swait.ge [sflag:s11], $0x3E80  }
0x51: {  	[sflag:s11] =	ssyncset.done $0x0  }
0x52: {  	[sflag:s11] =	ssyncadd.s32 $0xFFFFC180  }
0x53: {  	[spmem:s3] =	stream.indirect.scatter.add.f32 [tilespmem:s2], [sflag:$0x6], $0x80, s13, s29, $0xb8;
	[tilespmem:$0x1EB78] =	vst v63  }
0x54: {  	_ =	swait.ge [sflag:s26], $0x3E80  }
0x55: {  	[sflag:s26] =	ssyncset.done $0x0  }
0x56: {  	s20 =	simm.s32 $0x180;
	[sflag:s26] =	ssyncadd.s32 $0xFFFFC180  }
0x57: {  	[tilespmem:s2], [sflag:$0x2] =	stream.indirect.gather [hbm4b:s1+s29], $0x80, s20, s29, $0xb8;
	[tilespmem:$0x1EB78] =	vst v63  }
0x58: {  	_ = 	snop  }
0x59: {  	[spmem:s4] =	stream.indirect.scatter.add.f32 [tilespmem:s25], [sflag:$0x4], $0x1, s13, s29, $0xb8;
	[tilespmem:$0x1EB78] =	vst v63  }
0x5a: {  	_ =	swait.ge [sflag:s8], $0x3E80  }
0x5b: {  	[sflag:s8] =	ssyncset.done $0x0  }
0x5c: {  	s22 =	simm.s32 $0x1900;
	[sflag:s8] =	ssyncadd.s32 $0xFFFFC180  }
0x5d: {  	[spmem:s3] =	stream.indirect.scatter.add.f32 [tilespmem:s30], [sflag:$0x6], $0x80, s22, s29, $0xb8;
	[tilespmem:$0x1EB78] =	vst v63  }
0x5e: {  	_ =	swait.ge [sflag:s26], $0x3E80  }
0x5f: {  	[sflag:s26] =	ssyncset.done $0x0  }
0x60: {  	s20 =	simm.s32 $0x200;
	[sflag:s26] =	ssyncadd.s32 $0xFFFFC180  }
0x61: {  	[tilespmem:s30], [sflag:$0x1] =	stream.indirect.gather [hbm4b:s1+s29], $0x80, s20, s29, $0xb8;
	[tilespmem:$0x1EB78] =	vst v63  }
0x62: {  	_ =	swait.ge [sflag:s15], $0x7D  }
0x63: {  	[sflag:s15] =	ssyncset.done $0x0  }
0x64: {  	[sflag:s15] =	ssyncadd.s32 $0xFFFFFF83  }
0x65: {  	[spmem:s4] =	stream.indirect.scatter.add.f32 [tilespmem:s25], [sflag:$0x3], $0x1, s22, s29, $0xb8;
	[tilespmem:$0x1EB78] =	vst v63  }
0x66: {  	_ =	swait.ge [sflag:s11], $0x3E80  }
0x67: {  	[sflag:s11] =	ssyncset.done $0x0  }
0x68: {  	s19 =	simm.s32 $0x1980;
	[sflag:s11] =	ssyncadd.s32 $0xFFFFC180  }
0x69: {  	[spmem:s3] =	stream.indirect.scatter.add.f32 [tilespmem:s2], [sflag:$0x6], $0x80, s19, s29, $0xb8;
	[tilespmem:$0x1EB78] =	vst v63  }
0x6a: {  	_ =	swait.ge [sflag:s26], $0x3E80  }
0x6b: {  	[sflag:s26] =	ssyncset.done $0x0  }
0x6c: {  	s22 =	simm.s32 $0x280;
	[sflag:s26] =	ssyncadd.s32 $0xFFFFC180  }
0x6d: {  	[tilespmem:s2], [sflag:$0x2] =	stream.indirect.gather [hbm4b:s1+s29], $0x80, s22, s29, $0xb8;
	[tilespmem:$0x1EB78] =	vst v63  }
0x6e: {  	p5 =	por @p0 $0x0, $0x0;
	p4 =	por @!p1 $0x1, $0x1;
	_ =	swait.ge [sflag:s16], $0x7D  }
0x6f: {  	p4 =	por @!p2 p5, p5;
	p5 =	por @!p0 $0x0, $0x0;
	[sflag:s16] =	ssyncset.done $0x0  }
0x70: {  	p4 =	por @!p0 p5, p5;
	s14 =	simm.s32 $0xFFFFE400;
	[sflag:s16] =	ssyncadd.s32 $0xFFFFFF83  }
.LBB2_2:
0x71: {  	[spmem:s4] =	stream.indirect.scatter.add.f32 [tilespmem:s25], [sflag:$0x4], $0x1, s19, s29, $0xb8;
	[tilespmem:$0x1EB78] =	vst v63  }
0x72: {  	s19 =	smov.u32 s14  }
0x73: {  	p5 =	sne.s32 s14, $0xFFFFFC00;
	s14 =	sadd.s32 $0x400, s14;
	_ =	swait.ge [sflag:s8], $0x3E80  }
0x74: {  	s20 =	sshra.s32 s19, $0x2;
	[sflag:s8] =	ssyncset.done $0x0  }
0x75: {  	s19 =	sadd.s32 $0x2100, s20;
	[sflag:s8] =	ssyncadd.s32 $0xFFFFC180  }
0x76: {  	[spmem:s3] =	stream.indirect.scatter.add.f32 [tilespmem:s30], [sflag:$0x6], $0x80, s19, s29, $0xb8;
	[tilespmem:$0x1EB78] =	vst v63  }
0x77: {  	_ =	swait.ge [sflag:s26], $0x3E80  }
0x78: {  	[sflag:s26] =	ssyncset.done $0x0  }
0x79: {  	s22 =	sadd.s32 $0xA00, s20;
	[sflag:s26] =	ssyncadd.s32 $0xFFFFC180  }
0x7a: {  	[tilespmem:s30], [sflag:$0x1] =	stream.indirect.gather [hbm4b:s1+s29], $0x80, s22, s29, $0xb8;
	[tilespmem:$0x1EB78] =	vst v63  }
0x7b: {  	_ =	swait.ge [sflag:s15], $0x7D  }
0x7c: {  	[sflag:s15] =	ssyncset.done $0x0  }
0x7d: {  	[sflag:s15] =	ssyncadd.s32 $0xFFFFFF83  }
0x7e: {  	[spmem:s4] =	stream.indirect.scatter.add.f32 [tilespmem:s25], [sflag:$0x3], $0x1, s19, s29, $0xb8;
	[tilespmem:$0x1EB78] =	vst v63  }
0x7f: {  	_ =	swait.ge [sflag:s11], $0x3E80  }
0x80: {  	[sflag:s11] =	ssyncset.done $0x0  }
0x81: {  	s19 =	sadd.s32 $0x2180, s20;
	[sflag:s11] =	ssyncadd.s32 $0xFFFFC180  }
0x82: {  	[spmem:s3] =	stream.indirect.scatter.add.f32 [tilespmem:s2], [sflag:$0x6], $0x80, s19, s29, $0xb8;
	[tilespmem:$0x1EB78] =	vst v63  }
0x83: {  	_ =	swait.ge [sflag:s26], $0x3E80  }
0x84: {  	[sflag:s26] =	ssyncset.done $0x0  }
.Ltmp0:
0x85: {  	s20 =	sadd.s32 $0xA80, s20;
	[sflag:s26] =	ssyncadd.s32 $0xFFFFC180;
	(pc) =	sbr.rel @p5 .LBB2_2-.Ltmp0, $4  }
0x86: {  	[tilespmem:s2], [sflag:$0x2] =	stream.indirect.gather [hbm4b:s1+s29], $0x80, s20, s29, $0xb8;
	[tilespmem:$0x1EB78] =	vst v63  }
0x87: {  	_ =	swait.ge [sflag:s16], $0x7D  }
0x88: {  	[sflag:s16] =	ssyncset.done $0x0  }
0x89: {  	[sflag:s16] =	ssyncadd.s32 $0xFFFFFF83  }
0x8a: {  	[spmem:s4] =	stream.indirect.scatter.add.f32 [tilespmem:s25], [sflag:$0x4], $0x1, s19, s29, $0xb8;
	[tilespmem:$0x1EB78] =	vst v63  }
0x8b: {  	_ =	swait.ge [sflag:s28], $0xA00  }
0x8c: {  	[sflag:s28] =	ssyncset.done $0x0  }
0x8d: {  	[sflag:s28] =	ssyncadd.s32 $0xFFFFF600  }
0x8e: {  	_ =	swait.ge [sflag:s28], $0xA00  }
0x8f: {  	[sflag:s28] =	ssyncset.done $0x0  }
0x90: {  	[sflag:s28] =	ssyncadd.s32 $0xFFFFF600  }
0x91: {  	_ =	swait.ge [sflag:s8], $0x3E80  }
0x92: {  	[sflag:s8] =	ssyncset.done $0x0  }
0x93: {  	[sflag:s8] =	ssyncadd.s32 $0xFFFFC180  }
0x94: {  	[spmem:s3] =	stream.indirect.scatter.add.f32 [tilespmem:s30], [sflag:$0x6], $0x80, s17, s29, $0xb8;
	[tilespmem:$0x1EB78] =	vst v63  }
0x95: {  	_ =	swait.ge [sflag:s26], $0x3E80  }
0x96: {  	[sflag:s26] =	ssyncset.done $0x0  }
0x97: {  	s14 =	simm.s32 $0xC00;
	[sflag:s26] =	ssyncadd.s32 $0xFFFFC180  }
0x98: {  	[tilespmem:s30], [sflag:$0x1] =	stream.indirect.gather [hbm4b:s1+s29], $0x80, s14, s29, $0xb8;
	[tilespmem:$0x1EB78] =	vst v63  }
0x99: {  	_ =	swait.ge [sflag:s15], $0x7D  }
0x9a: {  	[sflag:s15] =	ssyncset.done $0x0  }
0x9b: {  	[sflag:s15] =	ssyncadd.s32 $0xFFFFFF83  }
0x9c: {  	[spmem:s4] =	stream.indirect.scatter.add.f32 [tilespmem:s25], [sflag:$0x3], $0x1, s17, s29, $0xb8;
	[tilespmem:$0x1EB78] =	vst v63  }
0x9d: {  	_ =	swait.ge [sflag:s11], $0x3E80  }
0x9e: {  	[sflag:s11] =	ssyncset.done $0x0  }
0x9f: {  	[sflag:s11] =	ssyncadd.s32 $0xFFFFC180  }
0xa0: {  	[spmem:s3] =	stream.indirect.scatter.add.f32 [tilespmem:s2], [sflag:$0x6], $0x80, s18, s29, $0xb8;
	[tilespmem:$0x1EB78] =	vst v63  }
0xa1: {  	_ =	swait.ge [sflag:s26], $0x3E80  }
0xa2: {  	[sflag:s26] =	ssyncset.done $0x0  }
0xa3: {  	s19 =	simm.s32 $0xC80;
	[sflag:s26] =	ssyncadd.s32 $0xFFFFC180  }
0xa4: {  	[tilespmem:s2], [sflag:$0x2] =	stream.indirect.gather [hbm4b:s1+s29], $0x80, s19, s29, $0xb8;
	[tilespmem:$0x1EB78] =	vst v63  }
0xa5: {  	_ =	swait.ge [sflag:s16], $0x7D  }
0xa6: {  	[sflag:s16] =	ssyncset.done $0x0  }
0xa7: {  	[sflag:s16] =	ssyncadd.s32 $0xFFFFFF83  }
0xa8: {  	[spmem:s4] =	stream.indirect.scatter.add.f32 [tilespmem:s25], [sflag:$0x4], $0x1, s18, s29, $0xb8;
	[tilespmem:$0x1EB78] =	vst v63  }
0xa9: {  	_ =	swait.ge [sflag:s15], $0x7D  }
0xaa: {  	[sflag:s15] =	ssyncset.done $0x0  }
0xab: {  	[sflag:s15] =	ssyncadd.s32 $0xFFFFFF83  }
0xac: {  	_ =	swait.ge [sflag:s16], $0x7D  }
0xad: {  	[sflag:s16] =	ssyncset.done $0x0  }
0xae: {  	s20 =	rddreg [dreg:$0xd];
	[sflag:s16] =	ssyncadd.s32 $0xFFFFFF83  }
0xaf: {  	[tilespmem:s5], [sflag:$0x5] =	stream.linear.gather [hbm4b:s20+s5], $0xA00, $0x38;
	[tilespmem:$0x1EB78] =	vst v63  }
0xb0: {  	s22 =	rddreg [dreg:$0xe]  }
0xb1: {  	[tilespmem:s24], [sflag:$0x5] =	stream.linear.gather [hbm4b:s22+s5], $0xA00, $0x38;
	[tilespmem:$0x1EB78] =	vst v63  }
0xb2: {  	_ =	swait.ge [sflag:s8], $0x3E80  }
0xb3: {  	[sflag:s8] =	ssyncset.done $0x0  }
0xb4: {  	[sflag:s8] =	ssyncadd.s32 $0xFFFFC180  }
0xb5: {  	[spmem:s3] =	stream.indirect.scatter.add.f32 [tilespmem:s30], [sflag:$0x6], $0x80, s7, s29, $0xb8;
	[tilespmem:$0x1EB78] =	vst v63  }
0xb6: {  	_ =	swait.ge [sflag:s26], $0x3E80  }
0xb7: {  	[sflag:s26] =	ssyncset.done $0x0  }
0xb8: {  	s19 =	simm.s32 $0xD00;
	[sflag:s26] =	ssyncadd.s32 $0xFFFFC180  }
0xb9: {  	[tilespmem:s30], [sflag:$0x1] =	stream.indirect.gather [hbm4b:s1+s29], $0x80, s19, s29, $0xb8;
	[tilespmem:$0x1EB78] =	vst v63  }
0xba: {  	_ = 	snop  }
0xbb: {  	[spmem:s4] =	stream.indirect.scatter.add.f32 [tilespmem:s25], [sflag:$0x3], $0x1, s7, s29, $0xb8;
	[tilespmem:$0x1EB78] =	vst v63  }
0xbc: {  	_ =	swait.ge [sflag:s11], $0x3E80  }
0xbd: {  	[sflag:s11] =	ssyncset.done $0x0  }
0xbe: {  	[sflag:s11] =	ssyncadd.s32 $0xFFFFC180  }
0xbf: {  	[spmem:s3] =	stream.indirect.scatter.add.f32 [tilespmem:s2], [sflag:$0x6], $0x80, s21, s29, $0xb8;
	[tilespmem:$0x1EB78] =	vst v63  }
0xc0: {  	_ =	swait.ge [sflag:s26], $0x3E80  }
0xc1: {  	[sflag:s26] =	ssyncset.done $0x0  }
0xc2: {  	s20 =	simm.s32 $0xD80;
	[sflag:s26] =	ssyncadd.s32 $0xFFFFC180  }
0xc3: {  	[tilespmem:s2], [sflag:$0x2] =	stream.indirect.gather [hbm4b:s1+s29], $0x80, s20, s29, $0xb8;
	[tilespmem:$0x1EB78] =	vst v63  }
0xc4: {  	_ = 	snop  }
0xc5: {  	[spmem:s4] =	stream.indirect.scatter.add.f32 [tilespmem:s25], [sflag:$0x4], $0x1, s21, s29, $0xb8;
	[tilespmem:$0x1EB78] =	vst v63  }
0xc6: {  	_ =	swait.ge [sflag:s8], $0x3E80  }
0xc7: {  	[sflag:s8] =	ssyncset.done $0x0  }
0xc8: {  	s22 =	simm.s32 $0x2500;
	[sflag:s8] =	ssyncadd.s32 $0xFFFFC180  }
0xc9: {  	[spmem:s3] =	stream.indirect.scatter.add.f32 [tilespmem:s30], [sflag:$0x6], $0x80, s22, s29, $0xb8;
	[tilespmem:$0x1EB78] =	vst v63  }
0xca: {  	_ =	swait.ge [sflag:s26], $0x3E80  }
0xcb: {  	[sflag:s26] =	ssyncset.done $0x0  }
0xcc: {  	s20 =	simm.s32 $0xE00;
	[sflag:s26] =	ssyncadd.s32 $0xFFFFC180  }
0xcd: {  	[tilespmem:s30], [sflag:$0x1] =	stream.indirect.gather [hbm4b:s1+s29], $0x80, s20, s29, $0xb8;
	[tilespmem:$0x1EB78] =	vst v63  }
0xce: {  	_ =	swait.ge [sflag:s15], $0x7D  }
0xcf: {  	[sflag:s15] =	ssyncset.done $0x0  }
0xd0: {  	[sflag:s15] =	ssyncadd.s32 $0xFFFFFF83  }
0xd1: {  	[spmem:s4] =	stream.indirect.scatter.add.f32 [tilespmem:s25], [sflag:$0x3], $0x1, s22, s29, $0xb8;
	[tilespmem:$0x1EB78] =	vst v63  }
0xd2: {  	_ =	swait.ge [sflag:s11], $0x3E80  }
0xd3: {  	[sflag:s11] =	ssyncset.done $0x0  }
0xd4: {  	s19 =	simm.s32 $0x2580;
	[sflag:s11] =	ssyncadd.s32 $0xFFFFC180  }
0xd5: {  	[spmem:s3] =	stream.indirect.scatter.add.f32 [tilespmem:s2], [sflag:$0x6], $0x80, s19, s29, $0xb8;
	[tilespmem:$0x1EB78] =	vst v63  }
0xd6: {  	_ =	swait.ge [sflag:s26], $0x3E80  }
0xd7: {  	[sflag:s26] =	ssyncset.done $0x0  }
0xd8: {  	s22 =	simm.s32 $0xE80;
	[sflag:s26] =	ssyncadd.s32 $0xFFFFC180  }
0xd9: {  	[tilespmem:s2], [sflag:$0x2] =	stream.indirect.gather [hbm4b:s1+s29], $0x80, s22, s29, $0xb8;
	[tilespmem:$0x1EB78] =	vst v63  }
0xda: {  	_ =	swait.ge [sflag:s16], $0x7D  }
0xdb: {  	[sflag:s16] =	ssyncset.done $0x0  }
0xdc: {  	s14 =	simm.s32 $0xFFFFE400;
	[sflag:s16] =	ssyncadd.s32 $0xFFFFFF83  }
.LBB2_4:
0xdd: {  	[spmem:s4] =	stream.indirect.scatter.add.f32 [tilespmem:s25], [sflag:$0x4], $0x1, s19, s29, $0xb8;
	[tilespmem:$0x1EB78] =	vst v63  }
0xde: {  	s19 =	smov.u32 s14  }
0xdf: {  	p5 =	sne.s32 s14, $0xFFFFFC00;
	s14 =	sadd.s32 $0x400, s14;
	_ =	swait.ge [sflag:s8], $0x3E80  }
0xe0: {  	s20 =	sshra.s32 s19, $0x2;
	[sflag:s8] =	ssyncset.done $0x0  }
0xe1: {  	s19 =	sadd.s32 $0x2D00, s20;
	[sflag:s8] =	ssyncadd.s32 $0xFFFFC180  }
0xe2: {  	[spmem:s3] =	stream.indirect.scatter.add.f32 [tilespmem:s30], [sflag:$0x6], $0x80, s19, s29, $0xb8;
	[tilespmem:$0x1EB78] =	vst v63  }
0xe3: {  	_ =	swait.ge [sflag:s26], $0x3E80  }
0xe4: {  	[sflag:s26] =	ssyncset.done $0x0  }
0xe5: {  	s22 =	sadd.s32 $0x1600, s20;
	[sflag:s26] =	ssyncadd.s32 $0xFFFFC180  }
0xe6: {  	[tilespmem:s30], [sflag:$0x1] =	stream.indirect.gather [hbm4b:s1+s29], $0x80, s22, s29, $0xb8;
	[tilespmem:$0x1EB78] =	vst v63  }
0xe7: {  	_ =	swait.ge [sflag:s15], $0x7D  }
0xe8: {  	[sflag:s15] =	ssyncset.done $0x0  }
0xe9: {  	[sflag:s15] =	ssyncadd.s32 $0xFFFFFF83  }
0xea: {  	[spmem:s4] =	stream.indirect.scatter.add.f32 [tilespmem:s25], [sflag:$0x3], $0x1, s19, s29, $0xb8;
	[tilespmem:$0x1EB78] =	vst v63  }
0xeb: {  	_ =	swait.ge [sflag:s11], $0x3E80  }
0xec: {  	[sflag:s11] =	ssyncset.done $0x0  }
0xed: {  	s19 =	sadd.s32 $0x2D80, s20;
	[sflag:s11] =	ssyncadd.s32 $0xFFFFC180  }
0xee: {  	[spmem:s3] =	stream.indirect.scatter.add.f32 [tilespmem:s2], [sflag:$0x6], $0x80, s19, s29, $0xb8;
	[tilespmem:$0x1EB78] =	vst v63  }
0xef: {  	_ =	swait.ge [sflag:s26], $0x3E80  }
0xf0: {  	[sflag:s26] =	ssyncset.done $0x0  }
.Ltmp1:
0xf1: {  	s20 =	sadd.s32 $0x1680, s20;
	[sflag:s26] =	ssyncadd.s32 $0xFFFFC180;
	(pc) =	sbr.rel @p5 .LBB2_4-.Ltmp1, $4  }
0xf2: {  	[tilespmem:s2], [sflag:$0x2] =	stream.indirect.gather [hbm4b:s1+s29], $0x80, s20, s29, $0xb8;
	[tilespmem:$0x1EB78] =	vst v63  }
0xf3: {  	_ =	swait.ge [sflag:s16], $0x7D  }
0xf4: {  	[sflag:s16] =	ssyncset.done $0x0  }
0xf5: {  	[sflag:s16] =	ssyncadd.s32 $0xFFFFFF83  }
0xf6: {  	[spmem:s4] =	stream.indirect.scatter.add.f32 [tilespmem:s25], [sflag:$0x4], $0x1, s19, s29, $0xb8;
	[tilespmem:$0x1EB78] =	vst v63  }
0xf7: {  	_ =	swait.ge [sflag:s28], $0xA00  }
0xf8: {  	[sflag:s28] =	ssyncset.done $0x0  }
0xf9: {  	[sflag:s28] =	ssyncadd.s32 $0xFFFFF600  }
0xfa: {  	_ =	swait.ge [sflag:s28], $0xA00  }
0xfb: {  	[sflag:s28] =	ssyncset.done $0x0  }
0xfc: {  	[sflag:s28] =	ssyncadd.s32 $0xFFFFF600  }
0xfd: {  	_ =	swait.ge [sflag:s8], $0x3E80  }
0xfe: {  	[sflag:s8] =	ssyncset.done $0x0  }
0xff: {  	[sflag:s8] =	ssyncadd.s32 $0xFFFFC180  }
0x100: {  	[spmem:s3] =	stream.indirect.scatter.add.f32 [tilespmem:s30], [sflag:$0x6], $0x80, s31, s29, $0xb8;
	[tilespmem:$0x1EB78] =	vst v63  }
0x101: {  	_ =	swait.ge [sflag:s26], $0x3E80  }
0x102: {  	[sflag:s26] =	ssyncset.done $0x0  }
0x103: {  	[sflag:s26] =	ssyncadd.s32 $0xFFFFC180  }
0x104: {  	[tilespmem:s30], [sflag:$0x1] =	stream.indirect.gather [hbm4b:s1+s29], $0x80, s5, s29, $0xb8;
	[tilespmem:$0x1EB78] =	vst v63  }
0x105: {  	_ =	swait.ge [sflag:s15], $0x7D  }
0x106: {  	[sflag:s15] =	ssyncset.done $0x0  }
0x107: {  	[sflag:s15] =	ssyncadd.s32 $0xFFFFFF83  }
0x108: {  	[spmem:s4] =	stream.indirect.scatter.add.f32 [tilespmem:s25], [sflag:$0x3], $0x1, s31, s29, $0xb8;
	[tilespmem:$0x1EB78] =	vst v63  }
0x109: {  	_ =	swait.ge [sflag:s11], $0x3E80  }
0x10a: {  	[sflag:s11] =	ssyncset.done $0x0  }
0x10b: {  	[sflag:s11] =	ssyncadd.s32 $0xFFFFC180  }
0x10c: {  	[spmem:s3] =	stream.indirect.scatter.add.f32 [tilespmem:s2], [sflag:$0x6], $0x80, s23, s29, $0xb8;
	[tilespmem:$0x1EB78] =	vst v63  }
0x10d: {  	_ =	swait.ge [sflag:s26], $0x3E80  }
0x10e: {  	[sflag:s26] =	ssyncset.done $0x0  }
0x10f: {  	[sflag:s26] =	ssyncadd.s32 $0xFFFFC180  }
0x110: {  	[tilespmem:s2], [sflag:$0x2] =	stream.indirect.gather [hbm4b:s1+s29], $0x80, s6, s29, $0xb8;
	[tilespmem:$0x1EB78] =	vst v63  }
0x111: {  	_ =	swait.ge [sflag:s16], $0x7D  }
0x112: {  	[sflag:s16] =	ssyncset.done $0x0  }
0x113: {  	[sflag:s16] =	ssyncadd.s32 $0xFFFFFF83  }
0x114: {  	[spmem:s4] =	stream.indirect.scatter.add.f32 [tilespmem:s25], [sflag:$0x4], $0x1, s23, s29, $0xb8;
	[tilespmem:$0x1EB78] =	vst v63  }
0x115: {  	_ =	swait.ge [sflag:s15], $0x7D  }
0x116: {  	[sflag:s15] =	ssyncset.done $0x0  }
0x117: {  	[sflag:s15] =	ssyncadd.s32 $0xFFFFFF83  }
0x118: {  	_ =	swait.ge [sflag:s16], $0x7D  }
0x119: {  	[sflag:s16] =	ssyncset.done $0x0  }
0x11a: {  	s22 =	simm.s32 $0xC00;
	s14 =	rddreg [dreg:$0xf];
	[sflag:s16] =	ssyncadd.s32 $0xFFFFFF83  }
0x11b: {  	[tilespmem:s22], [sflag:$0x5] =	stream.linear.gather [hbm4b:s14+s5], $0xA00, $0x38;
	[tilespmem:$0x1EB78] =	vst v63  }
0x11c: {  	s19 =	rddreg [dreg:$0x10]  }
0x11d: {  	[tilespmem:s7], [sflag:$0x5] =	stream.linear.gather [hbm4b:s19+s5], $0xA00, $0x38;
	[tilespmem:$0x1EB78] =	vst v63  }
0x11e: {  	_ =	swait.ge [sflag:s8], $0x3E80  }
0x11f: {  	[sflag:s8] =	ssyncset.done $0x0  }
0x120: {  	[sflag:s8] =	ssyncadd.s32 $0xFFFFC180  }
0x121: {  	[spmem:s3] =	stream.indirect.scatter.add.f32 [tilespmem:s30], [sflag:$0x6], $0x80, s24, s29, $0xb8;
	[tilespmem:$0x1EB78] =	vst v63  }
0x122: {  	_ =	swait.ge [sflag:s26], $0x3E80  }
0x123: {  	[sflag:s26] =	ssyncset.done $0x0  }
0x124: {  	s20 =	simm.s32 $0x100;
	[sflag:s26] =	ssyncadd.s32 $0xFFFFC180  }
0x125: {  	[tilespmem:s30], [sflag:$0x1] =	stream.indirect.gather [hbm4b:s1+s29], $0x80, s20, s29, $0xb8;
	[tilespmem:$0x1EB78] =	vst v63  }
0x126: {  	_ = 	snop  }
0x127: {  	[spmem:s4] =	stream.indirect.scatter.add.f32 [tilespmem:s25], [sflag:$0x3], $0x1, s24, s29, $0xb8;
	[tilespmem:$0x1EB78] =	vst v63  }
0x128: {  	_ =	swait.ge [sflag:s11], $0x3E80  }
0x129: {  	[sflag:s11] =	ssyncset.done $0x0  }
0x12a: {  	[sflag:s11] =	ssyncadd.s32 $0xFFFFC180  }
0x12b: {  	[spmem:s3] =	stream.indirect.scatter.add.f32 [tilespmem:s2], [sflag:$0x6], $0x80, s13, s29, $0xb8;
	[tilespmem:$0x1EB78] =	vst v63  }
0x12c: {  	_ =	swait.ge [sflag:s26], $0x3E80  }
0x12d: {  	[sflag:s26] =	ssyncset.done $0x0  }
0x12e: {  	s22 =	simm.s32 $0x180;
	[sflag:s26] =	ssyncadd.s32 $0xFFFFC180  }
0x12f: {  	[tilespmem:s2], [sflag:$0x2] =	stream.indirect.gather [hbm4b:s1+s29], $0x80, s22, s29, $0xb8;
	[tilespmem:$0x1EB78] =	vst v63  }
0x130: {  	_ = 	snop  }
0x131: {  	[spmem:s4] =	stream.indirect.scatter.add.f32 [tilespmem:s25], [sflag:$0x4], $0x1, s13, s29, $0xb8;
	[tilespmem:$0x1EB78] =	vst v63  }
0x132: {  	_ =	swait.ge [sflag:s8], $0x3E80  }
0x133: {  	[sflag:s8] =	ssyncset.done $0x0  }
0x134: {  	s6 =	simm.s32 $0x1900;
	[sflag:s8] =	ssyncadd.s32 $0xFFFFC180  }
0x135: {  	[spmem:s3] =	stream.indirect.scatter.add.f32 [tilespmem:s30], [sflag:$0x6], $0x80, s6, s29, $0xb8;
	[tilespmem:$0x1EB78] =	vst v63  }
0x136: {  	_ =	swait.ge [sflag:s26], $0x3E80  }
0x137: {  	[sflag:s26] =	ssyncset.done $0x0  }
0x138: {  	s20 =	simm.s32 $0x200;
	[sflag:s26] =	ssyncadd.s32 $0xFFFFC180  }
0x139: {  	[tilespmem:s30], [sflag:$0x1] =	stream.indirect.gather [hbm4b:s1+s29], $0x80, s20, s29, $0xb8;
	[tilespmem:$0x1EB78] =	vst v63  }
0x13a: {  	_ =	swait.ge [sflag:s15], $0x7D  }
0x13b: {  	[sflag:s15] =	ssyncset.done $0x0  }
0x13c: {  	[sflag:s15] =	ssyncadd.s32 $0xFFFFFF83  }
0x13d: {  	[spmem:s4] =	stream.indirect.scatter.add.f32 [tilespmem:s25], [sflag:$0x3], $0x1, s6, s29, $0xb8;
	[tilespmem:$0x1EB78] =	vst v63  }
0x13e: {  	_ =	swait.ge [sflag:s11], $0x3E80  }
0x13f: {  	[sflag:s11] =	ssyncset.done $0x0  }
0x140: {  	s19 =	simm.s32 $0x1980;
	[sflag:s11] =	ssyncadd.s32 $0xFFFFC180  }
0x141: {  	[spmem:s3] =	stream.indirect.scatter.add.f32 [tilespmem:s2], [sflag:$0x6], $0x80, s19, s29, $0xb8;
	[tilespmem:$0x1EB78] =	vst v63  }
0x142: {  	_ =	swait.ge [sflag:s26], $0x3E80  }
0x143: {  	[sflag:s26] =	ssyncset.done $0x0  }
0x144: {  	s22 =	simm.s32 $0x280;
	[sflag:s26] =	ssyncadd.s32 $0xFFFFC180  }
0x145: {  	[tilespmem:s2], [sflag:$0x2] =	stream.indirect.gather [hbm4b:s1+s29], $0x80, s22, s29, $0xb8;
	[tilespmem:$0x1EB78] =	vst v63  }
0x146: {  	_ =	swait.ge [sflag:s16], $0x7D  }
0x147: {  	[sflag:s16] =	ssyncset.done $0x0  }
0x148: {  	s14 =	simm.s32 $0xFFFFE400;
	[sflag:s16] =	ssyncadd.s32 $0xFFFFFF83  }
.LBB2_6:
0x149: {  	[spmem:s4] =	stream.indirect.scatter.add.f32 [tilespmem:s25], [sflag:$0x4], $0x1, s19, s29, $0xb8;
	[tilespmem:$0x1EB78] =	vst v63  }
0x14a: {  	s19 =	smov.u32 s14  }
0x14b: {  	p5 =	sne.s32 s14, $0xFFFFFC00;
	s14 =	sadd.s32 $0x400, s14;
	_ =	swait.ge [sflag:s8], $0x3E80  }
0x14c: {  	s20 =	sshra.s32 s19, $0x2;
	[sflag:s8] =	ssyncset.done $0x0  }
0x14d: {  	s19 =	sadd.s32 $0x2100, s20;
	[sflag:s8] =	ssyncadd.s32 $0xFFFFC180  }
0x14e: {  	[spmem:s3] =	stream.indirect.scatter.add.f32 [tilespmem:s30], [sflag:$0x6], $0x80, s19, s29, $0xb8;
	[tilespmem:$0x1EB78] =	vst v63  }
0x14f: {  	_ =	swait.ge [sflag:s26], $0x3E80  }
0x150: {  	[sflag:s26] =	ssyncset.done $0x0  }
0x151: {  	s22 =	sadd.s32 $0xA00, s20;
	[sflag:s26] =	ssyncadd.s32 $0xFFFFC180  }
0x152: {  	[tilespmem:s30], [sflag:$0x1] =	stream.indirect.gather [hbm4b:s1+s29], $0x80, s22, s29, $0xb8;
	[tilespmem:$0x1EB78] =	vst v63  }
0x153: {  	_ =	swait.ge [sflag:s15], $0x7D  }
0x154: {  	[sflag:s15] =	ssyncset.done $0x0  }
0x155: {  	[sflag:s15] =	ssyncadd.s32 $0xFFFFFF83  }
0x156: {  	[spmem:s4] =	stream.indirect.scatter.add.f32 [tilespmem:s25], [sflag:$0x3], $0x1, s19, s29, $0xb8;
	[tilespmem:$0x1EB78] =	vst v63  }
0x157: {  	_ =	swait.ge [sflag:s11], $0x3E80  }
0x158: {  	[sflag:s11] =	ssyncset.done $0x0  }
0x159: {  	s19 =	sadd.s32 $0x2180, s20;
	[sflag:s11] =	ssyncadd.s32 $0xFFFFC180  }
0x15a: {  	[spmem:s3] =	stream.indirect.scatter.add.f32 [tilespmem:s2], [sflag:$0x6], $0x80, s19, s29, $0xb8;
	[tilespmem:$0x1EB78] =	vst v63  }
0x15b: {  	_ =	swait.ge [sflag:s26], $0x3E80  }
0x15c: {  	[sflag:s26] =	ssyncset.done $0x0  }
.Ltmp2:
0x15d: {  	s20 =	sadd.s32 $0xA80, s20;
	[sflag:s26] =	ssyncadd.s32 $0xFFFFC180;
	(pc) =	sbr.rel @p5 .LBB2_6-.Ltmp2, $4  }
0x15e: {  	[tilespmem:s2], [sflag:$0x2] =	stream.indirect.gather [hbm4b:s1+s29], $0x80, s20, s29, $0xb8;
	[tilespmem:$0x1EB78] =	vst v63  }
0x15f: {  	_ =	swait.ge [sflag:s16], $0x7D  }
0x160: {  	[sflag:s16] =	ssyncset.done $0x0  }
0x161: {  	[sflag:s16] =	ssyncadd.s32 $0xFFFFFF83  }
0x162: {  	[spmem:s4] =	stream.indirect.scatter.add.f32 [tilespmem:s25], [sflag:$0x4], $0x1, s19, s29, $0xb8;
	[tilespmem:$0x1EB78] =	vst v63  }
0x163: {  	_ =	swait.ge [sflag:s28], $0xA00  }
0x164: {  	[sflag:s28] =	ssyncset.done $0x0  }
0x165: {  	[sflag:s28] =	ssyncadd.s32 $0xFFFFF600  }
0x166: {  	_ =	swait.ge [sflag:s28], $0xA00  }
0x167: {  	[sflag:s28] =	ssyncset.done $0x0  }
0x168: {  	[sflag:s28] =	ssyncadd.s32 $0xFFFFF600  }
0x169: {  	_ =	swait.ge [sflag:s8], $0x3E80  }
0x16a: {  	[sflag:s8] =	ssyncset.done $0x0  }
0x16b: {  	[sflag:s8] =	ssyncadd.s32 $0xFFFFC180  }
0x16c: {  	[spmem:s3] =	stream.indirect.scatter.add.f32 [tilespmem:s30], [sflag:$0x6], $0x80, s17, s29, $0xb8;
	[tilespmem:$0x1EB78] =	vst v63  }
0x16d: {  	_ =	swait.ge [sflag:s26], $0x3E80  }
0x16e: {  	[sflag:s26] =	ssyncset.done $0x0  }
0x16f: {  	s6 =	simm.s32 $0xC00;
	[sflag:s26] =	ssyncadd.s32 $0xFFFFC180  }
0x170: {  	[tilespmem:s30], [sflag:$0x1] =	stream.indirect.gather [hbm4b:s1+s29], $0x80, s6, s29, $0xb8;
	[tilespmem:$0x1EB78] =	vst v63  }
0x171: {  	_ =	swait.ge [sflag:s15], $0x7D  }
0x172: {  	[sflag:s15] =	ssyncset.done $0x0  }
0x173: {  	[sflag:s15] =	ssyncadd.s32 $0xFFFFFF83  }
0x174: {  	[spmem:s4] =	stream.indirect.scatter.add.f32 [tilespmem:s25], [sflag:$0x3], $0x1, s17, s29, $0xb8;
	[tilespmem:$0x1EB78] =	vst v63  }
0x175: {  	_ =	swait.ge [sflag:s11], $0x3E80  }
0x176: {  	[sflag:s11] =	ssyncset.done $0x0  }
0x177: {  	[sflag:s11] =	ssyncadd.s32 $0xFFFFC180  }
0x178: {  	[spmem:s3] =	stream.indirect.scatter.add.f32 [tilespmem:s2], [sflag:$0x6], $0x80, s18, s29, $0xb8;
	[tilespmem:$0x1EB78] =	vst v63  }
0x179: {  	_ =	swait.ge [sflag:s26], $0x3E80  }
0x17a: {  	[sflag:s26] =	ssyncset.done $0x0  }
0x17b: {  	s22 =	simm.s32 $0xC80;
	[sflag:s26] =	ssyncadd.s32 $0xFFFFC180  }
0x17c: {  	[tilespmem:s2], [sflag:$0x2] =	stream.indirect.gather [hbm4b:s1+s29], $0x80, s22, s29, $0xb8;
	[tilespmem:$0x1EB78] =	vst v63  }
0x17d: {  	_ =	swait.ge [sflag:s16], $0x7D  }
0x17e: {  	[sflag:s16] =	ssyncset.done $0x0  }
0x17f: {  	[sflag:s16] =	ssyncadd.s32 $0xFFFFFF83  }
0x180: {  	[spmem:s4] =	stream.indirect.scatter.add.f32 [tilespmem:s25], [sflag:$0x4], $0x1, s18, s29, $0xb8;
	[tilespmem:$0x1EB78] =	vst v63  }
0x181: {  	_ =	swait.ge [sflag:s15], $0x7D  }
0x182: {  	[sflag:s15] =	ssyncset.done $0x0  }
0x183: {  	[sflag:s15] =	ssyncadd.s32 $0xFFFFFF83  }
0x184: {  	_ =	swait.ge [sflag:s16], $0x7D  }
0x185: {  	[sflag:s16] =	ssyncset.done $0x0  }
0x186: {  	[sflag:s16] =	ssyncadd.s32 $0xFFFFFF83  }
0x187: {  	_ =	swait.ge [sflag:s8], $0x3E80  }
0x188: {  	[sflag:s8] =	ssyncset.done $0x0  }
0x189: {  	[sflag:s8] =	ssyncadd.s32 $0xFFFFC180  }
0x18a: {  	[spmem:s3] =	stream.indirect.scatter.add.f32 [tilespmem:s30], [sflag:$0x6], $0x80, s7, s29, $0xb8;
	[tilespmem:$0x1EB78] =	vst v63  }
0x18b: {  	_ =	swait.ge [sflag:s26], $0x3E80  }
0x18c: {  	[sflag:s26] =	ssyncset.done $0x0  }
0x18d: {  	s14 =	simm.s32 $0xD00;
	[sflag:s26] =	ssyncadd.s32 $0xFFFFC180  }
0x18e: {  	[tilespmem:s30], [sflag:$0x1] =	stream.indirect.gather [hbm4b:s1+s29], $0x80, s14, s29, $0xb8;
	[tilespmem:$0x1EB78] =	vst v63  }
0x18f: {  	_ = 	snop  }
0x190: {  	[spmem:s4] =	stream.indirect.scatter.add.f32 [tilespmem:s25], [sflag:$0x3], $0x1, s7, s29, $0xb8;
	[tilespmem:$0x1EB78] =	vst v63  }
0x191: {  	_ =	swait.ge [sflag:s11], $0x3E80  }
0x192: {  	[sflag:s11] =	ssyncset.done $0x0  }
0x193: {  	[sflag:s11] =	ssyncadd.s32 $0xFFFFC180  }
0x194: {  	[spmem:s3] =	stream.indirect.scatter.add.f32 [tilespmem:s2], [sflag:$0x6], $0x80, s21, s29, $0xb8;
	[tilespmem:$0x1EB78] =	vst v63  }
0x195: {  	_ =	swait.ge [sflag:s26], $0x3E80  }
0x196: {  	[sflag:s26] =	ssyncset.done $0x0  }
0x197: {  	s19 =	simm.s32 $0xD80;
	[sflag:s26] =	ssyncadd.s32 $0xFFFFC180  }
0x198: {  	[tilespmem:s2], [sflag:$0x2] =	stream.indirect.gather [hbm4b:s1+s29], $0x80, s19, s29, $0xb8;
	[tilespmem:$0x1EB78] =	vst v63  }
0x199: {  	_ = 	snop  }
0x19a: {  	[spmem:s4] =	stream.indirect.scatter.add.f32 [tilespmem:s25], [sflag:$0x4], $0x1, s21, s29, $0xb8;
	[tilespmem:$0x1EB78] =	vst v63  }
0x19b: {  	_ =	swait.ge [sflag:s8], $0x3E80  }
0x19c: {  	[sflag:s8] =	ssyncset.done $0x0  }
0x19d: {  	s14 =	simm.s32 $0x2500;
	[sflag:s8] =	ssyncadd.s32 $0xFFFFC180  }
0x19e: {  	[spmem:s3] =	stream.indirect.scatter.add.f32 [tilespmem:s30], [sflag:$0x6], $0x80, s14, s29, $0xb8;
	[tilespmem:$0x1EB78] =	vst v63  }
0x19f: {  	_ =	swait.ge [sflag:s26], $0x3E80  }
0x1a0: {  	[sflag:s26] =	ssyncset.done $0x0  }
0x1a1: {  	s20 =	simm.s32 $0xE00;
	[sflag:s26] =	ssyncadd.s32 $0xFFFFC180  }
0x1a2: {  	[tilespmem:s30], [sflag:$0x1] =	stream.indirect.gather [hbm4b:s1+s29], $0x80, s20, s29, $0xb8;
	[tilespmem:$0x1EB78] =	vst v63  }
0x1a3: {  	_ =	swait.ge [sflag:s15], $0x7D  }
0x1a4: {  	[sflag:s15] =	ssyncset.done $0x0  }
0x1a5: {  	[sflag:s15] =	ssyncadd.s32 $0xFFFFFF83  }
0x1a6: {  	[spmem:s4] =	stream.indirect.scatter.add.f32 [tilespmem:s25], [sflag:$0x3], $0x1, s14, s29, $0xb8;
	[tilespmem:$0x1EB78] =	vst v63  }
0x1a7: {  	_ =	swait.ge [sflag:s11], $0x3E80  }
0x1a8: {  	[sflag:s11] =	ssyncset.done $0x0  }
0x1a9: {  	s19 =	simm.s32 $0x2580;
	[sflag:s11] =	ssyncadd.s32 $0xFFFFC180  }
0x1aa: {  	[spmem:s3] =	stream.indirect.scatter.add.f32 [tilespmem:s2], [sflag:$0x6], $0x80, s19, s29, $0xb8;
	[tilespmem:$0x1EB78] =	vst v63  }
0x1ab: {  	_ =	swait.ge [sflag:s26], $0x3E80  }
0x1ac: {  	[sflag:s26] =	ssyncset.done $0x0  }
0x1ad: {  	s22 =	simm.s32 $0xE80;
	[sflag:s26] =	ssyncadd.s32 $0xFFFFC180  }
0x1ae: {  	[tilespmem:s2], [sflag:$0x2] =	stream.indirect.gather [hbm4b:s1+s29], $0x80, s22, s29, $0xb8;
	[tilespmem:$0x1EB78] =	vst v63  }
0x1af: {  	_ =	swait.ge [sflag:s16], $0x7D  }
0x1b0: {  	[sflag:s16] =	ssyncset.done $0x0  }
0x1b1: {  	s14 =	simm.s32 $0xFFFFE400;
	[sflag:s16] =	ssyncadd.s32 $0xFFFFFF83  }
.LBB2_8:
0x1b2: {  	[spmem:s4] =	stream.indirect.scatter.add.f32 [tilespmem:s25], [sflag:$0x4], $0x1, s19, s29, $0xb8;
	[tilespmem:$0x1EB78] =	vst v63  }
0x1b3: {  	s19 =	smov.u32 s14  }
0x1b4: {  	p5 =	sne.s32 s14, $0xFFFFFC00;
	s14 =	sadd.s32 $0x400, s14;
	_ =	swait.ge [sflag:s8], $0x3E80  }
0x1b5: {  	s20 =	sshra.s32 s19, $0x2;
	[sflag:s8] =	ssyncset.done $0x0  }
0x1b6: {  	s19 =	sadd.s32 $0x2D00, s20;
	[sflag:s8] =	ssyncadd.s32 $0xFFFFC180  }
0x1b7: {  	[spmem:s3] =	stream.indirect.scatter.add.f32 [tilespmem:s30], [sflag:$0x6], $0x80, s19, s29, $0xb8;
	[tilespmem:$0x1EB78] =	vst v63  }
0x1b8: {  	_ =	swait.ge [sflag:s26], $0x3E80  }
0x1b9: {  	[sflag:s26] =	ssyncset.done $0x0  }
0x1ba: {  	s22 =	sadd.s32 $0x1600, s20;
	[sflag:s26] =	ssyncadd.s32 $0xFFFFC180  }
0x1bb: {  	[tilespmem:s30], [sflag:$0x1] =	stream.indirect.gather [hbm4b:s1+s29], $0x80, s22, s29, $0xb8;
	[tilespmem:$0x1EB78] =	vst v63  }
0x1bc: {  	_ =	swait.ge [sflag:s15], $0x7D  }
0x1bd: {  	[sflag:s15] =	ssyncset.done $0x0  }
0x1be: {  	[sflag:s15] =	ssyncadd.s32 $0xFFFFFF83  }
0x1bf: {  	[spmem:s4] =	stream.indirect.scatter.add.f32 [tilespmem:s25], [sflag:$0x3], $0x1, s19, s29, $0xb8;
	[tilespmem:$0x1EB78] =	vst v63  }
0x1c0: {  	_ =	swait.ge [sflag:s11], $0x3E80  }
0x1c1: {  	[sflag:s11] =	ssyncset.done $0x0  }
0x1c2: {  	s19 =	sadd.s32 $0x2D80, s20;
	[sflag:s11] =	ssyncadd.s32 $0xFFFFC180  }
0x1c3: {  	[spmem:s3] =	stream.indirect.scatter.add.f32 [tilespmem:s2], [sflag:$0x6], $0x80, s19, s29, $0xb8;
	[tilespmem:$0x1EB78] =	vst v63  }
0x1c4: {  	_ =	swait.ge [sflag:s26], $0x3E80  }
0x1c5: {  	[sflag:s26] =	ssyncset.done $0x0  }
.Ltmp3:
0x1c6: {  	s20 =	sadd.s32 $0x1680, s20;
	[sflag:s26] =	ssyncadd.s32 $0xFFFFC180;
	(pc) =	sbr.rel @p5 .LBB2_8-.Ltmp3, $4  }
0x1c7: {  	[tilespmem:s2], [sflag:$0x2] =	stream.indirect.gather [hbm4b:s1+s29], $0x80, s20, s29, $0xb8;
	[tilespmem:$0x1EB78] =	vst v63  }
0x1c8: {  	_ =	swait.ge [sflag:s16], $0x7D  }
0x1c9: {  	[sflag:s16] =	ssyncset.done $0x0  }
0x1ca: {  	[sflag:s16] =	ssyncadd.s32 $0xFFFFFF83  }
0x1cb: {  	[spmem:s4] =	stream.indirect.scatter.add.f32 [tilespmem:s25], [sflag:$0x4], $0x1, s19, s29, $0xb8;
	[tilespmem:$0x1EB78] =	vst v63  }
0x1cc: {  	_ =	swait.ge [sflag:s8], $0x3E80  }
0x1cd: {  	[sflag:s8] =	ssyncset.done $0x0  }
0x1ce: {  	[sflag:s8] =	ssyncadd.s32 $0xFFFFC180  }
0x1cf: {  	[spmem:s3] =	stream.indirect.scatter.add.f32 [tilespmem:s30], [sflag:$0x6], $0x80, s31, s29, $0xb8;
	[tilespmem:$0x1EB78] =	vst v63  }
0x1d0: {  	_ =	swait.ge [sflag:s26], $0x3E80  }
0x1d1: {  	[sflag:s26] =	ssyncset.done $0x0  }
0x1d2: {  	[sflag:s26] =	ssyncadd.s32 $0xFFFFC180  }
0x1d3: {  	_ =	swait.ge [sflag:s15], $0x7D  }
0x1d4: {  	[sflag:s15] =	ssyncset.done $0x0  }
0x1d5: {  	[sflag:s15] =	ssyncadd.s32 $0xFFFFFF83  }
0x1d6: {  	[spmem:s4] =	stream.indirect.scatter.add.f32 [tilespmem:s25], [sflag:$0x3], $0x1, s31, s29, $0xb8;
	[tilespmem:$0x1EB78] =	vst v63  }
0x1d7: {  	_ =	swait.ge [sflag:s11], $0x3E80  }
0x1d8: {  	[sflag:s11] =	ssyncset.done $0x0  }
0x1d9: {  	[sflag:s11] =	ssyncadd.s32 $0xFFFFC180  }
0x1da: {  	[spmem:s3] =	stream.indirect.scatter.add.f32 [tilespmem:s2], [sflag:$0x6], $0x80, s23, s29, $0xb8;
	[tilespmem:$0x1EB78] =	vst v63  }
0x1db: {  	_ =	swait.ge [sflag:s26], $0x3E80  }
0x1dc: {  	[sflag:s26] =	ssyncset.done $0x0  }
0x1dd: {  	[sflag:s26] =	ssyncadd.s32 $0xFFFFC180  }
0x1de: {  	_ =	swait.ge [sflag:s16], $0x7D  }
0x1df: {  	[sflag:s16] =	ssyncset.done $0x0  }
0x1e0: {  	[sflag:s16] =	ssyncadd.s32 $0xFFFFFF83  }
0x1e1: {  	[spmem:s4] =	stream.indirect.scatter.add.f32 [tilespmem:s25], [sflag:$0x4], $0x1, s23, s29, $0xb8;
	[tilespmem:$0x1EB78] =	vst v63  }
0x1e2: {  	_ =	swait.ge [sflag:s15], $0x7D  }
0x1e3: {  	[sflag:s15] =	ssyncset.done $0x0  }
0x1e4: {  	[sflag:s15] =	ssyncadd.s32 $0xFFFFFF83  }
0x1e5: {  	_ =	swait.ge [sflag:s16], $0x7D  }
0x1e6: {  	[sflag:s16] =	ssyncset.done $0x0  }
0x1e7: {  	[sflag:s16] =	ssyncadd.s32 $0xFFFFFF83  }
0x1e8: {  	[bflag:$0x0] =	sbarrier.arrive $0xFFFF  }
0x1e9: {  	s14 =	sshrl.u32 @p3 s12, $0x3;
	s19 =	simm.s32 @p3 $0x1FC6;
	s20 =	rddreg [dreg:$0x12]  }
0x1ea: {  	[hbm:s20], [sflag:s19] =	dma.local @p3 [spmem:s14], $0x2080  }
0x1eb: {  	s14 =	simm.s32 @p3 $0x6  }
0x1ec: {  	s22 =	simm.s32 @p4 $0x20;
	_ =	swait.ge @p3 [sflag:s14], $0x2080  }
0x1ed: {  	s19 =	sshll.u32 @!p3 s0, $0x6;
	[sflag:s14] =	ssyncset.done @p3 $0x0;
	s20 =	rddreg [dreg:$0x11]  }
0x1ee: {  	[sflag:s14] =	ssyncadd.s32 @p3 $0xFFFFDF80;
	s14 =	sor.u32 @!p3 $0x1C06, s19;
	s19 =	sshrl.u32 @!p3 s10, $0x3  }
0x1ef: {  	[hbm:s20], [sflag:s14] =	dma.local @!p3 [spmem:s19], $0x2780  }
0x1f0: {  	s6 =	smov.u32 s12;
	s12 =	smov.u32 s10;
	s14 =	simm.s32 @!p3 $0x6  }
0x1f1: {  	s19 =	sshll.u32 @p4 s0, $0x6;
	s20 =	simm.s32 @p4 $0x1;
	_ =	swait.ge @!p3 [sflag:s14], $0x2780  }
0x1f2: {  	s0 =	simm.s32 @p4 $0x10;
	[sflag:s14] =	ssyncset.done @!p3 $0x0;
	s10 =	rddreg [dreg:$0x13]  }
0x1f3: {  	[sflag:s14] =	ssyncadd.s32 @!p3 $0xFFFFD880;
	s14 =	sor.u32 @p4 $0x1C06, s19;
	s19 =	sshrl.u32 @p4 s4, $0x3  }
0x1f4: {  	[hbm:s10@s22], [sflag:s14] =	dma.strided @p4 [spmem:s19@s0], $0x4F0, s20, $0x10   }
0x1f5: {  	s0 =	simm.s32 @p4 $0x6  }
0x1f6: {  	_ =	swait.ge @p4 [sflag:s0], $0x4F0  }
0x1f7: {  	s9 =	sadd.s32 $0x1, s9;
	s22 =	rddreg [dreg:$0x14]  }
0x1f8: {  	p5 =	sne.s32 s9, s22  }
.Ltmp4:
0x1f9: {  	_ = 	snop;
	(pc) =	sbr.rel @p5 .LBB2_1-.Ltmp4, $3  }
0x1fa: {  	_ =	sdelay $0x1  }
0x1fb: {  	s10 =	smov.u32 s12;
	s12 =	smov.u32 s6;
	[sflag:s0] =	ssyncset.done @p4 $0x0  }
0x1fc: {  	s6 =	simm.s32 $0x80;
	[sflag:s0] =	ssyncadd.s32 @p4 $0xFFFFFB10;
	s0 =	stileid.u32  }
0x1fd: {  	_ =	sfence.sel $0x180000  }
0x1fe: {  	[bflag:$0x0] =	sbarrier.arrive $0xFFFF  }
0x1ff: {  	_ =	strace $0x90000047  }
0x200: {  	[bflag:$0x2] =	sbarrier.arrive $0xFFFF  }
0x201: {  	p0 =	sne.s32 s0, $0x0;
	s0 =	rddreg [dreg:$0x4]  }
0x202: {  	s0 =	sadd.s32 @!p0 $0x100000, s0  }
0x203: {  	[sflag:s0] =	ssyncadd.tile.s32 @!p0 $0x1;
	_ =	shalt  }
.Lfunc_end2:
_tile_overlayer_lowered:
.L_overlay_start_2:
0x204: {  	(tag) =	ssettag $0x2  }
0x205: {  	s0 =	rddreg [dreg:$0x0];
	s2 =	stileid.u32  }
0x206: {  	s1 =	rddreg [dreg:$0x1];
	p0 =	sne.s32 s2, $0x0  }
0x207: {  	s3 =	rddreg [dreg:$0x2];
	[bflag:$0x3] =	sbarrier.arrive $0xFFFF;
	s2 =	simm.s32 @!p0 $0x1C06  }
0x208: {  	[timem:s3], [sflag:s2] =	dma.local @!p0 [hbm:s0], s1  }
0x209: {  	s0 =	simm.s32 @!p0 $0x6  }
0x20a: {  	_ =	swait.ge @!p0 [sflag:s0], s1  }
0x20b: {  	s1 =	ssub.s32 @!p0 $0x0, s1;
	[sflag:s0] =	ssyncset.done @!p0 $0x0  }
0x20c: {  	[sflag:s0] =	ssyncadd.s32 @!p0 s1  }
0x20d: {  	[bflag:$0x3] =	sbarrier.arrive $0xFFFF  }
0x20e: {  	_ =	shalt  }

</sc_bundles>
